<compile_context>
chip_gen: v7x
topology: tpu7x:2x2x1
jax: 0.10.2.dev20260603
libtpu: 0.0.44.dev20260713+nightly
codegen_flags: <defaults>
</compile_context>

<pallas_src>
import jax
import jax.numpy as jnp
from jax import lax
from jax.experimental import pallas as pl
from jax.experimental.pallas import tpu as pltpu
from jax.experimental.pallas import tpu_sc as plsc

N_MID = 100000
DIM = 64
B = 4096
SEQ = 50

NW = 32
BW = B // NW
NBUF = 5
AHEAD = 4

_mesh = plsc.VectorSubcoreMesh(core_axis_name="c", subcore_axis_name="s")


@pl.kernel(
    out_type=(
        jax.ShapeDtypeStruct((DIM // 8, NW, 8, BW), jnp.float32),
        jax.ShapeDtypeStruct((SEQ, DIM // 8, NW, 8, BW), jnp.float32),
    ),
    mesh=_mesh,
    scratch_types=[
        pltpu.VMEM((SEQ, BW), jnp.int32),
        pltpu.VMEM((SEQ, BW), jnp.float32),
        pltpu.VMEM((BW,), jnp.int32),
        pltpu.VMEM((NBUF, BW, DIM), jnp.float32),
        pltpu.VMEM((NBUF, DIM // 8, 8, BW + 1), jnp.float32),
        pltpu.VMEM((BW, DIM), jnp.float32),
        pltpu.VMEM((DIM // 8, 8, BW + 1), jnp.float32),
        pltpu.SemaphoreType.DMA((NBUF,)),
        pltpu.SemaphoreType.DMA((NBUF,)),
        pltpu.SemaphoreType.DMA,
        pltpu.SemaphoreType.DMA,
    ],
    compiler_params=pltpu.CompilerParams(
        use_tc_tiling_on_sc=False, needs_layout_passes=False
    ),
)
def _lookup(table, his_idx, tgt_idx, mask, out_tgt, out_his,
            idx_v, mask_v, tidx_v, gbuf, tbuf, tgbuf, ttbuf,
            gsem, ssem, tg, ts):
    wid = lax.axis_index("s") * 2 + lax.axis_index("c")
    col0 = wid * BW

    pltpu.sync_copy(his_idx.at[pl.ds(0, SEQ), pl.ds(col0, BW)], idx_v)
    pltpu.sync_copy(mask.at[pl.ds(0, SEQ), pl.ds(col0, BW)], mask_v)
    pltpu.sync_copy(tgt_idx.at[pl.ds(col0, BW)], tidx_v)

    tgt_gather = pltpu.make_async_copy(table.at[tidx_v], tgbuf, tg)
    tgt_gather.start()

    _rv = [lax.iota(jnp.int32, 16) + jnp.int32(16 * cc) for cc in range(4)]
    rowvecs = [(r >> 3, r & 7) for r in _rv]

    def gather_start(c, b):
        pltpu.make_async_copy(
            table.at[idx_v.at[c]], gbuf.at[b], gsem.at[b]
        ).start()

    def gather_wait(b):
        pltpu.make_async_copy(
            table.at[idx_v.at[0]], gbuf.at[b], gsem.at[b]
        ).wait()

    def scatter_start(c, b):
        pltpu.make_async_copy(
            tbuf.at[b, pl.ds(0, DIM // 8), pl.ds(0, 8), pl.ds(0, BW)],
            out_his.at[c, pl.ds(0, DIM // 8), wid, pl.ds(0, 8),
                       pl.ds(0, BW)],
            ssem.at[b],
        ).start()

    def scatter_wait(b):
        pltpu.make_async_copy(
            tbuf.at[b, pl.ds(0, DIM // 8), pl.ds(0, 8), pl.ds(0, BW)],
            out_his.at[0, pl.ds(0, DIM // 8), wid, pl.ds(0, 8),
                       pl.ds(0, BW)],
            ssem.at[b],
        ).wait()

    for b in range(AHEAD):
        gather_start(jnp.int32(b), b)

    tgt_gather.wait()

    @plsc.parallel_loop(0, BW, unroll=4)
    def t_body(i):
        ib = jnp.broadcast_to(i, (16,))
        for cc in range(4):
            v = tgbuf[i, pl.ds(16 * cc, 16)]
            plsc.store_scatter(ttbuf, [rowvecs[cc][0], rowvecs[cc][1], ib], v)
    pltpu.make_async_copy(
        ttbuf.at[pl.ds(0, DIM // 8), pl.ds(0, 8), pl.ds(0, BW)],
        out_tgt.at[pl.ds(0, DIM // 8), wid, pl.ds(0, 8), pl.ds(0, BW)],
        ts,
    ).start()

    def transpose_chunk(c, b):
        csplat = jnp.broadcast_to(c, (16,))

        @plsc.parallel_loop(0, BW, unroll=4)
        def body(i):
            ib = jnp.broadcast_to(i, (16,))
            m = plsc.load_gather(mask_v, [csplat, ib])
            for cc in range(4):
                v = gbuf[b, i, pl.ds(16 * cc, 16)]
                plsc.store_scatter(
                    tbuf.at[b], [rowvecs[cc][0], rowvecs[cc][1], ib], v * m
                )

    def step(c, b):
        nb = (b + AHEAD) % NBUF
        gather_wait(b)
        transpose_chunk(c, b)
        scatter_start(c, b)

        @pl.when(c + AHEAD < SEQ)
        def _():
            @pl.when(c >= 1)
            def _():
                scatter_wait(nb)

            gather_start(c + AHEAD, nb)

    def macro(j, carry):
        for b in range(NBUF):
            step(j * NBUF + b, b)
        return carry

    lax.fori_loop(0, SEQ // NBUF, macro, 0)
    for b in range(SEQ % NBUF):
        step(jnp.int32((SEQ // NBUF) * NBUF + b), b)

    for b in range(NBUF):
        scatter_wait(b)
    pltpu.make_async_copy(
        ttbuf.at[pl.ds(0, DIM // 8), pl.ds(0, 8), pl.ds(0, BW)],
        out_tgt.at[pl.ds(0, DIM // 8), wid, pl.ds(0, 8), pl.ds(0, BW)],
        ts,
    ).wait()


def kernel(mid_his_batch_ph, mid_batch_ph, mask, mid_embeddings_var):
    tgt_t, his_t = _lookup(
        mid_embeddings_var,
        mid_his_batch_ph.T,
        mid_batch_ph,
        mask.T,
    )
    item_eb = jnp.transpose(tgt_t, (1, 3, 0, 2)).reshape(B, DIM)
    item_his_eb = jnp.transpose(his_t, (2, 4, 0, 1, 3)).reshape(B, SEQ, DIM)
    return item_eb, item_his_eb

# --- scband reference (transcript-rebuilt; emitter-appended) ---
"""Pipeline reference for scband-model-dnn-75642964017511 (READ-ONLY COPY).

The authoritative reference and input builder live on the scoring server;
editing this copy changes nothing except your own understanding.
"""

import jax, jax.numpy as jnp
import numpy as np

N_MID = 100000
DIM = 64
B = 4096
SEQ = 50


def setup_inputs(seed: int = 0) -> dict:
    key = jax.random.key(seed)
    k1, k2, k3 = jax.random.split(key, 3)
    mid_his_batch_ph = jax.random.randint(k1, (B, SEQ), 0, N_MID, dtype=jnp.int32)
    mid_batch_ph = jax.random.randint(k2, (B,), 0, N_MID, dtype=jnp.int32)
    mask = jnp.ones((B, SEQ), dtype=jnp.float32)
    mid_embeddings_var = jax.random.normal(k3, (N_MID, DIM), dtype=jnp.float32) * 0.01
    return {
        "mid_his_batch_ph": mid_his_batch_ph,
        "mid_batch_ph": mid_batch_ph,
        "mask": mask,
        "mid_embeddings_var": mid_embeddings_var,
    }


def reference(mid_his_batch_ph, mid_batch_ph, mask, mid_embeddings_var):
    # Embedding_layer: tf.nn.embedding_lookup on target item and history items
    mid_batch_embedded = jnp.take(mid_embeddings_var, mid_batch_ph, axis=0)
    mid_his_batch_embedded = jnp.take(mid_embeddings_var, mid_his_batch_ph, axis=0)
    item_eb = mid_batch_embedded
    # item_his_eb = his_emb * reshape(mask, (-1, seq_len, 1))
    item_his_eb = mid_his_batch_embedded * mask.reshape(-1, SEQ, 1)
    return item_eb, item_his_eb

if __name__ == "__main__":
    import jax
    _d = setup_inputs()
    print(jax.jit(kernel)(*tuple(_d.values())))

</pallas_src>

<mosaic_0001>
#map = affine_map<(d0, d1) -> (0, 0)>
#map1 = affine_map<(d0, d1) -> (0)>
#map2 = affine_map<(d0, d1) -> (0, 0, 0, 0)>
#map3 = affine_map<(d0, d1) -> (0, 0, 0, 0, 0)>
module attributes {stable_mosaic.version = 14 : i64} {
  func.func @_lookup(%arg0: i32, %arg1: i32, %arg2: memref<100000x64xf32, #tpu.memory_space<hbm>>, %arg3: memref<50x4096xi32, #tpu.memory_space<hbm>>, %arg4: memref<4096xi32, #tpu.memory_space<hbm>>, %arg5: memref<50x4096xf32, #tpu.memory_space<hbm>>, %arg6: memref<8x32x8x128xf32, #tpu.memory_space<hbm>>, %arg7: memref<50x8x32x8x128xf32, #tpu.memory_space<hbm>>, %arg8: memref<50x128xi32, #tpu.memory_space<vmem>>, %arg9: memref<50x128xf32, #tpu.memory_space<vmem>>, %arg10: memref<128xi32, #tpu.memory_space<vmem>>, %arg11: memref<5x128x64xf32, #tpu.memory_space<vmem>>, %arg12: memref<5x8x8x129xf32, #tpu.memory_space<vmem>>, %arg13: memref<128x64xf32, #tpu.memory_space<vmem>>, %arg14: memref<8x8x129xf32, #tpu.memory_space<vmem>>, %arg15: memref<5x!tpu.dma_semaphore, #tpu.memory_space<semaphore_mem>>, %arg16: memref<5x!tpu.dma_semaphore, #tpu.memory_space<semaphore_mem>>, %arg17: memref<!tpu.dma_semaphore, #tpu.memory_space<semaphore_mem>>, %arg18: memref<!tpu.dma_semaphore, #tpu.memory_space<semaphore_mem>>) attributes {dimension_semantics = [#tpu.dimension_semantics<core_parallel>, #tpu.dimension_semantics<subcore_parallel>], iteration_bounds = array<i64: 2, 16>, scalar_prefetch = 0 : i64, scratch_operands = 11 : i64, tpu.core_type = #tpu.core_type<sc_vector_subcore>, window_params = [{transform_indices = #map}, {transform_indices = #map}, {transform_indices = #map1}, {transform_indices = #map}, {transform_indices = #map2}, {transform_indices = #map3}]} {
    %mul3A = arith.constant 2 : i32
    %mul3A_0 = arith.muli %arg1, %mul3A : i32
    %add3A = arith.addi %mul3A_0, %arg0 : i32
    %mul3A_1 = arith.constant 128 : i32
    %mul3A_2 = arith.muli %add3A, %mul3A_1 : i32
    "tpu.region"() ({
      %run_scoped3A = tpu.sem_alloc : memref<!tpu.dma_semaphore, #tpu.memory_space<semaphore_mem>>
      %dma_start3A_272 = arith.constant 0 : i32
      %dma_start3A_273 = tpu.memref_slice %arg3[%dma_start3A_272, %mul3A_2] : memref<50x4096xi32, #tpu.memory_space<hbm>> -> memref<50x128xi32, #tpu.memory_space<hbm>>
      %dma_start3A_274 = arith.constant 0 : i32
      %dma_start3A_275 = tpu.memref_slice %arg3[%dma_start3A_274, %mul3A_2] : memref<50x4096xi32, #tpu.memory_space<hbm>> -> memref<50x128xi32, #tpu.memory_space<hbm>>
      tpu.enqueue_dma source(%dma_start3A_275 : memref<50x128xi32, #tpu.memory_space<hbm>>) target(%arg8 : memref<50x128xi32, #tpu.memory_space<vmem>>) target_semaphore(%run_scoped3A : memref<!tpu.dma_semaphore, #tpu.memory_space<semaphore_mem>>)
      %dma_wait3A_276 = arith.constant 0 : i32
      %dma_wait3A_277 = tpu.memref_slice %arg3[%dma_wait3A_276, %mul3A_2] : memref<50x4096xi32, #tpu.memory_space<hbm>> -> memref<50x128xi32, #tpu.memory_space<hbm>>
      %dma_wait3A_278 = arith.constant 0 : i32
      %dma_wait3A_279 = tpu.memref_slice %arg3[%dma_wait3A_278, %mul3A_2] : memref<50x4096xi32, #tpu.memory_space<hbm>> -> memref<50x128xi32, #tpu.memory_space<hbm>>
      tpu.wait_dma2 semaphore(%run_scoped3A : memref<!tpu.dma_semaphore, #tpu.memory_space<semaphore_mem>>) src(%dma_wait3A_279 : memref<50x128xi32, #tpu.memory_space<hbm>>) dst(%arg8 : memref<50x128xi32, #tpu.memory_space<vmem>>)
      tpu.yield
    }) : () -> ()
    "tpu.region"() ({
      %run_scoped3A = tpu.sem_alloc : memref<!tpu.dma_semaphore, #tpu.memory_space<semaphore_mem>>
      %dma_start3A_272 = arith.constant 0 : i32
      %dma_start3A_273 = tpu.memref_slice %arg5[%dma_start3A_272, %mul3A_2] : memref<50x4096xf32, #tpu.memory_space<hbm>> -> memref<50x128xf32, #tpu.memory_space<hbm>>
      %dma_start3A_274 = arith.constant 0 : i32
      %dma_start3A_275 = tpu.memref_slice %arg5[%dma_start3A_274, %mul3A_2] : memref<50x4096xf32, #tpu.memory_space<hbm>> -> memref<50x128xf32, #tpu.memory_space<hbm>>
      tpu.enqueue_dma source(%dma_start3A_275 : memref<50x128xf32, #tpu.memory_space<hbm>>) target(%arg9 : memref<50x128xf32, #tpu.memory_space<vmem>>) target_semaphore(%run_scoped3A : memref<!tpu.dma_semaphore, #tpu.memory_space<semaphore_mem>>)
      %dma_wait3A_276 = arith.constant 0 : i32
      %dma_wait3A_277 = tpu.memref_slice %arg5[%dma_wait3A_276, %mul3A_2] : memref<50x4096xf32, #tpu.memory_space<hbm>> -> memref<50x128xf32, #tpu.memory_space<hbm>>
      %dma_wait3A_278 = arith.constant 0 : i32
      %dma_wait3A_279 = tpu.memref_slice %arg5[%dma_wait3A_278, %mul3A_2] : memref<50x4096xf32, #tpu.memory_space<hbm>> -> memref<50x128xf32, #tpu.memory_space<hbm>>
      tpu.wait_dma2 semaphore(%run_scoped3A : memref<!tpu.dma_semaphore, #tpu.memory_space<semaphore_mem>>) src(%dma_wait3A_279 : memref<50x128xf32, #tpu.memory_space<hbm>>) dst(%arg9 : memref<50x128xf32, #tpu.memory_space<vmem>>)
      tpu.yield
    }) : () -> ()
    "tpu.region"() ({
      %run_scoped3A = tpu.sem_alloc : memref<!tpu.dma_semaphore, #tpu.memory_space<semaphore_mem>>
      %dma_start3A_272 = tpu.memref_slice %arg4[%mul3A_2] : memref<4096xi32, #tpu.memory_space<hbm>> -> memref<128xi32, #tpu.memory_space<hbm>>
      %dma_start3A_273 = tpu.memref_slice %arg4[%mul3A_2] : memref<4096xi32, #tpu.memory_space<hbm>> -> memref<128xi32, #tpu.memory_space<hbm>>
      tpu.enqueue_dma source(%dma_start3A_273 : memref<128xi32, #tpu.memory_space<hbm>>) target(%arg10 : memref<128xi32, #tpu.memory_space<vmem>>) target_semaphore(%run_scoped3A : memref<!tpu.dma_semaphore, #tpu.memory_space<semaphore_mem>>)
      %dma_wait3A_274 = tpu.memref_slice %arg4[%mul3A_2] : memref<4096xi32, #tpu.memory_space<hbm>> -> memref<128xi32, #tpu.memory_space<hbm>>
      %dma_wait3A_275 = tpu.memref_slice %arg4[%mul3A_2] : memref<4096xi32, #tpu.memory_space<hbm>> -> memref<128xi32, #tpu.memory_space<hbm>>
      tpu.wait_dma2 semaphore(%run_scoped3A : memref<!tpu.dma_semaphore, #tpu.memory_space<semaphore_mem>>) src(%dma_wait3A_275 : memref<128xi32, #tpu.memory_space<hbm>>) dst(%arg10 : memref<128xi32, #tpu.memory_space<vmem>>)
      tpu.yield
    }) : () -> ()
    %dma_start3A = arith.constant 0 : i32
    %dma_start3A_3 = arith.constant 0 : i32
    %dma_start3A_4 = tpu.memref_slice %arg2[%dma_start3A, %dma_start3A_3] : memref<100000x64xf32, #tpu.memory_space<hbm>> -> memref<100000x64xf32, #tpu.memory_space<hbm>>
    tpu.enqueue_indirect_dma source(%dma_start3A_4 : memref<100000x64xf32, #tpu.memory_space<hbm>>) target(%arg13 : memref<128x64xf32, #tpu.memory_space<vmem>>) offsets(%arg10 : memref<128xi32, #tpu.memory_space<vmem>>) semaphore(%arg17 : memref<!tpu.dma_semaphore, #tpu.memory_space<semaphore_mem>>)
    %iota3A = tpu.iota {dimensions = array<i32: 0>} : vector<16xi32>
    %add3A_5 = arith.constant 0 : i32
    %add3A_6 = vector.broadcast %add3A_5 : i32 to vector<16xi32>
    %add3A_7 = arith.addi %iota3A, %add3A_6 : vector<16xi32>
    %iota3A_8 = tpu.iota {dimensions = array<i32: 0>} : vector<16xi32>
    %add3A_9 = arith.constant 16 : i32
    %add3A_10 = vector.broadcast %add3A_9 : i32 to vector<16xi32>
    %add3A_11 = arith.addi %iota3A_8, %add3A_10 : vector<16xi32>
    %iota3A_12 = tpu.iota {dimensions = array<i32: 0>} : vector<16xi32>
    %add3A_13 = arith.constant 32 : i32
    %add3A_14 = vector.broadcast %add3A_13 : i32 to vector<16xi32>
    %add3A_15 = arith.addi %iota3A_12, %add3A_14 : vector<16xi32>
    %iota3A_16 = tpu.iota {dimensions = array<i32: 0>} : vector<16xi32>
    %add3A_17 = arith.constant 48 : i32
    %add3A_18 = vector.broadcast %add3A_17 : i32 to vector<16xi32>
    %add3A_19 = arith.addi %iota3A_16, %add3A_18 : vector<16xi32>
    %shift_right_arithmetic3A = arith.constant 3 : i32
    %shift_right_arithmetic3A_20 = vector.broadcast %shift_right_arithmetic3A : i32 to vector<16xi32>
    %shift_right_arithmetic3A_21 = arith.shrsi %add3A_7, %shift_right_arithmetic3A_20 : vector<16xi32>
    %and3A = arith.constant 7 : i32
    %and3A_22 = vector.broadcast %and3A : i32 to vector<16xi32>
    %and3A_23 = arith.andi %add3A_7, %and3A_22 : vector<16xi32>
    %shift_right_arithmetic3A_24 = arith.constant 3 : i32
    %shift_right_arithmetic3A_25 = vector.broadcast %shift_right_arithmetic3A_24 : i32 to vector<16xi32>
    %shift_right_arithmetic3A_26 = arith.shrsi %add3A_11, %shift_right_arithmetic3A_25 : vector<16xi32>
    %and3A_27 = arith.constant 7 : i32
    %and3A_28 = vector.broadcast %and3A_27 : i32 to vector<16xi32>
    %and3A_29 = arith.andi %add3A_11, %and3A_28 : vector<16xi32>
    %shift_right_arithmetic3A_30 = arith.constant 3 : i32
    %shift_right_arithmetic3A_31 = vector.broadcast %shift_right_arithmetic3A_30 : i32 to vector<16xi32>
    %shift_right_arithmetic3A_32 = arith.shrsi %add3A_15, %shift_right_arithmetic3A_31 : vector<16xi32>
    %and3A_33 = arith.constant 7 : i32
    %and3A_34 = vector.broadcast %and3A_33 : i32 to vector<16xi32>
    %and3A_35 = arith.andi %add3A_15, %and3A_34 : vector<16xi32>
    %shift_right_arithmetic3A_36 = arith.constant 3 : i32
    %shift_right_arithmetic3A_37 = vector.broadcast %shift_right_arithmetic3A_36 : i32 to vector<16xi32>
    %shift_right_arithmetic3A_38 = arith.shrsi %add3A_19, %shift_right_arithmetic3A_37 : vector<16xi32>
    %and3A_39 = arith.constant 7 : i32
    %and3A_40 = vector.broadcast %and3A_39 : i32 to vector<16xi32>
    %and3A_41 = arith.andi %add3A_19, %and3A_40 : vector<16xi32>
    %dma_start3A_42 = arith.constant 0 : i32
    %dma_start3A_43 = arith.constant 0 : i32
    %dma_start3A_44 = arith.constant 0 : i32
    %dma_start3A_45 = arith.constant 0 : i32
    %dma_start3A_46 = arith.constant 0 : i32
    %dma_start3A_47 = tpu.memref_slice %arg11[%dma_start3A_43, %dma_start3A_45, %dma_start3A_46] : memref<5x128x64xf32, #tpu.memory_space<vmem>> -> memref<1x128x64xf32, #tpu.memory_space<vmem>>
    %dma_start3A_48 = tpu.memref_squeeze %dma_start3A_47 : memref<1x128x64xf32, #tpu.memory_space<vmem>> -> memref<128x64xf32, #tpu.memory_space<vmem>>
    %dma_start3A_49 = arith.constant 0 : i32
    %dma_start3A_50 = tpu.memref_slice %arg8[%dma_start3A_42, %dma_start3A_49] : memref<50x128xi32, #tpu.memory_space<vmem>> -> memref<1x128xi32, #tpu.memory_space<vmem>>
    %dma_start3A_51 = tpu.memref_squeeze %dma_start3A_50 : memref<1x128xi32, #tpu.memory_space<vmem>> -> memref<128xi32, #tpu.memory_space<vmem>>
    %dma_start3A_52 = arith.constant 0 : i32
    %dma_start3A_53 = arith.constant 0 : i32
    %dma_start3A_54 = tpu.memref_slice %arg2[%dma_start3A_52, %dma_start3A_53] : memref<100000x64xf32, #tpu.memory_space<hbm>> -> memref<100000x64xf32, #tpu.memory_space<hbm>>
    %dma_start3A_55 = tpu.memref_slice %arg15[%dma_start3A_44] : memref<5x!tpu.dma_semaphore, #tpu.memory_space<semaphore_mem>> -> memref<1x!tpu.dma_semaphore, #tpu.memory_space<semaphore_mem>>
    %dma_start3A_56 = tpu.memref_squeeze %dma_start3A_55 : memref<1x!tpu.dma_semaphore, #tpu.memory_space<semaphore_mem>> -> memref<!tpu.dma_semaphore, #tpu.memory_space<semaphore_mem>>
    tpu.enqueue_indirect_dma source(%dma_start3A_54 : memref<100000x64xf32, #tpu.memory_space<hbm>>) target(%dma_start3A_48 : memref<128x64xf32, #tpu.memory_space<vmem>>) offsets(%dma_start3A_51 : memref<128xi32, #tpu.memory_space<vmem>>) semaphore(%dma_start3A_56 : memref<!tpu.dma_semaphore, #tpu.memory_space<semaphore_mem>>)
    %dma_start3A_57 = arith.constant 1 : i32
    %dma_start3A_58 = arith.constant 1 : i32
    %dma_start3A_59 = arith.constant 1 : i32
    %dma_start3A_60 = arith.constant 0 : i32
    %dma_start3A_61 = arith.constant 0 : i32
    %dma_start3A_62 = tpu.memref_slice %arg11[%dma_start3A_58, %dma_start3A_60, %dma_start3A_61] : memref<5x128x64xf32, #tpu.memory_space<vmem>> -> memref<1x128x64xf32, #tpu.memory_space<vmem>>
    %dma_start3A_63 = tpu.memref_squeeze %dma_start3A_62 : memref<1x128x64xf32, #tpu.memory_space<vmem>> -> memref<128x64xf32, #tpu.memory_space<vmem>>
    %dma_start3A_64 = arith.constant 0 : i32
    %dma_start3A_65 = tpu.memref_slice %arg8[%dma_start3A_57, %dma_start3A_64] : memref<50x128xi32, #tpu.memory_space<vmem>> -> memref<1x128xi32, #tpu.memory_space<vmem>>
    %dma_start3A_66 = tpu.memref_squeeze %dma_start3A_65 : memref<1x128xi32, #tpu.memory_space<vmem>> -> memref<128xi32, #tpu.memory_space<vmem>>
    %dma_start3A_67 = arith.constant 0 : i32
    %dma_start3A_68 = arith.constant 0 : i32
    %dma_start3A_69 = tpu.memref_slice %arg2[%dma_start3A_67, %dma_start3A_68] : memref<100000x64xf32, #tpu.memory_space<hbm>> -> memref<100000x64xf32, #tpu.memory_space<hbm>>
    %dma_start3A_70 = tpu.memref_slice %arg15[%dma_start3A_59] : memref<5x!tpu.dma_semaphore, #tpu.memory_space<semaphore_mem>> -> memref<1x!tpu.dma_semaphore, #tpu.memory_space<semaphore_mem>>
    %dma_start3A_71 = tpu.memref_squeeze %dma_start3A_70 : memref<1x!tpu.dma_semaphore, #tpu.memory_space<semaphore_mem>> -> memref<!tpu.dma_semaphore, #tpu.memory_space<semaphore_mem>>
    tpu.enqueue_indirect_dma source(%dma_start3A_69 : memref<100000x64xf32, #tpu.memory_space<hbm>>) target(%dma_start3A_63 : memref<128x64xf32, #tpu.memory_space<vmem>>) offsets(%dma_start3A_66 : memref<128xi32, #tpu.memory_space<vmem>>) semaphore(%dma_start3A_71 : memref<!tpu.dma_semaphore, #tpu.memory_space<semaphore_mem>>)
    %dma_start3A_72 = arith.constant 2 : i32
    %dma_start3A_73 = arith.constant 2 : i32
    %dma_start3A_74 = arith.constant 2 : i32
    %dma_start3A_75 = arith.constant 0 : i32
    %dma_start3A_76 = arith.constant 0 : i32
    %dma_start3A_77 = tpu.memref_slice %arg11[%dma_start3A_73, %dma_start3A_75, %dma_start3A_76] : memref<5x128x64xf32, #tpu.memory_space<vmem>> -> memref<1x128x64xf32, #tpu.memory_space<vmem>>
    %dma_start3A_78 = tpu.memref_squeeze %dma_start3A_77 : memref<1x128x64xf32, #tpu.memory_space<vmem>> -> memref<128x64xf32, #tpu.memory_space<vmem>>
    %dma_start3A_79 = arith.constant 0 : i32
    %dma_start3A_80 = tpu.memref_slice %arg8[%dma_start3A_72, %dma_start3A_79] : memref<50x128xi32, #tpu.memory_space<vmem>> -> memref<1x128xi32, #tpu.memory_space<vmem>>
    %dma_start3A_81 = tpu.memref_squeeze %dma_start3A_80 : memref<1x128xi32, #tpu.memory_space<vmem>> -> memref<128xi32, #tpu.memory_space<vmem>>
    %dma_start3A_82 = arith.constant 0 : i32
    %dma_start3A_83 = arith.constant 0 : i32
    %dma_start3A_84 = tpu.memref_slice %arg2[%dma_start3A_82, %dma_start3A_83] : memref<100000x64xf32, #tpu.memory_space<hbm>> -> memref<100000x64xf32, #tpu.memory_space<hbm>>
    %dma_start3A_85 = tpu.memref_slice %arg15[%dma_start3A_74] : memref<5x!tpu.dma_semaphore, #tpu.memory_space<semaphore_mem>> -> memref<1x!tpu.dma_semaphore, #tpu.memory_space<semaphore_mem>>
    %dma_start3A_86 = tpu.memref_squeeze %dma_start3A_85 : memref<1x!tpu.dma_semaphore, #tpu.memory_space<semaphore_mem>> -> memref<!tpu.dma_semaphore, #tpu.memory_space<semaphore_mem>>
    tpu.enqueue_indirect_dma source(%dma_start3A_84 : memref<100000x64xf32, #tpu.memory_space<hbm>>) target(%dma_start3A_78 : memref<128x64xf32, #tpu.memory_space<vmem>>) offsets(%dma_start3A_81 : memref<128xi32, #tpu.memory_space<vmem>>) semaphore(%dma_start3A_86 : memref<!tpu.dma_semaphore, #tpu.memory_space<semaphore_mem>>)
    %dma_start3A_87 = arith.constant 3 : i32
    %dma_start3A_88 = arith.constant 3 : i32
    %dma_start3A_89 = arith.constant 3 : i32
    %dma_start3A_90 = arith.constant 0 : i32
    %dma_start3A_91 = arith.constant 0 : i32
    %dma_start3A_92 = tpu.memref_slice %arg11[%dma_start3A_88, %dma_start3A_90, %dma_start3A_91] : memref<5x128x64xf32, #tpu.memory_space<vmem>> -> memref<1x128x64xf32, #tpu.memory_space<vmem>>
    %dma_start3A_93 = tpu.memref_squeeze %dma_start3A_92 : memref<1x128x64xf32, #tpu.memory_space<vmem>> -> memref<128x64xf32, #tpu.memory_space<vmem>>
    %dma_start3A_94 = arith.constant 0 : i32
    %dma_start3A_95 = tpu.memref_slice %arg8[%dma_start3A_87, %dma_start3A_94] : memref<50x128xi32, #tpu.memory_space<vmem>> -> memref<1x128xi32, #tpu.memory_space<vmem>>
    %dma_start3A_96 = tpu.memref_squeeze %dma_start3A_95 : memref<1x128xi32, #tpu.memory_space<vmem>> -> memref<128xi32, #tpu.memory_space<vmem>>
    %dma_start3A_97 = arith.constant 0 : i32
    %dma_start3A_98 = arith.constant 0 : i32
    %dma_start3A_99 = tpu.memref_slice %arg2[%dma_start3A_97, %dma_start3A_98] : memref<100000x64xf32, #tpu.memory_space<hbm>> -> memref<100000x64xf32, #tpu.memory_space<hbm>>
    %dma_start3A_100 = tpu.memref_slice %arg15[%dma_start3A_89] : memref<5x!tpu.dma_semaphore, #tpu.memory_space<semaphore_mem>> -> memref<1x!tpu.dma_semaphore, #tpu.memory_space<semaphore_mem>>
    %dma_start3A_101 = tpu.memref_squeeze %dma_start3A_100 : memref<1x!tpu.dma_semaphore, #tpu.memory_space<semaphore_mem>> -> memref<!tpu.dma_semaphore, #tpu.memory_space<semaphore_mem>>
    tpu.enqueue_indirect_dma source(%dma_start3A_99 : memref<100000x64xf32, #tpu.memory_space<hbm>>) target(%dma_start3A_93 : memref<128x64xf32, #tpu.memory_space<vmem>>) offsets(%dma_start3A_96 : memref<128xi32, #tpu.memory_space<vmem>>) semaphore(%dma_start3A_101 : memref<!tpu.dma_semaphore, #tpu.memory_space<semaphore_mem>>)
    %dma_wait3A = arith.constant 0 : i32
    %dma_wait3A_102 = arith.constant 0 : i32
    %dma_wait3A_103 = tpu.memref_slice %arg2[%dma_wait3A, %dma_wait3A_102] : memref<100000x64xf32, #tpu.memory_space<hbm>> -> memref<100000x64xf32, #tpu.memory_space<hbm>>
    tpu.wait_indirect_dma semaphore(%arg17 : memref<!tpu.dma_semaphore, #tpu.memory_space<semaphore_mem>>) src(%dma_wait3A_103 : memref<100000x64xf32, #tpu.memory_space<hbm>>) dst(%arg13 : memref<128x64xf32, #tpu.memory_space<vmem>>)
    %parallel_loop3A = arith.constant 0 : i32
    %parallel_loop3A_104 = arith.constant 128 : i32
    %parallel_loop3A_105 = arith.constant 1 : i32
    scf.for %parallel_loop3A_272 = %parallel_loop3A to %parallel_loop3A_104 step %parallel_loop3A_105  : i32 {
      %parallel_loop3A_273 = vector.broadcast %parallel_loop3A_272 : i32 to vector<16xi32>
      %parallel_loop3A_274 = arith.index_cast %parallel_loop3A_272 : i32 to index
      %parallel_loop3A_275 = arith.constant 0 : index
      %parallel_loop3A_276 = tpu.vector_load %arg13[%parallel_loop3A_274, %parallel_loop3A_275] {strides = array<i32>} : memref<128x64xf32, #tpu.memory_space<vmem>>, vector<16xf32>,
      tpu.vector_store_idx %arg14[%shift_right_arithmetic3A_21, %and3A_23, %parallel_loop3A_273], %parallel_loop3A_276 : memref<8x8x129xf32, #tpu.memory_space<vmem>>[vector<16xi32>, vector<16xi32>, vector<16xi32>], vector<16xf32>,
      %parallel_loop3A_277 = arith.index_cast %parallel_loop3A_272 : i32 to index
      %parallel_loop3A_278 = arith.constant 16 : index
      %parallel_loop3A_279 = tpu.vector_load %arg13[%parallel_loop3A_277, %parallel_loop3A_278] {strides = array<i32>} : memref<128x64xf32, #tpu.memory_space<vmem>>, vector<16xf32>,
      tpu.vector_store_idx %arg14[%shift_right_arithmetic3A_26, %and3A_29, %parallel_loop3A_273], %parallel_loop3A_279 : memref<8x8x129xf32, #tpu.memory_space<vmem>>[vector<16xi32>, vector<16xi32>, vector<16xi32>], vector<16xf32>,
      %parallel_loop3A_280 = arith.index_cast %parallel_loop3A_272 : i32 to index
      %parallel_loop3A_281 = arith.constant 32 : index
      %parallel_loop3A_282 = tpu.vector_load %arg13[%parallel_loop3A_280, %parallel_loop3A_281] {strides = array<i32>} : memref<128x64xf32, #tpu.memory_space<vmem>>, vector<16xf32>,
      tpu.vector_store_idx %arg14[%shift_right_arithmetic3A_32, %and3A_35, %parallel_loop3A_273], %parallel_loop3A_282 : memref<8x8x129xf32, #tpu.memory_space<vmem>>[vector<16xi32>, vector<16xi32>, vector<16xi32>], vector<16xf32>,
      %parallel_loop3A_283 = arith.index_cast %parallel_loop3A_272 : i32 to index
      %parallel_loop3A_284 = arith.constant 48 : index
      %parallel_loop3A_285 = tpu.vector_load %arg13[%parallel_loop3A_283, %parallel_loop3A_284] {strides = array<i32>} : memref<128x64xf32, #tpu.memory_space<vmem>>, vector<16xf32>,
      tpu.vector_store_idx %arg14[%shift_right_arithmetic3A_38, %and3A_41, %parallel_loop3A_273], %parallel_loop3A_285 : memref<8x8x129xf32, #tpu.memory_space<vmem>>[vector<16xi32>, vector<16xi32>, vector<16xi32>], vector<16xf32>,
    } {sc.loop_unroll_factor = 4 : i64, sc.parallel_access}
    %dma_start3A_106 = arith.constant 0 : i32
    %dma_start3A_107 = arith.constant 0 : i32
    %dma_start3A_108 = arith.constant 0 : i32
    %dma_start3A_109 = tpu.memref_slice %arg14[%dma_start3A_106, %dma_start3A_107, %dma_start3A_108] : memref<8x8x129xf32, #tpu.memory_space<vmem>> -> memref<8x8x128xf32, #tpu.memory_space<vmem>>
    %dma_start3A_110 = arith.constant 0 : i32
    %dma_start3A_111 = arith.constant 0 : i32
    %dma_start3A_112 = arith.constant 0 : i32
    %dma_start3A_113 = tpu.memref_slice %arg6[%dma_start3A_110, %add3A, %dma_start3A_111, %dma_start3A_112] : memref<8x32x8x128xf32, #tpu.memory_space<hbm>> -> memref<8x1x8x128xf32, #tpu.memory_space<hbm>>
    %dma_start3A_114 = tpu.memref_squeeze %dma_start3A_113 : memref<8x1x8x128xf32, #tpu.memory_space<hbm>> -> memref<8x8x128xf32, #tpu.memory_space<hbm>>
    %dma_start3A_115 = arith.constant 0 : i32
    %dma_start3A_116 = arith.constant 0 : i32
    %dma_start3A_117 = arith.constant 0 : i32
    %dma_start3A_118 = tpu.memref_slice %arg6[%dma_start3A_115, %add3A, %dma_start3A_116, %dma_start3A_117] : memref<8x32x8x128xf32, #tpu.memory_space<hbm>> -> memref<8x1x8x128xf32, #tpu.memory_space<hbm>>
    %dma_start3A_119 = tpu.memref_squeeze %dma_start3A_118 : memref<8x1x8x128xf32, #tpu.memory_space<hbm>> -> memref<8x8x128xf32, #tpu.memory_space<hbm>>
    %dma_start3A_120 = arith.constant 0 : i32
    %dma_start3A_121 = arith.constant 0 : i32
    %dma_start3A_122 = arith.constant 0 : i32
    %dma_start3A_123 = tpu.memref_slice %arg14[%dma_start3A_120, %dma_start3A_121, %dma_start3A_122] : memref<8x8x129xf32, #tpu.memory_space<vmem>> -> memref<8x8x128xf32, #tpu.memory_space<vmem>>
    tpu.enqueue_dma source(%dma_start3A_123 : memref<8x8x128xf32, #tpu.memory_space<vmem>>) target(%dma_start3A_119 : memref<8x8x128xf32, #tpu.memory_space<hbm>>) target_semaphore(%arg18 : memref<!tpu.dma_semaphore, #tpu.memory_space<semaphore_mem>>)
    %scan3A = arith.constant 0 : i32
    %scan3A_124 = arith.constant 0 : i32
    %scan3A_125 = arith.constant 10 : i32
    %scan3A_126 = arith.addi %scan3A_124, %scan3A_125 : i32
    %scan3A_127 = arith.constant 1 : i32
    scf.for %scan3A_272 = %scan3A_124 to %scan3A_126 step %scan3A_127  : i32 {
      %mul3A_273 = arith.constant 5 : i32
      %mul3A_274 = arith.muli %scan3A_272, %mul3A_273 : i32
      %add3A_275 = arith.constant 0 : i32
      %add3A_276 = arith.addi %mul3A_274, %add3A_275 : i32
      %dma_wait3A_277 = arith.constant 0 : i32
      %dma_wait3A_278 = arith.constant 0 : i32
      %dma_wait3A_279 = arith.constant 0 : i32
      %dma_wait3A_280 = arith.constant 0 : i32
      %dma_wait3A_281 = arith.constant 0 : i32
      %dma_wait3A_282 = tpu.memref_slice %arg11[%dma_wait3A_278, %dma_wait3A_280, %dma_wait3A_281] : memref<5x128x64xf32, #tpu.memory_space<vmem>> -> memref<1x128x64xf32, #tpu.memory_space<vmem>>
      %dma_wait3A_283 = tpu.memref_squeeze %dma_wait3A_282 : memref<1x128x64xf32, #tpu.memory_space<vmem>> -> memref<128x64xf32, #tpu.memory_space<vmem>>
      %dma_wait3A_284 = arith.constant 0 : i32
      %dma_wait3A_285 = tpu.memref_slice %arg8[%dma_wait3A_277, %dma_wait3A_284] : memref<50x128xi32, #tpu.memory_space<vmem>> -> memref<1x128xi32, #tpu.memory_space<vmem>>
      %dma_wait3A_286 = tpu.memref_squeeze %dma_wait3A_285 : memref<1x128xi32, #tpu.memory_space<vmem>> -> memref<128xi32, #tpu.memory_space<vmem>>
      %dma_wait3A_287 = arith.constant 0 : i32
      %dma_wait3A_288 = arith.constant 0 : i32
      %dma_wait3A_289 = tpu.memref_slice %arg2[%dma_wait3A_287, %dma_wait3A_288] : memref<100000x64xf32, #tpu.memory_space<hbm>> -> memref<100000x64xf32, #tpu.memory_space<hbm>>
      %dma_wait3A_290 = tpu.memref_slice %arg15[%dma_wait3A_279] : memref<5x!tpu.dma_semaphore, #tpu.memory_space<semaphore_mem>> -> memref<1x!tpu.dma_semaphore, #tpu.memory_space<semaphore_mem>>
      %dma_wait3A_291 = tpu.memref_squeeze %dma_wait3A_290 : memref<1x!tpu.dma_semaphore, #tpu.memory_space<semaphore_mem>> -> memref<!tpu.dma_semaphore, #tpu.memory_space<semaphore_mem>>
      tpu.wait_indirect_dma semaphore(%dma_wait3A_291 : memref<!tpu.dma_semaphore, #tpu.memory_space<semaphore_mem>>) src(%dma_wait3A_289 : memref<100000x64xf32, #tpu.memory_space<hbm>>) dst(%dma_wait3A_283 : memref<128x64xf32, #tpu.memory_space<vmem>>)
      %broadcast_in_dim3A = vector.broadcast %add3A_276 : i32 to vector<16xi32>
      %parallel_loop3A_292 = arith.constant 0 : i32
      %parallel_loop3A_293 = arith.constant 128 : i32
      %parallel_loop3A_294 = arith.constant 1 : i32
      scf.for %parallel_loop3A_539 = %parallel_loop3A_292 to %parallel_loop3A_293 step %parallel_loop3A_294  : i32 {
        %parallel_loop3A_540 = vector.broadcast %parallel_loop3A_539 : i32 to vector<16xi32>
        %parallel_loop3A_541 = tpu.vector_load_idx %arg9[%broadcast_in_dim3A, %parallel_loop3A_540] : memref<50x128xf32, #tpu.memory_space<vmem>>[vector<16xi32>, vector<16xi32>], vector<16xf32>,
        %parallel_loop3A_542 = arith.constant 0 : i32
        %parallel_loop3A_543 = arith.index_cast %parallel_loop3A_542 : i32 to index
        %parallel_loop3A_544 = arith.index_cast %parallel_loop3A_539 : i32 to index
        %parallel_loop3A_545 = arith.constant 0 : index
        %parallel_loop3A_546 = tpu.vector_load %arg11[%parallel_loop3A_543, %parallel_loop3A_544, %parallel_loop3A_545] {strides = array<i32>} : memref<5x128x64xf32, #tpu.memory_space<vmem>>, vector<16xf32>,
        %parallel_loop3A_547 = arith.mulf %parallel_loop3A_546, %parallel_loop3A_541 : vector<16xf32>
        %parallel_loop3A_548 = arith.constant 0 : i32
        %parallel_loop3A_549 = arith.constant 0 : i32
        %parallel_loop3A_550 = arith.constant 0 : i32
        %parallel_loop3A_551 = arith.constant 0 : i32
        %parallel_loop3A_552 = tpu.memref_slice %arg12[%parallel_loop3A_548, %parallel_loop3A_549, %parallel_loop3A_550, %parallel_loop3A_551] : memref<5x8x8x129xf32, #tpu.memory_space<vmem>> -> memref<1x8x8x129xf32, #tpu.memory_space<vmem>>
        %parallel_loop3A_553 = tpu.memref_squeeze %parallel_loop3A_552 : memref<1x8x8x129xf32, #tpu.memory_space<vmem>> -> memref<8x8x129xf32, #tpu.memory_space<vmem>>
        tpu.vector_store_idx %parallel_loop3A_553[%shift_right_arithmetic3A_21, %and3A_23, %parallel_loop3A_540], %parallel_loop3A_547 : memref<8x8x129xf32, #tpu.memory_space<vmem>>[vector<16xi32>, vector<16xi32>, vector<16xi32>], vector<16xf32>,
        %parallel_loop3A_554 = arith.constant 0 : i32
        %parallel_loop3A_555 = arith.index_cast %parallel_loop3A_554 : i32 to index
        %parallel_loop3A_556 = arith.index_cast %parallel_loop3A_539 : i32 to index
        %parallel_loop3A_557 = arith.constant 16 : index
        %parallel_loop3A_558 = tpu.vector_load %arg11[%parallel_loop3A_555, %parallel_loop3A_556, %parallel_loop3A_557] {strides = array<i32>} : memref<5x128x64xf32, #tpu.memory_space<vmem>>, vector<16xf32>,
        %parallel_loop3A_559 = arith.mulf %parallel_loop3A_558, %parallel_loop3A_541 : vector<16xf32>
        %parallel_loop3A_560 = arith.constant 0 : i32
        %parallel_loop3A_561 = arith.constant 0 : i32
        %parallel_loop3A_562 = arith.constant 0 : i32
        %parallel_loop3A_563 = arith.constant 0 : i32
        %parallel_loop3A_564 = tpu.memref_slice %arg12[%parallel_loop3A_560, %parallel_loop3A_561, %parallel_loop3A_562, %parallel_loop3A_563] : memref<5x8x8x129xf32, #tpu.memory_space<vmem>> -> memref<1x8x8x129xf32, #tpu.memory_space<vmem>>
        %parallel_loop3A_565 = tpu.memref_squeeze %parallel_loop3A_564 : memref<1x8x8x129xf32, #tpu.memory_space<vmem>> -> memref<8x8x129xf32, #tpu.memory_space<vmem>>
        tpu.vector_store_idx %parallel_loop3A_565[%shift_right_arithmetic3A_26, %and3A_29, %parallel_loop3A_540], %parallel_loop3A_559 : memref<8x8x129xf32, #tpu.memory_space<vmem>>[vector<16xi32>, vector<16xi32>, vector<16xi32>], vector<16xf32>,
        %parallel_loop3A_566 = arith.constant 0 : i32
        %parallel_loop3A_567 = arith.index_cast %parallel_loop3A_566 : i32 to index
        %parallel_loop3A_568 = arith.index_cast %parallel_loop3A_539 : i32 to index
        %parallel_loop3A_569 = arith.constant 32 : index
        %parallel_loop3A_570 = tpu.vector_load %arg11[%parallel_loop3A_567, %parallel_loop3A_568, %parallel_loop3A_569] {strides = array<i32>} : memref<5x128x64xf32, #tpu.memory_space<vmem>>, vector<16xf32>,
        %parallel_loop3A_571 = arith.mulf %parallel_loop3A_570, %parallel_loop3A_541 : vector<16xf32>
        %parallel_loop3A_572 = arith.constant 0 : i32
        %parallel_loop3A_573 = arith.constant 0 : i32
        %parallel_loop3A_574 = arith.constant 0 : i32
        %parallel_loop3A_575 = arith.constant 0 : i32
        %parallel_loop3A_576 = tpu.memref_slice %arg12[%parallel_loop3A_572, %parallel_loop3A_573, %parallel_loop3A_574, %parallel_loop3A_575] : memref<5x8x8x129xf32, #tpu.memory_space<vmem>> -> memref<1x8x8x129xf32, #tpu.memory_space<vmem>>
        %parallel_loop3A_577 = tpu.memref_squeeze %parallel_loop3A_576 : memref<1x8x8x129xf32, #tpu.memory_space<vmem>> -> memref<8x8x129xf32, #tpu.memory_space<vmem>>
        tpu.vector_store_idx %parallel_loop3A_577[%shift_right_arithmetic3A_32, %and3A_35, %parallel_loop3A_540], %parallel_loop3A_571 : memref<8x8x129xf32, #tpu.memory_space<vmem>>[vector<16xi32>, vector<16xi32>, vector<16xi32>], vector<16xf32>,
        %parallel_loop3A_578 = arith.constant 0 : i32
        %parallel_loop3A_579 = arith.index_cast %parallel_loop3A_578 : i32 to index
        %parallel_loop3A_580 = arith.index_cast %parallel_loop3A_539 : i32 to index
        %parallel_loop3A_581 = arith.constant 48 : index
        %parallel_loop3A_582 = tpu.vector_load %arg11[%parallel_loop3A_579, %parallel_loop3A_580, %parallel_loop3A_581] {strides = array<i32>} : memref<5x128x64xf32, #tpu.memory_space<vmem>>, vector<16xf32>,
        %parallel_loop3A_583 = arith.mulf %parallel_loop3A_582, %parallel_loop3A_541 : vector<16xf32>
        %parallel_loop3A_584 = arith.constant 0 : i32
        %parallel_loop3A_585 = arith.constant 0 : i32
        %parallel_loop3A_586 = arith.constant 0 : i32
        %parallel_loop3A_587 = arith.constant 0 : i32
        %parallel_loop3A_588 = tpu.memref_slice %arg12[%parallel_loop3A_584, %parallel_loop3A_585, %parallel_loop3A_586, %parallel_loop3A_587] : memref<5x8x8x129xf32, #tpu.memory_space<vmem>> -> memref<1x8x8x129xf32, #tpu.memory_space<vmem>>
        %parallel_loop3A_589 = tpu.memref_squeeze %parallel_loop3A_588 : memref<1x8x8x129xf32, #tpu.memory_space<vmem>> -> memref<8x8x129xf32, #tpu.memory_space<vmem>>
        tpu.vector_store_idx %parallel_loop3A_589[%shift_right_arithmetic3A_38, %and3A_41, %parallel_loop3A_540], %parallel_loop3A_583 : memref<8x8x129xf32, #tpu.memory_space<vmem>>[vector<16xi32>, vector<16xi32>, vector<16xi32>], vector<16xf32>,
      } {sc.loop_unroll_factor = 4 : i64, sc.parallel_access}
      %dma_start3A_295 = arith.constant 0 : i32
      %dma_start3A_296 = arith.constant 0 : i32
      %dma_start3A_297 = arith.constant 0 : i32
      %dma_start3A_298 = arith.constant 0 : i32
      %dma_start3A_299 = arith.constant 0 : i32
      %dma_start3A_300 = tpu.memref_slice %arg12[%dma_start3A_295, %dma_start3A_297, %dma_start3A_298, %dma_start3A_299] : memref<5x8x8x129xf32, #tpu.memory_space<vmem>> -> memref<1x8x8x128xf32, #tpu.memory_space<vmem>>
      %dma_start3A_301 = tpu.memref_squeeze %dma_start3A_300 : memref<1x8x8x128xf32, #tpu.memory_space<vmem>> -> memref<8x8x128xf32, #tpu.memory_space<vmem>>
      %dma_start3A_302 = arith.constant 0 : i32
      %dma_start3A_303 = arith.constant 0 : i32
      %dma_start3A_304 = arith.constant 0 : i32
      %dma_start3A_305 = tpu.memref_slice %arg7[%add3A_276, %dma_start3A_302, %add3A, %dma_start3A_303, %dma_start3A_304] : memref<50x8x32x8x128xf32, #tpu.memory_space<hbm>> -> memref<1x8x1x8x128xf32, #tpu.memory_space<hbm>>
      %dma_start3A_306 = tpu.memref_squeeze %dma_start3A_305 : memref<1x8x1x8x128xf32, #tpu.memory_space<hbm>> -> memref<8x8x128xf32, #tpu.memory_space<hbm>>
      %dma_start3A_307 = tpu.memref_slice %arg16[%dma_start3A_296] : memref<5x!tpu.dma_semaphore, #tpu.memory_space<semaphore_mem>> -> memref<1x!tpu.dma_semaphore, #tpu.memory_space<semaphore_mem>>
      %dma_start3A_308 = tpu.memref_squeeze %dma_start3A_307 : memref<1x!tpu.dma_semaphore, #tpu.memory_space<semaphore_mem>> -> memref<!tpu.dma_semaphore, #tpu.memory_space<semaphore_mem>>
      %dma_start3A_309 = arith.constant 0 : i32
      %dma_start3A_310 = arith.constant 0 : i32
      %dma_start3A_311 = arith.constant 0 : i32
      %dma_start3A_312 = tpu.memref_slice %arg7[%add3A_276, %dma_start3A_309, %add3A, %dma_start3A_310, %dma_start3A_311] : memref<50x8x32x8x128xf32, #tpu.memory_space<hbm>> -> memref<1x8x1x8x128xf32, #tpu.memory_space<hbm>>
      %dma_start3A_313 = tpu.memref_squeeze %dma_start3A_312 : memref<1x8x1x8x128xf32, #tpu.memory_space<hbm>> -> memref<8x8x128xf32, #tpu.memory_space<hbm>>
      %dma_start3A_314 = arith.constant 0 : i32
      %dma_start3A_315 = arith.constant 0 : i32
      %dma_start3A_316 = arith.constant 0 : i32
      %dma_start3A_317 = tpu.memref_slice %arg12[%dma_start3A_295, %dma_start3A_314, %dma_start3A_315, %dma_start3A_316] : memref<5x8x8x129xf32, #tpu.memory_space<vmem>> -> memref<1x8x8x128xf32, #tpu.memory_space<vmem>>
      %dma_start3A_318 = tpu.memref_squeeze %dma_start3A_317 : memref<1x8x8x128xf32, #tpu.memory_space<vmem>> -> memref<8x8x128xf32, #tpu.memory_space<vmem>>
      tpu.enqueue_dma source(%dma_start3A_318 : memref<8x8x128xf32, #tpu.memory_space<vmem>>) target(%dma_start3A_313 : memref<8x8x128xf32, #tpu.memory_space<hbm>>) target_semaphore(%dma_start3A_308 : memref<!tpu.dma_semaphore, #tpu.memory_space<semaphore_mem>>)
      %add3A_319 = arith.constant 4 : i32
      %add3A_320 = arith.addi %add3A_276, %add3A_319 : i32
      %lt3A = arith.constant 50 : i32
      %lt3A_321 = arith.cmpi slt, %add3A_320, %lt3A : i32
      %convert_element_type3A = arith.extui %lt3A_321 : i1 to i32
      %cond3A = arith.constant 0 : i32
      %cond3A_322 = arith.cmpi ne, %convert_element_type3A, %cond3A : i32
      scf.if %cond3A_322 {
        %ge3A = arith.constant 1 : i32
        %ge3A_539 = arith.cmpi sge, %add3A_276, %ge3A : i32
        %convert_element_type3A_540 = arith.extui %ge3A_539 : i1 to i32
        %cond3A_541 = arith.constant 0 : i32
        %cond3A_542 = arith.cmpi ne, %convert_element_type3A_540, %cond3A_541 : i32
        scf.if %cond3A_542 {
          %dma_wait3A_559 = arith.constant 4 : i32
          %dma_wait3A_560 = arith.constant 0 : i32
          %dma_wait3A_561 = arith.constant 4 : i32
          %dma_wait3A_562 = arith.constant 0 : i32
          %dma_wait3A_563 = arith.constant 0 : i32
          %dma_wait3A_564 = arith.constant 0 : i32
          %dma_wait3A_565 = tpu.memref_slice %arg12[%dma_wait3A_559, %dma_wait3A_562, %dma_wait3A_563, %dma_wait3A_564] : memref<5x8x8x129xf32, #tpu.memory_space<vmem>> -> memref<1x8x8x128xf32, #tpu.memory_space<vmem>>
          %dma_wait3A_566 = tpu.memref_squeeze %dma_wait3A_565 : memref<1x8x8x128xf32, #tpu.memory_space<vmem>> -> memref<8x8x128xf32, #tpu.memory_space<vmem>>
          %dma_wait3A_567 = arith.constant 0 : i32
          %dma_wait3A_568 = arith.constant 0 : i32
          %dma_wait3A_569 = arith.constant 0 : i32
          %dma_wait3A_570 = tpu.memref_slice %arg7[%dma_wait3A_560, %dma_wait3A_567, %add3A, %dma_wait3A_568, %dma_wait3A_569] : memref<50x8x32x8x128xf32, #tpu.memory_space<hbm>> -> memref<1x8x1x8x128xf32, #tpu.memory_space<hbm>>
          %dma_wait3A_571 = tpu.memref_squeeze %dma_wait3A_570 : memref<1x8x1x8x128xf32, #tpu.memory_space<hbm>> -> memref<8x8x128xf32, #tpu.memory_space<hbm>>
          %dma_wait3A_572 = tpu.memref_slice %arg16[%dma_wait3A_561] : memref<5x!tpu.dma_semaphore, #tpu.memory_space<semaphore_mem>> -> memref<1x!tpu.dma_semaphore, #tpu.memory_space<semaphore_mem>>
          %dma_wait3A_573 = tpu.memref_squeeze %dma_wait3A_572 : memref<1x!tpu.dma_semaphore, #tpu.memory_space<semaphore_mem>> -> memref<!tpu.dma_semaphore, #tpu.memory_space<semaphore_mem>>
          %dma_wait3A_574 = arith.constant 0 : i32
          %dma_wait3A_575 = arith.constant 0 : i32
          %dma_wait3A_576 = arith.constant 0 : i32
          %dma_wait3A_577 = tpu.memref_slice %arg7[%dma_wait3A_560, %dma_wait3A_574, %add3A, %dma_wait3A_575, %dma_wait3A_576] : memref<50x8x32x8x128xf32, #tpu.memory_space<hbm>> -> memref<1x8x1x8x128xf32, #tpu.memory_space<hbm>>
          %dma_wait3A_578 = tpu.memref_squeeze %dma_wait3A_577 : memref<1x8x1x8x128xf32, #tpu.memory_space<hbm>> -> memref<8x8x128xf32, #tpu.memory_space<hbm>>
          %dma_wait3A_579 = arith.constant 0 : i32
          %dma_wait3A_580 = arith.constant 0 : i32
          %dma_wait3A_581 = arith.constant 0 : i32
          %dma_wait3A_582 = tpu.memref_slice %arg12[%dma_wait3A_559, %dma_wait3A_579, %dma_wait3A_580, %dma_wait3A_581] : memref<5x8x8x129xf32, #tpu.memory_space<vmem>> -> memref<1x8x8x128xf32, #tpu.memory_space<vmem>>
          %dma_wait3A_583 = tpu.memref_squeeze %dma_wait3A_582 : memref<1x8x8x128xf32, #tpu.memory_space<vmem>> -> memref<8x8x128xf32, #tpu.memory_space<vmem>>
          tpu.wait_dma2 semaphore(%dma_wait3A_573 : memref<!tpu.dma_semaphore, #tpu.memory_space<semaphore_mem>>) src(%dma_wait3A_583 : memref<8x8x128xf32, #tpu.memory_space<vmem>>) dst(%dma_wait3A_578 : memref<8x8x128xf32, #tpu.memory_space<hbm>>)
        } else {
        }
        %add3A_543 = arith.constant 4 : i32
        %add3A_544 = arith.addi %add3A_276, %add3A_543 : i32
        %dma_start3A_545 = arith.constant 4 : i32
        %dma_start3A_546 = arith.constant 4 : i32
        %dma_start3A_547 = arith.constant 0 : i32
        %dma_start3A_548 = arith.constant 0 : i32
        %dma_start3A_549 = tpu.memref_slice %arg11[%dma_start3A_545, %dma_start3A_547, %dma_start3A_548] : memref<5x128x64xf32, #tpu.memory_space<vmem>> -> memref<1x128x64xf32, #tpu.memory_space<vmem>>
        %dma_start3A_550 = tpu.memref_squeeze %dma_start3A_549 : memref<1x128x64xf32, #tpu.memory_space<vmem>> -> memref<128x64xf32, #tpu.memory_space<vmem>>
        %dma_start3A_551 = arith.constant 0 : i32
        %dma_start3A_552 = tpu.memref_slice %arg8[%add3A_544, %dma_start3A_551] : memref<50x128xi32, #tpu.memory_space<vmem>> -> memref<1x128xi32, #tpu.memory_space<vmem>>
        %dma_start3A_553 = tpu.memref_squeeze %dma_start3A_552 : memref<1x128xi32, #tpu.memory_space<vmem>> -> memref<128xi32, #tpu.memory_space<vmem>>
        %dma_start3A_554 = arith.constant 0 : i32
        %dma_start3A_555 = arith.constant 0 : i32
        %dma_start3A_556 = tpu.memref_slice %arg2[%dma_start3A_554, %dma_start3A_555] : memref<100000x64xf32, #tpu.memory_space<hbm>> -> memref<100000x64xf32, #tpu.memory_space<hbm>>
        %dma_start3A_557 = tpu.memref_slice %arg15[%dma_start3A_546] : memref<5x!tpu.dma_semaphore, #tpu.memory_space<semaphore_mem>> -> memref<1x!tpu.dma_semaphore, #tpu.memory_space<semaphore_mem>>
        %dma_start3A_558 = tpu.memref_squeeze %dma_start3A_557 : memref<1x!tpu.dma_semaphore, #tpu.memory_space<semaphore_mem>> -> memref<!tpu.dma_semaphore, #tpu.memory_space<semaphore_mem>>
        tpu.enqueue_indirect_dma source(%dma_start3A_556 : memref<100000x64xf32, #tpu.memory_space<hbm>>) target(%dma_start3A_550 : memref<128x64xf32, #tpu.memory_space<vmem>>) offsets(%dma_start3A_553 : memref<128xi32, #tpu.memory_space<vmem>>) semaphore(%dma_start3A_558 : memref<!tpu.dma_semaphore, #tpu.memory_space<semaphore_mem>>)
      } else {
      }
      %mul3A_323 = arith.constant 5 : i32
      %mul3A_324 = arith.muli %scan3A_272, %mul3A_323 : i32
      %add3A_325 = arith.constant 1 : i32
      %add3A_326 = arith.addi %mul3A_324, %add3A_325 : i32
      %dma_wait3A_327 = arith.constant 0 : i32
      %dma_wait3A_328 = arith.constant 1 : i32
      %dma_wait3A_329 = arith.constant 1 : i32
      %dma_wait3A_330 = arith.constant 0 : i32
      %dma_wait3A_331 = arith.constant 0 : i32
      %dma_wait3A_332 = tpu.memref_slice %arg11[%dma_wait3A_328, %dma_wait3A_330, %dma_wait3A_331] : memref<5x128x64xf32, #tpu.memory_space<vmem>> -> memref<1x128x64xf32, #tpu.memory_space<vmem>>
      %dma_wait3A_333 = tpu.memref_squeeze %dma_wait3A_332 : memref<1x128x64xf32, #tpu.memory_space<vmem>> -> memref<128x64xf32, #tpu.memory_space<vmem>>
      %dma_wait3A_334 = arith.constant 0 : i32
      %dma_wait3A_335 = tpu.memref_slice %arg8[%dma_wait3A_327, %dma_wait3A_334] : memref<50x128xi32, #tpu.memory_space<vmem>> -> memref<1x128xi32, #tpu.memory_space<vmem>>
      %dma_wait3A_336 = tpu.memref_squeeze %dma_wait3A_335 : memref<1x128xi32, #tpu.memory_space<vmem>> -> memref<128xi32, #tpu.memory_space<vmem>>
      %dma_wait3A_337 = arith.constant 0 : i32
      %dma_wait3A_338 = arith.constant 0 : i32
      %dma_wait3A_339 = tpu.memref_slice %arg2[%dma_wait3A_337, %dma_wait3A_338] : memref<100000x64xf32, #tpu.memory_space<hbm>> -> memref<100000x64xf32, #tpu.memory_space<hbm>>
      %dma_wait3A_340 = tpu.memref_slice %arg15[%dma_wait3A_329] : memref<5x!tpu.dma_semaphore, #tpu.memory_space<semaphore_mem>> -> memref<1x!tpu.dma_semaphore, #tpu.memory_space<semaphore_mem>>
      %dma_wait3A_341 = tpu.memref_squeeze %dma_wait3A_340 : memref<1x!tpu.dma_semaphore, #tpu.memory_space<semaphore_mem>> -> memref<!tpu.dma_semaphore, #tpu.memory_space<semaphore_mem>>
      tpu.wait_indirect_dma semaphore(%dma_wait3A_341 : memref<!tpu.dma_semaphore, #tpu.memory_space<semaphore_mem>>) src(%dma_wait3A_339 : memref<100000x64xf32, #tpu.memory_space<hbm>>) dst(%dma_wait3A_333 : memref<128x64xf32, #tpu.memory_space<vmem>>)
      %broadcast_in_dim3A_342 = vector.broadcast %add3A_326 : i32 to vector<16xi32>
      %parallel_loop3A_343 = arith.constant 0 : i32
      %parallel_loop3A_344 = arith.constant 128 : i32
      %parallel_loop3A_345 = arith.constant 1 : i32
      scf.for %parallel_loop3A_539 = %parallel_loop3A_343 to %parallel_loop3A_344 step %parallel_loop3A_345  : i32 {
        %parallel_loop3A_540 = vector.broadcast %parallel_loop3A_539 : i32 to vector<16xi32>
        %parallel_loop3A_541 = tpu.vector_load_idx %arg9[%broadcast_in_dim3A_342, %parallel_loop3A_540] : memref<50x128xf32, #tpu.memory_space<vmem>>[vector<16xi32>, vector<16xi32>], vector<16xf32>,
        %parallel_loop3A_542 = arith.constant 1 : i32
        %parallel_loop3A_543 = arith.index_cast %parallel_loop3A_542 : i32 to index
        %parallel_loop3A_544 = arith.index_cast %parallel_loop3A_539 : i32 to index
        %parallel_loop3A_545 = arith.constant 0 : index
        %parallel_loop3A_546 = tpu.vector_load %arg11[%parallel_loop3A_543, %parallel_loop3A_544, %parallel_loop3A_545] {strides = array<i32>} : memref<5x128x64xf32, #tpu.memory_space<vmem>>, vector<16xf32>,
        %parallel_loop3A_547 = arith.mulf %parallel_loop3A_546, %parallel_loop3A_541 : vector<16xf32>
        %parallel_loop3A_548 = arith.constant 1 : i32
        %parallel_loop3A_549 = arith.constant 0 : i32
        %parallel_loop3A_550 = arith.constant 0 : i32
        %parallel_loop3A_551 = arith.constant 0 : i32
        %parallel_loop3A_552 = tpu.memref_slice %arg12[%parallel_loop3A_548, %parallel_loop3A_549, %parallel_loop3A_550, %parallel_loop3A_551] : memref<5x8x8x129xf32, #tpu.memory_space<vmem>> -> memref<1x8x8x129xf32, #tpu.memory_space<vmem>>
        %parallel_loop3A_553 = tpu.memref_squeeze %parallel_loop3A_552 : memref<1x8x8x129xf32, #tpu.memory_space<vmem>> -> memref<8x8x129xf32, #tpu.memory_space<vmem>>
        tpu.vector_store_idx %parallel_loop3A_553[%shift_right_arithmetic3A_21, %and3A_23, %parallel_loop3A_540], %parallel_loop3A_547 : memref<8x8x129xf32, #tpu.memory_space<vmem>>[vector<16xi32>, vector<16xi32>, vector<16xi32>], vector<16xf32>,
        %parallel_loop3A_554 = arith.constant 1 : i32
        %parallel_loop3A_555 = arith.index_cast %parallel_loop3A_554 : i32 to index
        %parallel_loop3A_556 = arith.index_cast %parallel_loop3A_539 : i32 to index
        %parallel_loop3A_557 = arith.constant 16 : index
        %parallel_loop3A_558 = tpu.vector_load %arg11[%parallel_loop3A_555, %parallel_loop3A_556, %parallel_loop3A_557] {strides = array<i32>} : memref<5x128x64xf32, #tpu.memory_space<vmem>>, vector<16xf32>,
        %parallel_loop3A_559 = arith.mulf %parallel_loop3A_558, %parallel_loop3A_541 : vector<16xf32>
        %parallel_loop3A_560 = arith.constant 1 : i32
        %parallel_loop3A_561 = arith.constant 0 : i32
        %parallel_loop3A_562 = arith.constant 0 : i32
        %parallel_loop3A_563 = arith.constant 0 : i32
        %parallel_loop3A_564 = tpu.memref_slice %arg12[%parallel_loop3A_560, %parallel_loop3A_561, %parallel_loop3A_562, %parallel_loop3A_563] : memref<5x8x8x129xf32, #tpu.memory_space<vmem>> -> memref<1x8x8x129xf32, #tpu.memory_space<vmem>>
        %parallel_loop3A_565 = tpu.memref_squeeze %parallel_loop3A_564 : memref<1x8x8x129xf32, #tpu.memory_space<vmem>> -> memref<8x8x129xf32, #tpu.memory_space<vmem>>
        tpu.vector_store_idx %parallel_loop3A_565[%shift_right_arithmetic3A_26, %and3A_29, %parallel_loop3A_540], %parallel_loop3A_559 : memref<8x8x129xf32, #tpu.memory_space<vmem>>[vector<16xi32>, vector<16xi32>, vector<16xi32>], vector<16xf32>,
        %parallel_loop3A_566 = arith.constant 1 : i32
        %parallel_loop3A_567 = arith.index_cast %parallel_loop3A_566 : i32 to index
        %parallel_loop3A_568 = arith.index_cast %parallel_loop3A_539 : i32 to index
        %parallel_loop3A_569 = arith.constant 32 : index
        %parallel_loop3A_570 = tpu.vector_load %arg11[%parallel_loop3A_567, %parallel_loop3A_568, %parallel_loop3A_569] {strides = array<i32>} : memref<5x128x64xf32, #tpu.memory_space<vmem>>, vector<16xf32>,
        %parallel_loop3A_571 = arith.mulf %parallel_loop3A_570, %parallel_loop3A_541 : vector<16xf32>
        %parallel_loop3A_572 = arith.constant 1 : i32
        %parallel_loop3A_573 = arith.constant 0 : i32
        %parallel_loop3A_574 = arith.constant 0 : i32
        %parallel_loop3A_575 = arith.constant 0 : i32
        %parallel_loop3A_576 = tpu.memref_slice %arg12[%parallel_loop3A_572, %parallel_loop3A_573, %parallel_loop3A_574, %parallel_loop3A_575] : memref<5x8x8x129xf32, #tpu.memory_space<vmem>> -> memref<1x8x8x129xf32, #tpu.memory_space<vmem>>
        %parallel_loop3A_577 = tpu.memref_squeeze %parallel_loop3A_576 : memref<1x8x8x129xf32, #tpu.memory_space<vmem>> -> memref<8x8x129xf32, #tpu.memory_space<vmem>>
        tpu.vector_store_idx %parallel_loop3A_577[%shift_right_arithmetic3A_32, %and3A_35, %parallel_loop3A_540], %parallel_loop3A_571 : memref<8x8x129xf32, #tpu.memory_space<vmem>>[vector<16xi32>, vector<16xi32>, vector<16xi32>], vector<16xf32>,
        %parallel_loop3A_578 = arith.constant 1 : i32
        %parallel_loop3A_579 = arith.index_cast %parallel_loop3A_578 : i32 to index
        %parallel_loop3A_580 = arith.index_cast %parallel_loop3A_539 : i32 to index
        %parallel_loop3A_581 = arith.constant 48 : index
        %parallel_loop3A_582 = tpu.vector_load %arg11[%parallel_loop3A_579, %parallel_loop3A_580, %parallel_loop3A_581] {strides = array<i32>} : memref<5x128x64xf32, #tpu.memory_space<vmem>>, vector<16xf32>,
        %parallel_loop3A_583 = arith.mulf %parallel_loop3A_582, %parallel_loop3A_541 : vector<16xf32>
        %parallel_loop3A_584 = arith.constant 1 : i32
        %parallel_loop3A_585 = arith.constant 0 : i32
        %parallel_loop3A_586 = arith.constant 0 : i32
        %parallel_loop3A_587 = arith.constant 0 : i32
        %parallel_loop3A_588 = tpu.memref_slice %arg12[%parallel_loop3A_584, %parallel_loop3A_585, %parallel_loop3A_586, %parallel_loop3A_587] : memref<5x8x8x129xf32, #tpu.memory_space<vmem>> -> memref<1x8x8x129xf32, #tpu.memory_space<vmem>>
        %parallel_loop3A_589 = tpu.memref_squeeze %parallel_loop3A_588 : memref<1x8x8x129xf32, #tpu.memory_space<vmem>> -> memref<8x8x129xf32, #tpu.memory_space<vmem>>
        tpu.vector_store_idx %parallel_loop3A_589[%shift_right_arithmetic3A_38, %and3A_41, %parallel_loop3A_540], %parallel_loop3A_583 : memref<8x8x129xf32, #tpu.memory_space<vmem>>[vector<16xi32>, vector<16xi32>, vector<16xi32>], vector<16xf32>,
      } {sc.loop_unroll_factor = 4 : i64, sc.parallel_access}
      %dma_start3A_346 = arith.constant 1 : i32
      %dma_start3A_347 = arith.constant 1 : i32
      %dma_start3A_348 = arith.constant 0 : i32
      %dma_start3A_349 = arith.constant 0 : i32
      %dma_start3A_350 = arith.constant 0 : i32
      %dma_start3A_351 = tpu.memref_slice %arg12[%dma_start3A_346, %dma_start3A_348, %dma_start3A_349, %dma_start3A_350] : memref<5x8x8x129xf32, #tpu.memory_space<vmem>> -> memref<1x8x8x128xf32, #tpu.memory_space<vmem>>
      %dma_start3A_352 = tpu.memref_squeeze %dma_start3A_351 : memref<1x8x8x128xf32, #tpu.memory_space<vmem>> -> memref<8x8x128xf32, #tpu.memory_space<vmem>>
      %dma_start3A_353 = arith.constant 0 : i32
      %dma_start3A_354 = arith.constant 0 : i32
      %dma_start3A_355 = arith.constant 0 : i32
      %dma_start3A_356 = tpu.memref_slice %arg7[%add3A_326, %dma_start3A_353, %add3A, %dma_start3A_354, %dma_start3A_355] : memref<50x8x32x8x128xf32, #tpu.memory_space<hbm>> -> memref<1x8x1x8x128xf32, #tpu.memory_space<hbm>>
      %dma_start3A_357 = tpu.memref_squeeze %dma_start3A_356 : memref<1x8x1x8x128xf32, #tpu.memory_space<hbm>> -> memref<8x8x128xf32, #tpu.memory_space<hbm>>
      %dma_start3A_358 = tpu.memref_slice %arg16[%dma_start3A_347] : memref<5x!tpu.dma_semaphore, #tpu.memory_space<semaphore_mem>> -> memref<1x!tpu.dma_semaphore, #tpu.memory_space<semaphore_mem>>
      %dma_start3A_359 = tpu.memref_squeeze %dma_start3A_358 : memref<1x!tpu.dma_semaphore, #tpu.memory_space<semaphore_mem>> -> memref<!tpu.dma_semaphore, #tpu.memory_space<semaphore_mem>>
      %dma_start3A_360 = arith.constant 0 : i32
      %dma_start3A_361 = arith.constant 0 : i32
      %dma_start3A_362 = arith.constant 0 : i32
      %dma_start3A_363 = tpu.memref_slice %arg7[%add3A_326, %dma_start3A_360, %add3A, %dma_start3A_361, %dma_start3A_362] : memref<50x8x32x8x128xf32, #tpu.memory_space<hbm>> -> memref<1x8x1x8x128xf32, #tpu.memory_space<hbm>>
      %dma_start3A_364 = tpu.memref_squeeze %dma_start3A_363 : memref<1x8x1x8x128xf32, #tpu.memory_space<hbm>> -> memref<8x8x128xf32, #tpu.memory_space<hbm>>
      %dma_start3A_365 = arith.constant 0 : i32
      %dma_start3A_366 = arith.constant 0 : i32
      %dma_start3A_367 = arith.constant 0 : i32
      %dma_start3A_368 = tpu.memref_slice %arg12[%dma_start3A_346, %dma_start3A_365, %dma_start3A_366, %dma_start3A_367] : memref<5x8x8x129xf32, #tpu.memory_space<vmem>> -> memref<1x8x8x128xf32, #tpu.memory_space<vmem>>
      %dma_start3A_369 = tpu.memref_squeeze %dma_start3A_368 : memref<1x8x8x128xf32, #tpu.memory_space<vmem>> -> memref<8x8x128xf32, #tpu.memory_space<vmem>>
      tpu.enqueue_dma source(%dma_start3A_369 : memref<8x8x128xf32, #tpu.memory_space<vmem>>) target(%dma_start3A_364 : memref<8x8x128xf32, #tpu.memory_space<hbm>>) target_semaphore(%dma_start3A_359 : memref<!tpu.dma_semaphore, #tpu.memory_space<semaphore_mem>>)
      %add3A_370 = arith.constant 4 : i32
      %add3A_371 = arith.addi %add3A_326, %add3A_370 : i32
      %lt3A_372 = arith.constant 50 : i32
      %lt3A_373 = arith.cmpi slt, %add3A_371, %lt3A_372 : i32
      %convert_element_type3A_374 = arith.extui %lt3A_373 : i1 to i32
      %cond3A_375 = arith.constant 0 : i32
      %cond3A_376 = arith.cmpi ne, %convert_element_type3A_374, %cond3A_375 : i32
      scf.if %cond3A_376 {
        %ge3A = arith.constant 1 : i32
        %ge3A_539 = arith.cmpi sge, %add3A_326, %ge3A : i32
        %convert_element_type3A_540 = arith.extui %ge3A_539 : i1 to i32
        %cond3A_541 = arith.constant 0 : i32
        %cond3A_542 = arith.cmpi ne, %convert_element_type3A_540, %cond3A_541 : i32
        scf.if %cond3A_542 {
          %dma_wait3A_559 = arith.constant 0 : i32
          %dma_wait3A_560 = arith.constant 0 : i32
          %dma_wait3A_561 = arith.constant 0 : i32
          %dma_wait3A_562 = arith.constant 0 : i32
          %dma_wait3A_563 = arith.constant 0 : i32
          %dma_wait3A_564 = arith.constant 0 : i32
          %dma_wait3A_565 = tpu.memref_slice %arg12[%dma_wait3A_559, %dma_wait3A_562, %dma_wait3A_563, %dma_wait3A_564] : memref<5x8x8x129xf32, #tpu.memory_space<vmem>> -> memref<1x8x8x128xf32, #tpu.memory_space<vmem>>
          %dma_wait3A_566 = tpu.memref_squeeze %dma_wait3A_565 : memref<1x8x8x128xf32, #tpu.memory_space<vmem>> -> memref<8x8x128xf32, #tpu.memory_space<vmem>>
          %dma_wait3A_567 = arith.constant 0 : i32
          %dma_wait3A_568 = arith.constant 0 : i32
          %dma_wait3A_569 = arith.constant 0 : i32
          %dma_wait3A_570 = tpu.memref_slice %arg7[%dma_wait3A_560, %dma_wait3A_567, %add3A, %dma_wait3A_568, %dma_wait3A_569] : memref<50x8x32x8x128xf32, #tpu.memory_space<hbm>> -> memref<1x8x1x8x128xf32, #tpu.memory_space<hbm>>
          %dma_wait3A_571 = tpu.memref_squeeze %dma_wait3A_570 : memref<1x8x1x8x128xf32, #tpu.memory_space<hbm>> -> memref<8x8x128xf32, #tpu.memory_space<hbm>>
          %dma_wait3A_572 = tpu.memref_slice %arg16[%dma_wait3A_561] : memref<5x!tpu.dma_semaphore, #tpu.memory_space<semaphore_mem>> -> memref<1x!tpu.dma_semaphore, #tpu.memory_space<semaphore_mem>>
          %dma_wait3A_573 = tpu.memref_squeeze %dma_wait3A_572 : memref<1x!tpu.dma_semaphore, #tpu.memory_space<semaphore_mem>> -> memref<!tpu.dma_semaphore, #tpu.memory_space<semaphore_mem>>
          %dma_wait3A_574 = arith.constant 0 : i32
          %dma_wait3A_575 = arith.constant 0 : i32
          %dma_wait3A_576 = arith.constant 0 : i32
          %dma_wait3A_577 = tpu.memref_slice %arg7[%dma_wait3A_560, %dma_wait3A_574, %add3A, %dma_wait3A_575, %dma_wait3A_576] : memref<50x8x32x8x128xf32, #tpu.memory_space<hbm>> -> memref<1x8x1x8x128xf32, #tpu.memory_space<hbm>>
          %dma_wait3A_578 = tpu.memref_squeeze %dma_wait3A_577 : memref<1x8x1x8x128xf32, #tpu.memory_space<hbm>> -> memref<8x8x128xf32, #tpu.memory_space<hbm>>
          %dma_wait3A_579 = arith.constant 0 : i32
          %dma_wait3A_580 = arith.constant 0 : i32
          %dma_wait3A_581 = arith.constant 0 : i32
          %dma_wait3A_582 = tpu.memref_slice %arg12[%dma_wait3A_559, %dma_wait3A_579, %dma_wait3A_580, %dma_wait3A_581] : memref<5x8x8x129xf32, #tpu.memory_space<vmem>> -> memref<1x8x8x128xf32, #tpu.memory_space<vmem>>
          %dma_wait3A_583 = tpu.memref_squeeze %dma_wait3A_582 : memref<1x8x8x128xf32, #tpu.memory_space<vmem>> -> memref<8x8x128xf32, #tpu.memory_space<vmem>>
          tpu.wait_dma2 semaphore(%dma_wait3A_573 : memref<!tpu.dma_semaphore, #tpu.memory_space<semaphore_mem>>) src(%dma_wait3A_583 : memref<8x8x128xf32, #tpu.memory_space<vmem>>) dst(%dma_wait3A_578 : memref<8x8x128xf32, #tpu.memory_space<hbm>>)
        } else {
        }
        %add3A_543 = arith.constant 4 : i32
        %add3A_544 = arith.addi %add3A_326, %add3A_543 : i32
        %dma_start3A_545 = arith.constant 0 : i32
        %dma_start3A_546 = arith.constant 0 : i32
        %dma_start3A_547 = arith.constant 0 : i32
        %dma_start3A_548 = arith.constant 0 : i32
        %dma_start3A_549 = tpu.memref_slice %arg11[%dma_start3A_545, %dma_start3A_547, %dma_start3A_548] : memref<5x128x64xf32, #tpu.memory_space<vmem>> -> memref<1x128x64xf32, #tpu.memory_space<vmem>>
        %dma_start3A_550 = tpu.memref_squeeze %dma_start3A_549 : memref<1x128x64xf32, #tpu.memory_space<vmem>> -> memref<128x64xf32, #tpu.memory_space<vmem>>
        %dma_start3A_551 = arith.constant 0 : i32
        %dma_start3A_552 = tpu.memref_slice %arg8[%add3A_544, %dma_start3A_551] : memref<50x128xi32, #tpu.memory_space<vmem>> -> memref<1x128xi32, #tpu.memory_space<vmem>>
        %dma_start3A_553 = tpu.memref_squeeze %dma_start3A_552 : memref<1x128xi32, #tpu.memory_space<vmem>> -> memref<128xi32, #tpu.memory_space<vmem>>
        %dma_start3A_554 = arith.constant 0 : i32
        %dma_start3A_555 = arith.constant 0 : i32
        %dma_start3A_556 = tpu.memref_slice %arg2[%dma_start3A_554, %dma_start3A_555] : memref<100000x64xf32, #tpu.memory_space<hbm>> -> memref<100000x64xf32, #tpu.memory_space<hbm>>
        %dma_start3A_557 = tpu.memref_slice %arg15[%dma_start3A_546] : memref<5x!tpu.dma_semaphore, #tpu.memory_space<semaphore_mem>> -> memref<1x!tpu.dma_semaphore, #tpu.memory_space<semaphore_mem>>
        %dma_start3A_558 = tpu.memref_squeeze %dma_start3A_557 : memref<1x!tpu.dma_semaphore, #tpu.memory_space<semaphore_mem>> -> memref<!tpu.dma_semaphore, #tpu.memory_space<semaphore_mem>>
        tpu.enqueue_indirect_dma source(%dma_start3A_556 : memref<100000x64xf32, #tpu.memory_space<hbm>>) target(%dma_start3A_550 : memref<128x64xf32, #tpu.memory_space<vmem>>) offsets(%dma_start3A_553 : memref<128xi32, #tpu.memory_space<vmem>>) semaphore(%dma_start3A_558 : memref<!tpu.dma_semaphore, #tpu.memory_space<semaphore_mem>>)
      } else {
      }
      %mul3A_377 = arith.constant 5 : i32
      %mul3A_378 = arith.muli %scan3A_272, %mul3A_377 : i32
      %add3A_379 = arith.constant 2 : i32
      %add3A_380 = arith.addi %mul3A_378, %add3A_379 : i32
      %dma_wait3A_381 = arith.constant 0 : i32
      %dma_wait3A_382 = arith.constant 2 : i32
      %dma_wait3A_383 = arith.constant 2 : i32
      %dma_wait3A_384 = arith.constant 0 : i32
      %dma_wait3A_385 = arith.constant 0 : i32
      %dma_wait3A_386 = tpu.memref_slice %arg11[%dma_wait3A_382, %dma_wait3A_384, %dma_wait3A_385] : memref<5x128x64xf32, #tpu.memory_space<vmem>> -> memref<1x128x64xf32, #tpu.memory_space<vmem>>
      %dma_wait3A_387 = tpu.memref_squeeze %dma_wait3A_386 : memref<1x128x64xf32, #tpu.memory_space<vmem>> -> memref<128x64xf32, #tpu.memory_space<vmem>>
      %dma_wait3A_388 = arith.constant 0 : i32
      %dma_wait3A_389 = tpu.memref_slice %arg8[%dma_wait3A_381, %dma_wait3A_388] : memref<50x128xi32, #tpu.memory_space<vmem>> -> memref<1x128xi32, #tpu.memory_space<vmem>>
      %dma_wait3A_390 = tpu.memref_squeeze %dma_wait3A_389 : memref<1x128xi32, #tpu.memory_space<vmem>> -> memref<128xi32, #tpu.memory_space<vmem>>
      %dma_wait3A_391 = arith.constant 0 : i32
      %dma_wait3A_392 = arith.constant 0 : i32
      %dma_wait3A_393 = tpu.memref_slice %arg2[%dma_wait3A_391, %dma_wait3A_392] : memref<100000x64xf32, #tpu.memory_space<hbm>> -> memref<100000x64xf32, #tpu.memory_space<hbm>>
      %dma_wait3A_394 = tpu.memref_slice %arg15[%dma_wait3A_383] : memref<5x!tpu.dma_semaphore, #tpu.memory_space<semaphore_mem>> -> memref<1x!tpu.dma_semaphore, #tpu.memory_space<semaphore_mem>>
      %dma_wait3A_395 = tpu.memref_squeeze %dma_wait3A_394 : memref<1x!tpu.dma_semaphore, #tpu.memory_space<semaphore_mem>> -> memref<!tpu.dma_semaphore, #tpu.memory_space<semaphore_mem>>
      tpu.wait_indirect_dma semaphore(%dma_wait3A_395 : memref<!tpu.dma_semaphore, #tpu.memory_space<semaphore_mem>>) src(%dma_wait3A_393 : memref<100000x64xf32, #tpu.memory_space<hbm>>) dst(%dma_wait3A_387 : memref<128x64xf32, #tpu.memory_space<vmem>>)
      %broadcast_in_dim3A_396 = vector.broadcast %add3A_380 : i32 to vector<16xi32>
      %parallel_loop3A_397 = arith.constant 0 : i32
      %parallel_loop3A_398 = arith.constant 128 : i32
      %parallel_loop3A_399 = arith.constant 1 : i32
      scf.for %parallel_loop3A_539 = %parallel_loop3A_397 to %parallel_loop3A_398 step %parallel_loop3A_399  : i32 {
        %parallel_loop3A_540 = vector.broadcast %parallel_loop3A_539 : i32 to vector<16xi32>
        %parallel_loop3A_541 = tpu.vector_load_idx %arg9[%broadcast_in_dim3A_396, %parallel_loop3A_540] : memref<50x128xf32, #tpu.memory_space<vmem>>[vector<16xi32>, vector<16xi32>], vector<16xf32>,
        %parallel_loop3A_542 = arith.constant 2 : i32
        %parallel_loop3A_543 = arith.index_cast %parallel_loop3A_542 : i32 to index
        %parallel_loop3A_544 = arith.index_cast %parallel_loop3A_539 : i32 to index
        %parallel_loop3A_545 = arith.constant 0 : index
        %parallel_loop3A_546 = tpu.vector_load %arg11[%parallel_loop3A_543, %parallel_loop3A_544, %parallel_loop3A_545] {strides = array<i32>} : memref<5x128x64xf32, #tpu.memory_space<vmem>>, vector<16xf32>,
        %parallel_loop3A_547 = arith.mulf %parallel_loop3A_546, %parallel_loop3A_541 : vector<16xf32>
        %parallel_loop3A_548 = arith.constant 2 : i32
        %parallel_loop3A_549 = arith.constant 0 : i32
        %parallel_loop3A_550 = arith.constant 0 : i32
        %parallel_loop3A_551 = arith.constant 0 : i32
        %parallel_loop3A_552 = tpu.memref_slice %arg12[%parallel_loop3A_548, %parallel_loop3A_549, %parallel_loop3A_550, %parallel_loop3A_551] : memref<5x8x8x129xf32, #tpu.memory_space<vmem>> -> memref<1x8x8x129xf32, #tpu.memory_space<vmem>>
        %parallel_loop3A_553 = tpu.memref_squeeze %parallel_loop3A_552 : memref<1x8x8x129xf32, #tpu.memory_space<vmem>> -> memref<8x8x129xf32, #tpu.memory_space<vmem>>
        tpu.vector_store_idx %parallel_loop3A_553[%shift_right_arithmetic3A_21, %and3A_23, %parallel_loop3A_540], %parallel_loop3A_547 : memref<8x8x129xf32, #tpu.memory_space<vmem>>[vector<16xi32>, vector<16xi32>, vector<16xi32>], vector<16xf32>,
        %parallel_loop3A_554 = arith.constant 2 : i32
        %parallel_loop3A_555 = arith.index_cast %parallel_loop3A_554 : i32 to index
        %parallel_loop3A_556 = arith.index_cast %parallel_loop3A_539 : i32 to index
        %parallel_loop3A_557 = arith.constant 16 : index
        %parallel_loop3A_558 = tpu.vector_load %arg11[%parallel_loop3A_555, %parallel_loop3A_556, %parallel_loop3A_557] {strides = array<i32>} : memref<5x128x64xf32, #tpu.memory_space<vmem>>, vector<16xf32>,
        %parallel_loop3A_559 = arith.mulf %parallel_loop3A_558, %parallel_loop3A_541 : vector<16xf32>
        %parallel_loop3A_560 = arith.constant 2 : i32
        %parallel_loop3A_561 = arith.constant 0 : i32
        %parallel_loop3A_562 = arith.constant 0 : i32
        %parallel_loop3A_563 = arith.constant 0 : i32
        %parallel_loop3A_564 = tpu.memref_slice %arg12[%parallel_loop3A_560, %parallel_loop3A_561, %parallel_loop3A_562, %parallel_loop3A_563] : memref<5x8x8x129xf32, #tpu.memory_space<vmem>> -> memref<1x8x8x129xf32, #tpu.memory_space<vmem>>
        %parallel_loop3A_565 = tpu.memref_squeeze %parallel_loop3A_564 : memref<1x8x8x129xf32, #tpu.memory_space<vmem>> -> memref<8x8x129xf32, #tpu.memory_space<vmem>>
        tpu.vector_store_idx %parallel_loop3A_565[%shift_right_arithmetic3A_26, %and3A_29, %parallel_loop3A_540], %parallel_loop3A_559 : memref<8x8x129xf32, #tpu.memory_space<vmem>>[vector<16xi32>, vector<16xi32>, vector<16xi32>], vector<16xf32>,
        %parallel_loop3A_566 = arith.constant 2 : i32
        %parallel_loop3A_567 = arith.index_cast %parallel_loop3A_566 : i32 to index
        %parallel_loop3A_568 = arith.index_cast %parallel_loop3A_539 : i32 to index
        %parallel_loop3A_569 = arith.constant 32 : index
        %parallel_loop3A_570 = tpu.vector_load %arg11[%parallel_loop3A_567, %parallel_loop3A_568, %parallel_loop3A_569] {strides = array<i32>} : memref<5x128x64xf32, #tpu.memory_space<vmem>>, vector<16xf32>,
        %parallel_loop3A_571 = arith.mulf %parallel_loop3A_570, %parallel_loop3A_541 : vector<16xf32>
        %parallel_loop3A_572 = arith.constant 2 : i32
        %parallel_loop3A_573 = arith.constant 0 : i32
        %parallel_loop3A_574 = arith.constant 0 : i32
        %parallel_loop3A_575 = arith.constant 0 : i32
        %parallel_loop3A_576 = tpu.memref_slice %arg12[%parallel_loop3A_572, %parallel_loop3A_573, %parallel_loop3A_574, %parallel_loop3A_575] : memref<5x8x8x129xf32, #tpu.memory_space<vmem>> -> memref<1x8x8x129xf32, #tpu.memory_space<vmem>>
        %parallel_loop3A_577 = tpu.memref_squeeze %parallel_loop3A_576 : memref<1x8x8x129xf32, #tpu.memory_space<vmem>> -> memref<8x8x129xf32, #tpu.memory_space<vmem>>
        tpu.vector_store_idx %parallel_loop3A_577[%shift_right_arithmetic3A_32, %and3A_35, %parallel_loop3A_540], %parallel_loop3A_571 : memref<8x8x129xf32, #tpu.memory_space<vmem>>[vector<16xi32>, vector<16xi32>, vector<16xi32>], vector<16xf32>,
        %parallel_loop3A_578 = arith.constant 2 : i32
        %parallel_loop3A_579 = arith.index_cast %parallel_loop3A_578 : i32 to index
        %parallel_loop3A_580 = arith.index_cast %parallel_loop3A_539 : i32 to index
        %parallel_loop3A_581 = arith.constant 48 : index
        %parallel_loop3A_582 = tpu.vector_load %arg11[%parallel_loop3A_579, %parallel_loop3A_580, %parallel_loop3A_581] {strides = array<i32>} : memref<5x128x64xf32, #tpu.memory_space<vmem>>, vector<16xf32>,
        %parallel_loop3A_583 = arith.mulf %parallel_loop3A_582, %parallel_loop3A_541 : vector<16xf32>
        %parallel_loop3A_584 = arith.constant 2 : i32
        %parallel_loop3A_585 = arith.constant 0 : i32
        %parallel_loop3A_586 = arith.constant 0 : i32
        %parallel_loop3A_587 = arith.constant 0 : i32
        %parallel_loop3A_588 = tpu.memref_slice %arg12[%parallel_loop3A_584, %parallel_loop3A_585, %parallel_loop3A_586, %parallel_loop3A_587] : memref<5x8x8x129xf32, #tpu.memory_space<vmem>> -> memref<1x8x8x129xf32, #tpu.memory_space<vmem>>
        %parallel_loop3A_589 = tpu.memref_squeeze %parallel_loop3A_588 : memref<1x8x8x129xf32, #tpu.memory_space<vmem>> -> memref<8x8x129xf32, #tpu.memory_space<vmem>>
        tpu.vector_store_idx %parallel_loop3A_589[%shift_right_arithmetic3A_38, %and3A_41, %parallel_loop3A_540], %parallel_loop3A_583 : memref<8x8x129xf32, #tpu.memory_space<vmem>>[vector<16xi32>, vector<16xi32>, vector<16xi32>], vector<16xf32>,
      } {sc.loop_unroll_factor = 4 : i64, sc.parallel_access}
      %dma_start3A_400 = arith.constant 2 : i32
      %dma_start3A_401 = arith.constant 2 : i32
      %dma_start3A_402 = arith.constant 0 : i32
      %dma_start3A_403 = arith.constant 0 : i32
      %dma_start3A_404 = arith.constant 0 : i32
      %dma_start3A_405 = tpu.memref_slice %arg12[%dma_start3A_400, %dma_start3A_402, %dma_start3A_403, %dma_start3A_404] : memref<5x8x8x129xf32, #tpu.memory_space<vmem>> -> memref<1x8x8x128xf32, #tpu.memory_space<vmem>>
      %dma_start3A_406 = tpu.memref_squeeze %dma_start3A_405 : memref<1x8x8x128xf32, #tpu.memory_space<vmem>> -> memref<8x8x128xf32, #tpu.memory_space<vmem>>
      %dma_start3A_407 = arith.constant 0 : i32
      %dma_start3A_408 = arith.constant 0 : i32
      %dma_start3A_409 = arith.constant 0 : i32
      %dma_start3A_410 = tpu.memref_slice %arg7[%add3A_380, %dma_start3A_407, %add3A, %dma_start3A_408, %dma_start3A_409] : memref<50x8x32x8x128xf32, #tpu.memory_space<hbm>> -> memref<1x8x1x8x128xf32, #tpu.memory_space<hbm>>
      %dma_start3A_411 = tpu.memref_squeeze %dma_start3A_410 : memref<1x8x1x8x128xf32, #tpu.memory_space<hbm>> -> memref<8x8x128xf32, #tpu.memory_space<hbm>>
      %dma_start3A_412 = tpu.memref_slice %arg16[%dma_start3A_401] : memref<5x!tpu.dma_semaphore, #tpu.memory_space<semaphore_mem>> -> memref<1x!tpu.dma_semaphore, #tpu.memory_space<semaphore_mem>>
      %dma_start3A_413 = tpu.memref_squeeze %dma_start3A_412 : memref<1x!tpu.dma_semaphore, #tpu.memory_space<semaphore_mem>> -> memref<!tpu.dma_semaphore, #tpu.memory_space<semaphore_mem>>
      %dma_start3A_414 = arith.constant 0 : i32
      %dma_start3A_415 = arith.constant 0 : i32
      %dma_start3A_416 = arith.constant 0 : i32
      %dma_start3A_417 = tpu.memref_slice %arg7[%add3A_380, %dma_start3A_414, %add3A, %dma_start3A_415, %dma_start3A_416] : memref<50x8x32x8x128xf32, #tpu.memory_space<hbm>> -> memref<1x8x1x8x128xf32, #tpu.memory_space<hbm>>
      %dma_start3A_418 = tpu.memref_squeeze %dma_start3A_417 : memref<1x8x1x8x128xf32, #tpu.memory_space<hbm>> -> memref<8x8x128xf32, #tpu.memory_space<hbm>>
      %dma_start3A_419 = arith.constant 0 : i32
      %dma_start3A_420 = arith.constant 0 : i32
      %dma_start3A_421 = arith.constant 0 : i32
      %dma_start3A_422 = tpu.memref_slice %arg12[%dma_start3A_400, %dma_start3A_419, %dma_start3A_420, %dma_start3A_421] : memref<5x8x8x129xf32, #tpu.memory_space<vmem>> -> memref<1x8x8x128xf32, #tpu.memory_space<vmem>>
      %dma_start3A_423 = tpu.memref_squeeze %dma_start3A_422 : memref<1x8x8x128xf32, #tpu.memory_space<vmem>> -> memref<8x8x128xf32, #tpu.memory_space<vmem>>
      tpu.enqueue_dma source(%dma_start3A_423 : memref<8x8x128xf32, #tpu.memory_space<vmem>>) target(%dma_start3A_418 : memref<8x8x128xf32, #tpu.memory_space<hbm>>) target_semaphore(%dma_start3A_413 : memref<!tpu.dma_semaphore, #tpu.memory_space<semaphore_mem>>)
      %add3A_424 = arith.constant 4 : i32
      %add3A_425 = arith.addi %add3A_380, %add3A_424 : i32
      %lt3A_426 = arith.constant 50 : i32
      %lt3A_427 = arith.cmpi slt, %add3A_425, %lt3A_426 : i32
      %convert_element_type3A_428 = arith.extui %lt3A_427 : i1 to i32
      %cond3A_429 = arith.constant 0 : i32
      %cond3A_430 = arith.cmpi ne, %convert_element_type3A_428, %cond3A_429 : i32
      scf.if %cond3A_430 {
        %ge3A = arith.constant 1 : i32
        %ge3A_539 = arith.cmpi sge, %add3A_380, %ge3A : i32
        %convert_element_type3A_540 = arith.extui %ge3A_539 : i1 to i32
        %cond3A_541 = arith.constant 0 : i32
        %cond3A_542 = arith.cmpi ne, %convert_element_type3A_540, %cond3A_541 : i32
        scf.if %cond3A_542 {
          %dma_wait3A_559 = arith.constant 1 : i32
          %dma_wait3A_560 = arith.constant 0 : i32
          %dma_wait3A_561 = arith.constant 1 : i32
          %dma_wait3A_562 = arith.constant 0 : i32
          %dma_wait3A_563 = arith.constant 0 : i32
          %dma_wait3A_564 = arith.constant 0 : i32
          %dma_wait3A_565 = tpu.memref_slice %arg12[%dma_wait3A_559, %dma_wait3A_562, %dma_wait3A_563, %dma_wait3A_564] : memref<5x8x8x129xf32, #tpu.memory_space<vmem>> -> memref<1x8x8x128xf32, #tpu.memory_space<vmem>>
          %dma_wait3A_566 = tpu.memref_squeeze %dma_wait3A_565 : memref<1x8x8x128xf32, #tpu.memory_space<vmem>> -> memref<8x8x128xf32, #tpu.memory_space<vmem>>
          %dma_wait3A_567 = arith.constant 0 : i32
          %dma_wait3A_568 = arith.constant 0 : i32
          %dma_wait3A_569 = arith.constant 0 : i32
          %dma_wait3A_570 = tpu.memref_slice %arg7[%dma_wait3A_560, %dma_wait3A_567, %add3A, %dma_wait3A_568, %dma_wait3A_569] : memref<50x8x32x8x128xf32, #tpu.memory_space<hbm>> -> memref<1x8x1x8x128xf32, #tpu.memory_space<hbm>>
          %dma_wait3A_571 = tpu.memref_squeeze %dma_wait3A_570 : memref<1x8x1x8x128xf32, #tpu.memory_space<hbm>> -> memref<8x8x128xf32, #tpu.memory_space<hbm>>
          %dma_wait3A_572 = tpu.memref_slice %arg16[%dma_wait3A_561] : memref<5x!tpu.dma_semaphore, #tpu.memory_space<semaphore_mem>> -> memref<1x!tpu.dma_semaphore, #tpu.memory_space<semaphore_mem>>
          %dma_wait3A_573 = tpu.memref_squeeze %dma_wait3A_572 : memref<1x!tpu.dma_semaphore, #tpu.memory_space<semaphore_mem>> -> memref<!tpu.dma_semaphore, #tpu.memory_space<semaphore_mem>>
          %dma_wait3A_574 = arith.constant 0 : i32
          %dma_wait3A_575 = arith.constant 0 : i32
          %dma_wait3A_576 = arith.constant 0 : i32
          %dma_wait3A_577 = tpu.memref_slice %arg7[%dma_wait3A_560, %dma_wait3A_574, %add3A, %dma_wait3A_575, %dma_wait3A_576] : memref<50x8x32x8x128xf32, #tpu.memory_space<hbm>> -> memref<1x8x1x8x128xf32, #tpu.memory_space<hbm>>
          %dma_wait3A_578 = tpu.memref_squeeze %dma_wait3A_577 : memref<1x8x1x8x128xf32, #tpu.memory_space<hbm>> -> memref<8x8x128xf32, #tpu.memory_space<hbm>>
          %dma_wait3A_579 = arith.constant 0 : i32
          %dma_wait3A_580 = arith.constant 0 : i32
          %dma_wait3A_581 = arith.constant 0 : i32
          %dma_wait3A_582 = tpu.memref_slice %arg12[%dma_wait3A_559, %dma_wait3A_579, %dma_wait3A_580, %dma_wait3A_581] : memref<5x8x8x129xf32, #tpu.memory_space<vmem>> -> memref<1x8x8x128xf32, #tpu.memory_space<vmem>>
          %dma_wait3A_583 = tpu.memref_squeeze %dma_wait3A_582 : memref<1x8x8x128xf32, #tpu.memory_space<vmem>> -> memref<8x8x128xf32, #tpu.memory_space<vmem>>
          tpu.wait_dma2 semaphore(%dma_wait3A_573 : memref<!tpu.dma_semaphore, #tpu.memory_space<semaphore_mem>>) src(%dma_wait3A_583 : memref<8x8x128xf32, #tpu.memory_space<vmem>>) dst(%dma_wait3A_578 : memref<8x8x128xf32, #tpu.memory_space<hbm>>)
        } else {
        }
        %add3A_543 = arith.constant 4 : i32
        %add3A_544 = arith.addi %add3A_380, %add3A_543 : i32
        %dma_start3A_545 = arith.constant 1 : i32
        %dma_start3A_546 = arith.constant 1 : i32
        %dma_start3A_547 = arith.constant 0 : i32
        %dma_start3A_548 = arith.constant 0 : i32
        %dma_start3A_549 = tpu.memref_slice %arg11[%dma_start3A_545, %dma_start3A_547, %dma_start3A_548] : memref<5x128x64xf32, #tpu.memory_space<vmem>> -> memref<1x128x64xf32, #tpu.memory_space<vmem>>
        %dma_start3A_550 = tpu.memref_squeeze %dma_start3A_549 : memref<1x128x64xf32, #tpu.memory_space<vmem>> -> memref<128x64xf32, #tpu.memory_space<vmem>>
        %dma_start3A_551 = arith.constant 0 : i32
        %dma_start3A_552 = tpu.memref_slice %arg8[%add3A_544, %dma_start3A_551] : memref<50x128xi32, #tpu.memory_space<vmem>> -> memref<1x128xi32, #tpu.memory_space<vmem>>
        %dma_start3A_553 = tpu.memref_squeeze %dma_start3A_552 : memref<1x128xi32, #tpu.memory_space<vmem>> -> memref<128xi32, #tpu.memory_space<vmem>>
        %dma_start3A_554 = arith.constant 0 : i32
        %dma_start3A_555 = arith.constant 0 : i32
        %dma_start3A_556 = tpu.memref_slice %arg2[%dma_start3A_554, %dma_start3A_555] : memref<100000x64xf32, #tpu.memory_space<hbm>> -> memref<100000x64xf32, #tpu.memory_space<hbm>>
        %dma_start3A_557 = tpu.memref_slice %arg15[%dma_start3A_546] : memref<5x!tpu.dma_semaphore, #tpu.memory_space<semaphore_mem>> -> memref<1x!tpu.dma_semaphore, #tpu.memory_space<semaphore_mem>>
        %dma_start3A_558 = tpu.memref_squeeze %dma_start3A_557 : memref<1x!tpu.dma_semaphore, #tpu.memory_space<semaphore_mem>> -> memref<!tpu.dma_semaphore, #tpu.memory_space<semaphore_mem>>
        tpu.enqueue_indirect_dma source(%dma_start3A_556 : memref<100000x64xf32, #tpu.memory_space<hbm>>) target(%dma_start3A_550 : memref<128x64xf32, #tpu.memory_space<vmem>>) offsets(%dma_start3A_553 : memref<128xi32, #tpu.memory_space<vmem>>) semaphore(%dma_start3A_558 : memref<!tpu.dma_semaphore, #tpu.memory_space<semaphore_mem>>)
      } else {
      }
      %mul3A_431 = arith.constant 5 : i32
      %mul3A_432 = arith.muli %scan3A_272, %mul3A_431 : i32
      %add3A_433 = arith.constant 3 : i32
      %add3A_434 = arith.addi %mul3A_432, %add3A_433 : i32
      %dma_wait3A_435 = arith.constant 0 : i32
      %dma_wait3A_436 = arith.constant 3 : i32
      %dma_wait3A_437 = arith.constant 3 : i32
      %dma_wait3A_438 = arith.constant 0 : i32
      %dma_wait3A_439 = arith.constant 0 : i32
      %dma_wait3A_440 = tpu.memref_slice %arg11[%dma_wait3A_436, %dma_wait3A_438, %dma_wait3A_439] : memref<5x128x64xf32, #tpu.memory_space<vmem>> -> memref<1x128x64xf32, #tpu.memory_space<vmem>>
      %dma_wait3A_441 = tpu.memref_squeeze %dma_wait3A_440 : memref<1x128x64xf32, #tpu.memory_space<vmem>> -> memref<128x64xf32, #tpu.memory_space<vmem>>
      %dma_wait3A_442 = arith.constant 0 : i32
      %dma_wait3A_443 = tpu.memref_slice %arg8[%dma_wait3A_435, %dma_wait3A_442] : memref<50x128xi32, #tpu.memory_space<vmem>> -> memref<1x128xi32, #tpu.memory_space<vmem>>
      %dma_wait3A_444 = tpu.memref_squeeze %dma_wait3A_443 : memref<1x128xi32, #tpu.memory_space<vmem>> -> memref<128xi32, #tpu.memory_space<vmem>>
      %dma_wait3A_445 = arith.constant 0 : i32
      %dma_wait3A_446 = arith.constant 0 : i32
      %dma_wait3A_447 = tpu.memref_slice %arg2[%dma_wait3A_445, %dma_wait3A_446] : memref<100000x64xf32, #tpu.memory_space<hbm>> -> memref<100000x64xf32, #tpu.memory_space<hbm>>
      %dma_wait3A_448 = tpu.memref_slice %arg15[%dma_wait3A_437] : memref<5x!tpu.dma_semaphore, #tpu.memory_space<semaphore_mem>> -> memref<1x!tpu.dma_semaphore, #tpu.memory_space<semaphore_mem>>
      %dma_wait3A_449 = tpu.memref_squeeze %dma_wait3A_448 : memref<1x!tpu.dma_semaphore, #tpu.memory_space<semaphore_mem>> -> memref<!tpu.dma_semaphore, #tpu.memory_space<semaphore_mem>>
      tpu.wait_indirect_dma semaphore(%dma_wait3A_449 : memref<!tpu.dma_semaphore, #tpu.memory_space<semaphore_mem>>) src(%dma_wait3A_447 : memref<100000x64xf32, #tpu.memory_space<hbm>>) dst(%dma_wait3A_441 : memref<128x64xf32, #tpu.memory_space<vmem>>)
      %broadcast_in_dim3A_450 = vector.broadcast %add3A_434 : i32 to vector<16xi32>
      %parallel_loop3A_451 = arith.constant 0 : i32
      %parallel_loop3A_452 = arith.constant 128 : i32
      %parallel_loop3A_453 = arith.constant 1 : i32
      scf.for %parallel_loop3A_539 = %parallel_loop3A_451 to %parallel_loop3A_452 step %parallel_loop3A_453  : i32 {
        %parallel_loop3A_540 = vector.broadcast %parallel_loop3A_539 : i32 to vector<16xi32>
        %parallel_loop3A_541 = tpu.vector_load_idx %arg9[%broadcast_in_dim3A_450, %parallel_loop3A_540] : memref<50x128xf32, #tpu.memory_space<vmem>>[vector<16xi32>, vector<16xi32>], vector<16xf32>,
        %parallel_loop3A_542 = arith.constant 3 : i32
        %parallel_loop3A_543 = arith.index_cast %parallel_loop3A_542 : i32 to index
        %parallel_loop3A_544 = arith.index_cast %parallel_loop3A_539 : i32 to index
        %parallel_loop3A_545 = arith.constant 0 : index
        %parallel_loop3A_546 = tpu.vector_load %arg11[%parallel_loop3A_543, %parallel_loop3A_544, %parallel_loop3A_545] {strides = array<i32>} : memref<5x128x64xf32, #tpu.memory_space<vmem>>, vector<16xf32>,
        %parallel_loop3A_547 = arith.mulf %parallel_loop3A_546, %parallel_loop3A_541 : vector<16xf32>
        %parallel_loop3A_548 = arith.constant 3 : i32
        %parallel_loop3A_549 = arith.constant 0 : i32
        %parallel_loop3A_550 = arith.constant 0 : i32
        %parallel_loop3A_551 = arith.constant 0 : i32
        %parallel_loop3A_552 = tpu.memref_slice %arg12[%parallel_loop3A_548, %parallel_loop3A_549, %parallel_loop3A_550, %parallel_loop3A_551] : memref<5x8x8x129xf32, #tpu.memory_space<vmem>> -> memref<1x8x8x129xf32, #tpu.memory_space<vmem>>
        %parallel_loop3A_553 = tpu.memref_squeeze %parallel_loop3A_552 : memref<1x8x8x129xf32, #tpu.memory_space<vmem>> -> memref<8x8x129xf32, #tpu.memory_space<vmem>>
        tpu.vector_store_idx %parallel_loop3A_553[%shift_right_arithmetic3A_21, %and3A_23, %parallel_loop3A_540], %parallel_loop3A_547 : memref<8x8x129xf32, #tpu.memory_space<vmem>>[vector<16xi32>, vector<16xi32>, vector<16xi32>], vector<16xf32>,
        %parallel_loop3A_554 = arith.constant 3 : i32
        %parallel_loop3A_555 = arith.index_cast %parallel_loop3A_554 : i32 to index
        %parallel_loop3A_556 = arith.index_cast %parallel_loop3A_539 : i32 to index
        %parallel_loop3A_557 = arith.constant 16 : index
        %parallel_loop3A_558 = tpu.vector_load %arg11[%parallel_loop3A_555, %parallel_loop3A_556, %parallel_loop3A_557] {strides = array<i32>} : memref<5x128x64xf32, #tpu.memory_space<vmem>>, vector<16xf32>,
        %parallel_loop3A_559 = arith.mulf %parallel_loop3A_558, %parallel_loop3A_541 : vector<16xf32>
        %parallel_loop3A_560 = arith.constant 3 : i32
        %parallel_loop3A_561 = arith.constant 0 : i32
        %parallel_loop3A_562 = arith.constant 0 : i32
        %parallel_loop3A_563 = arith.constant 0 : i32
        %parallel_loop3A_564 = tpu.memref_slice %arg12[%parallel_loop3A_560, %parallel_loop3A_561, %parallel_loop3A_562, %parallel_loop3A_563] : memref<5x8x8x129xf32, #tpu.memory_space<vmem>> -> memref<1x8x8x129xf32, #tpu.memory_space<vmem>>
        %parallel_loop3A_565 = tpu.memref_squeeze %parallel_loop3A_564 : memref<1x8x8x129xf32, #tpu.memory_space<vmem>> -> memref<8x8x129xf32, #tpu.memory_space<vmem>>
        tpu.vector_store_idx %parallel_loop3A_565[%shift_right_arithmetic3A_26, %and3A_29, %parallel_loop3A_540], %parallel_loop3A_559 : memref<8x8x129xf32, #tpu.memory_space<vmem>>[vector<16xi32>, vector<16xi32>, vector<16xi32>], vector<16xf32>,
        %parallel_loop3A_566 = arith.constant 3 : i32
        %parallel_loop3A_567 = arith.index_cast %parallel_loop3A_566 : i32 to index
        %parallel_loop3A_568 = arith.index_cast %parallel_loop3A_539 : i32 to index
        %parallel_loop3A_569 = arith.constant 32 : index
        %parallel_loop3A_570 = tpu.vector_load %arg11[%parallel_loop3A_567, %parallel_loop3A_568, %parallel_loop3A_569] {strides = array<i32>} : memref<5x128x64xf32, #tpu.memory_space<vmem>>, vector<16xf32>,
        %parallel_loop3A_571 = arith.mulf %parallel_loop3A_570, %parallel_loop3A_541 : vector<16xf32>
        %parallel_loop3A_572 = arith.constant 3 : i32
        %parallel_loop3A_573 = arith.constant 0 : i32
        %parallel_loop3A_574 = arith.constant 0 : i32
        %parallel_loop3A_575 = arith.constant 0 : i32
        %parallel_loop3A_576 = tpu.memref_slice %arg12[%parallel_loop3A_572, %parallel_loop3A_573, %parallel_loop3A_574, %parallel_loop3A_575] : memref<5x8x8x129xf32, #tpu.memory_space<vmem>> -> memref<1x8x8x129xf32, #tpu.memory_space<vmem>>
        %parallel_loop3A_577 = tpu.memref_squeeze %parallel_loop3A_576 : memref<1x8x8x129xf32, #tpu.memory_space<vmem>> -> memref<8x8x129xf32, #tpu.memory_space<vmem>>
        tpu.vector_store_idx %parallel_loop3A_577[%shift_right_arithmetic3A_32, %and3A_35, %parallel_loop3A_540], %parallel_loop3A_571 : memref<8x8x129xf32, #tpu.memory_space<vmem>>[vector<16xi32>, vector<16xi32>, vector<16xi32>], vector<16xf32>,
        %parallel_loop3A_578 = arith.constant 3 : i32
        %parallel_loop3A_579 = arith.index_cast %parallel_loop3A_578 : i32 to index
        %parallel_loop3A_580 = arith.index_cast %parallel_loop3A_539 : i32 to index
        %parallel_loop3A_581 = arith.constant 48 : index
        %parallel_loop3A_582 = tpu.vector_load %arg11[%parallel_loop3A_579, %parallel_loop3A_580, %parallel_loop3A_581] {strides = array<i32>} : memref<5x128x64xf32, #tpu.memory_space<vmem>>, vector<16xf32>,
        %parallel_loop3A_583 = arith.mulf %parallel_loop3A_582, %parallel_loop3A_541 : vector<16xf32>
        %parallel_loop3A_584 = arith.constant 3 : i32
        %parallel_loop3A_585 = arith.constant 0 : i32
        %parallel_loop3A_586 = arith.constant 0 : i32
        %parallel_loop3A_587 = arith.constant 0 : i32
        %parallel_loop3A_588 = tpu.memref_slice %arg12[%parallel_loop3A_584, %parallel_loop3A_585, %parallel_loop3A_586, %parallel_loop3A_587] : memref<5x8x8x129xf32, #tpu.memory_space<vmem>> -> memref<1x8x8x129xf32, #tpu.memory_space<vmem>>
        %parallel_loop3A_589 = tpu.memref_squeeze %parallel_loop3A_588 : memref<1x8x8x129xf32, #tpu.memory_space<vmem>> -> memref<8x8x129xf32, #tpu.memory_space<vmem>>
        tpu.vector_store_idx %parallel_loop3A_589[%shift_right_arithmetic3A_38, %and3A_41, %parallel_loop3A_540], %parallel_loop3A_583 : memref<8x8x129xf32, #tpu.memory_space<vmem>>[vector<16xi32>, vector<16xi32>, vector<16xi32>], vector<16xf32>,
      } {sc.loop_unroll_factor = 4 : i64, sc.parallel_access}
      %dma_start3A_454 = arith.constant 3 : i32
      %dma_start3A_455 = arith.constant 3 : i32
      %dma_start3A_456 = arith.constant 0 : i32
      %dma_start3A_457 = arith.constant 0 : i32
      %dma_start3A_458 = arith.constant 0 : i32
      %dma_start3A_459 = tpu.memref_slice %arg12[%dma_start3A_454, %dma_start3A_456, %dma_start3A_457, %dma_start3A_458] : memref<5x8x8x129xf32, #tpu.memory_space<vmem>> -> memref<1x8x8x128xf32, #tpu.memory_space<vmem>>
      %dma_start3A_460 = tpu.memref_squeeze %dma_start3A_459 : memref<1x8x8x128xf32, #tpu.memory_space<vmem>> -> memref<8x8x128xf32, #tpu.memory_space<vmem>>
      %dma_start3A_461 = arith.constant 0 : i32
      %dma_start3A_462 = arith.constant 0 : i32
      %dma_start3A_463 = arith.constant 0 : i32
      %dma_start3A_464 = tpu.memref_slice %arg7[%add3A_434, %dma_start3A_461, %add3A, %dma_start3A_462, %dma_start3A_463] : memref<50x8x32x8x128xf32, #tpu.memory_space<hbm>> -> memref<1x8x1x8x128xf32, #tpu.memory_space<hbm>>
      %dma_start3A_465 = tpu.memref_squeeze %dma_start3A_464 : memref<1x8x1x8x128xf32, #tpu.memory_space<hbm>> -> memref<8x8x128xf32, #tpu.memory_space<hbm>>
      %dma_start3A_466 = tpu.memref_slice %arg16[%dma_start3A_455] : memref<5x!tpu.dma_semaphore, #tpu.memory_space<semaphore_mem>> -> memref<1x!tpu.dma_semaphore, #tpu.memory_space<semaphore_mem>>
      %dma_start3A_467 = tpu.memref_squeeze %dma_start3A_466 : memref<1x!tpu.dma_semaphore, #tpu.memory_space<semaphore_mem>> -> memref<!tpu.dma_semaphore, #tpu.memory_space<semaphore_mem>>
      %dma_start3A_468 = arith.constant 0 : i32
      %dma_start3A_469 = arith.constant 0 : i32
      %dma_start3A_470 = arith.constant 0 : i32
      %dma_start3A_471 = tpu.memref_slice %arg7[%add3A_434, %dma_start3A_468, %add3A, %dma_start3A_469, %dma_start3A_470] : memref<50x8x32x8x128xf32, #tpu.memory_space<hbm>> -> memref<1x8x1x8x128xf32, #tpu.memory_space<hbm>>
      %dma_start3A_472 = tpu.memref_squeeze %dma_start3A_471 : memref<1x8x1x8x128xf32, #tpu.memory_space<hbm>> -> memref<8x8x128xf32, #tpu.memory_space<hbm>>
      %dma_start3A_473 = arith.constant 0 : i32
      %dma_start3A_474 = arith.constant 0 : i32
      %dma_start3A_475 = arith.constant 0 : i32
      %dma_start3A_476 = tpu.memref_slice %arg12[%dma_start3A_454, %dma_start3A_473, %dma_start3A_474, %dma_start3A_475] : memref<5x8x8x129xf32, #tpu.memory_space<vmem>> -> memref<1x8x8x128xf32, #tpu.memory_space<vmem>>
      %dma_start3A_477 = tpu.memref_squeeze %dma_start3A_476 : memref<1x8x8x128xf32, #tpu.memory_space<vmem>> -> memref<8x8x128xf32, #tpu.memory_space<vmem>>
      tpu.enqueue_dma source(%dma_start3A_477 : memref<8x8x128xf32, #tpu.memory_space<vmem>>) target(%dma_start3A_472 : memref<8x8x128xf32, #tpu.memory_space<hbm>>) target_semaphore(%dma_start3A_467 : memref<!tpu.dma_semaphore, #tpu.memory_space<semaphore_mem>>)
      %add3A_478 = arith.constant 4 : i32
      %add3A_479 = arith.addi %add3A_434, %add3A_478 : i32
      %lt3A_480 = arith.constant 50 : i32
      %lt3A_481 = arith.cmpi slt, %add3A_479, %lt3A_480 : i32
      %convert_element_type3A_482 = arith.extui %lt3A_481 : i1 to i32
      %cond3A_483 = arith.constant 0 : i32
      %cond3A_484 = arith.cmpi ne, %convert_element_type3A_482, %cond3A_483 : i32
      scf.if %cond3A_484 {
        %ge3A = arith.constant 1 : i32
        %ge3A_539 = arith.cmpi sge, %add3A_434, %ge3A : i32
        %convert_element_type3A_540 = arith.extui %ge3A_539 : i1 to i32
        %cond3A_541 = arith.constant 0 : i32
        %cond3A_542 = arith.cmpi ne, %convert_element_type3A_540, %cond3A_541 : i32
        scf.if %cond3A_542 {
          %dma_wait3A_559 = arith.constant 2 : i32
          %dma_wait3A_560 = arith.constant 0 : i32
          %dma_wait3A_561 = arith.constant 2 : i32
          %dma_wait3A_562 = arith.constant 0 : i32
          %dma_wait3A_563 = arith.constant 0 : i32
          %dma_wait3A_564 = arith.constant 0 : i32
          %dma_wait3A_565 = tpu.memref_slice %arg12[%dma_wait3A_559, %dma_wait3A_562, %dma_wait3A_563, %dma_wait3A_564] : memref<5x8x8x129xf32, #tpu.memory_space<vmem>> -> memref<1x8x8x128xf32, #tpu.memory_space<vmem>>
          %dma_wait3A_566 = tpu.memref_squeeze %dma_wait3A_565 : memref<1x8x8x128xf32, #tpu.memory_space<vmem>> -> memref<8x8x128xf32, #tpu.memory_space<vmem>>
          %dma_wait3A_567 = arith.constant 0 : i32
          %dma_wait3A_568 = arith.constant 0 : i32
          %dma_wait3A_569 = arith.constant 0 : i32
          %dma_wait3A_570 = tpu.memref_slice %arg7[%dma_wait3A_560, %dma_wait3A_567, %add3A, %dma_wait3A_568, %dma_wait3A_569] : memref<50x8x32x8x128xf32, #tpu.memory_space<hbm>> -> memref<1x8x1x8x128xf32, #tpu.memory_space<hbm>>
          %dma_wait3A_571 = tpu.memref_squeeze %dma_wait3A_570 : memref<1x8x1x8x128xf32, #tpu.memory_space<hbm>> -> memref<8x8x128xf32, #tpu.memory_space<hbm>>
          %dma_wait3A_572 = tpu.memref_slice %arg16[%dma_wait3A_561] : memref<5x!tpu.dma_semaphore, #tpu.memory_space<semaphore_mem>> -> memref<1x!tpu.dma_semaphore, #tpu.memory_space<semaphore_mem>>
          %dma_wait3A_573 = tpu.memref_squeeze %dma_wait3A_572 : memref<1x!tpu.dma_semaphore, #tpu.memory_space<semaphore_mem>> -> memref<!tpu.dma_semaphore, #tpu.memory_space<semaphore_mem>>
          %dma_wait3A_574 = arith.constant 0 : i32
          %dma_wait3A_575 = arith.constant 0 : i32
          %dma_wait3A_576 = arith.constant 0 : i32
          %dma_wait3A_577 = tpu.memref_slice %arg7[%dma_wait3A_560, %dma_wait3A_574, %add3A, %dma_wait3A_575, %dma_wait3A_576] : memref<50x8x32x8x128xf32, #tpu.memory_space<hbm>> -> memref<1x8x1x8x128xf32, #tpu.memory_space<hbm>>
          %dma_wait3A_578 = tpu.memref_squeeze %dma_wait3A_577 : memref<1x8x1x8x128xf32, #tpu.memory_space<hbm>> -> memref<8x8x128xf32, #tpu.memory_space<hbm>>
          %dma_wait3A_579 = arith.constant 0 : i32
          %dma_wait3A_580 = arith.constant 0 : i32
          %dma_wait3A_581 = arith.constant 0 : i32
          %dma_wait3A_582 = tpu.memref_slice %arg12[%dma_wait3A_559, %dma_wait3A_579, %dma_wait3A_580, %dma_wait3A_581] : memref<5x8x8x129xf32, #tpu.memory_space<vmem>> -> memref<1x8x8x128xf32, #tpu.memory_space<vmem>>
          %dma_wait3A_583 = tpu.memref_squeeze %dma_wait3A_582 : memref<1x8x8x128xf32, #tpu.memory_space<vmem>> -> memref<8x8x128xf32, #tpu.memory_space<vmem>>
          tpu.wait_dma2 semaphore(%dma_wait3A_573 : memref<!tpu.dma_semaphore, #tpu.memory_space<semaphore_mem>>) src(%dma_wait3A_583 : memref<8x8x128xf32, #tpu.memory_space<vmem>>) dst(%dma_wait3A_578 : memref<8x8x128xf32, #tpu.memory_space<hbm>>)
        } else {
        }
        %add3A_543 = arith.constant 4 : i32
        %add3A_544 = arith.addi %add3A_434, %add3A_543 : i32
        %dma_start3A_545 = arith.constant 2 : i32
        %dma_start3A_546 = arith.constant 2 : i32
        %dma_start3A_547 = arith.constant 0 : i32
        %dma_start3A_548 = arith.constant 0 : i32
        %dma_start3A_549 = tpu.memref_slice %arg11[%dma_start3A_545, %dma_start3A_547, %dma_start3A_548] : memref<5x128x64xf32, #tpu.memory_space<vmem>> -> memref<1x128x64xf32, #tpu.memory_space<vmem>>
        %dma_start3A_550 = tpu.memref_squeeze %dma_start3A_549 : memref<1x128x64xf32, #tpu.memory_space<vmem>> -> memref<128x64xf32, #tpu.memory_space<vmem>>
        %dma_start3A_551 = arith.constant 0 : i32
        %dma_start3A_552 = tpu.memref_slice %arg8[%add3A_544, %dma_start3A_551] : memref<50x128xi32, #tpu.memory_space<vmem>> -> memref<1x128xi32, #tpu.memory_space<vmem>>
        %dma_start3A_553 = tpu.memref_squeeze %dma_start3A_552 : memref<1x128xi32, #tpu.memory_space<vmem>> -> memref<128xi32, #tpu.memory_space<vmem>>
        %dma_start3A_554 = arith.constant 0 : i32
        %dma_start3A_555 = arith.constant 0 : i32
        %dma_start3A_556 = tpu.memref_slice %arg2[%dma_start3A_554, %dma_start3A_555] : memref<100000x64xf32, #tpu.memory_space<hbm>> -> memref<100000x64xf32, #tpu.memory_space<hbm>>
        %dma_start3A_557 = tpu.memref_slice %arg15[%dma_start3A_546] : memref<5x!tpu.dma_semaphore, #tpu.memory_space<semaphore_mem>> -> memref<1x!tpu.dma_semaphore, #tpu.memory_space<semaphore_mem>>
        %dma_start3A_558 = tpu.memref_squeeze %dma_start3A_557 : memref<1x!tpu.dma_semaphore, #tpu.memory_space<semaphore_mem>> -> memref<!tpu.dma_semaphore, #tpu.memory_space<semaphore_mem>>
        tpu.enqueue_indirect_dma source(%dma_start3A_556 : memref<100000x64xf32, #tpu.memory_space<hbm>>) target(%dma_start3A_550 : memref<128x64xf32, #tpu.memory_space<vmem>>) offsets(%dma_start3A_553 : memref<128xi32, #tpu.memory_space<vmem>>) semaphore(%dma_start3A_558 : memref<!tpu.dma_semaphore, #tpu.memory_space<semaphore_mem>>)
      } else {
      }
      %mul3A_485 = arith.constant 5 : i32
      %mul3A_486 = arith.muli %scan3A_272, %mul3A_485 : i32
      %add3A_487 = arith.constant 4 : i32
      %add3A_488 = arith.addi %mul3A_486, %add3A_487 : i32
      %dma_wait3A_489 = arith.constant 0 : i32
      %dma_wait3A_490 = arith.constant 4 : i32
      %dma_wait3A_491 = arith.constant 4 : i32
      %dma_wait3A_492 = arith.constant 0 : i32
      %dma_wait3A_493 = arith.constant 0 : i32
      %dma_wait3A_494 = tpu.memref_slice %arg11[%dma_wait3A_490, %dma_wait3A_492, %dma_wait3A_493] : memref<5x128x64xf32, #tpu.memory_space<vmem>> -> memref<1x128x64xf32, #tpu.memory_space<vmem>>
      %dma_wait3A_495 = tpu.memref_squeeze %dma_wait3A_494 : memref<1x128x64xf32, #tpu.memory_space<vmem>> -> memref<128x64xf32, #tpu.memory_space<vmem>>
      %dma_wait3A_496 = arith.constant 0 : i32
      %dma_wait3A_497 = tpu.memref_slice %arg8[%dma_wait3A_489, %dma_wait3A_496] : memref<50x128xi32, #tpu.memory_space<vmem>> -> memref<1x128xi32, #tpu.memory_space<vmem>>
      %dma_wait3A_498 = tpu.memref_squeeze %dma_wait3A_497 : memref<1x128xi32, #tpu.memory_space<vmem>> -> memref<128xi32, #tpu.memory_space<vmem>>
      %dma_wait3A_499 = arith.constant 0 : i32
      %dma_wait3A_500 = arith.constant 0 : i32
      %dma_wait3A_501 = tpu.memref_slice %arg2[%dma_wait3A_499, %dma_wait3A_500] : memref<100000x64xf32, #tpu.memory_space<hbm>> -> memref<100000x64xf32, #tpu.memory_space<hbm>>
      %dma_wait3A_502 = tpu.memref_slice %arg15[%dma_wait3A_491] : memref<5x!tpu.dma_semaphore, #tpu.memory_space<semaphore_mem>> -> memref<1x!tpu.dma_semaphore, #tpu.memory_space<semaphore_mem>>
      %dma_wait3A_503 = tpu.memref_squeeze %dma_wait3A_502 : memref<1x!tpu.dma_semaphore, #tpu.memory_space<semaphore_mem>> -> memref<!tpu.dma_semaphore, #tpu.memory_space<semaphore_mem>>
      tpu.wait_indirect_dma semaphore(%dma_wait3A_503 : memref<!tpu.dma_semaphore, #tpu.memory_space<semaphore_mem>>) src(%dma_wait3A_501 : memref<100000x64xf32, #tpu.memory_space<hbm>>) dst(%dma_wait3A_495 : memref<128x64xf32, #tpu.memory_space<vmem>>)
      %broadcast_in_dim3A_504 = vector.broadcast %add3A_488 : i32 to vector<16xi32>
      %parallel_loop3A_505 = arith.constant 0 : i32
      %parallel_loop3A_506 = arith.constant 128 : i32
      %parallel_loop3A_507 = arith.constant 1 : i32
      scf.for %parallel_loop3A_539 = %parallel_loop3A_505 to %parallel_loop3A_506 step %parallel_loop3A_507  : i32 {
        %parallel_loop3A_540 = vector.broadcast %parallel_loop3A_539 : i32 to vector<16xi32>
        %parallel_loop3A_541 = tpu.vector_load_idx %arg9[%broadcast_in_dim3A_504, %parallel_loop3A_540] : memref<50x128xf32, #tpu.memory_space<vmem>>[vector<16xi32>, vector<16xi32>], vector<16xf32>,
        %parallel_loop3A_542 = arith.constant 4 : i32
        %parallel_loop3A_543 = arith.index_cast %parallel_loop3A_542 : i32 to index
        %parallel_loop3A_544 = arith.index_cast %parallel_loop3A_539 : i32 to index
        %parallel_loop3A_545 = arith.constant 0 : index
        %parallel_loop3A_546 = tpu.vector_load %arg11[%parallel_loop3A_543, %parallel_loop3A_544, %parallel_loop3A_545] {strides = array<i32>} : memref<5x128x64xf32, #tpu.memory_space<vmem>>, vector<16xf32>,
        %parallel_loop3A_547 = arith.mulf %parallel_loop3A_546, %parallel_loop3A_541 : vector<16xf32>
        %parallel_loop3A_548 = arith.constant 4 : i32
        %parallel_loop3A_549 = arith.constant 0 : i32
        %parallel_loop3A_550 = arith.constant 0 : i32
        %parallel_loop3A_551 = arith.constant 0 : i32
        %parallel_loop3A_552 = tpu.memref_slice %arg12[%parallel_loop3A_548, %parallel_loop3A_549, %parallel_loop3A_550, %parallel_loop3A_551] : memref<5x8x8x129xf32, #tpu.memory_space<vmem>> -> memref<1x8x8x129xf32, #tpu.memory_space<vmem>>
        %parallel_loop3A_553 = tpu.memref_squeeze %parallel_loop3A_552 : memref<1x8x8x129xf32, #tpu.memory_space<vmem>> -> memref<8x8x129xf32, #tpu.memory_space<vmem>>
        tpu.vector_store_idx %parallel_loop3A_553[%shift_right_arithmetic3A_21, %and3A_23, %parallel_loop3A_540], %parallel_loop3A_547 : memref<8x8x129xf32, #tpu.memory_space<vmem>>[vector<16xi32>, vector<16xi32>, vector<16xi32>], vector<16xf32>,
        %parallel_loop3A_554 = arith.constant 4 : i32
        %parallel_loop3A_555 = arith.index_cast %parallel_loop3A_554 : i32 to index
        %parallel_loop3A_556 = arith.index_cast %parallel_loop3A_539 : i32 to index
        %parallel_loop3A_557 = arith.constant 16 : index
        %parallel_loop3A_558 = tpu.vector_load %arg11[%parallel_loop3A_555, %parallel_loop3A_556, %parallel_loop3A_557] {strides = array<i32>} : memref<5x128x64xf32, #tpu.memory_space<vmem>>, vector<16xf32>,
        %parallel_loop3A_559 = arith.mulf %parallel_loop3A_558, %parallel_loop3A_541 : vector<16xf32>
        %parallel_loop3A_560 = arith.constant 4 : i32
        %parallel_loop3A_561 = arith.constant 0 : i32
        %parallel_loop3A_562 = arith.constant 0 : i32
        %parallel_loop3A_563 = arith.constant 0 : i32
        %parallel_loop3A_564 = tpu.memref_slice %arg12[%parallel_loop3A_560, %parallel_loop3A_561, %parallel_loop3A_562, %parallel_loop3A_563] : memref<5x8x8x129xf32, #tpu.memory_space<vmem>> -> memref<1x8x8x129xf32, #tpu.memory_space<vmem>>
        %parallel_loop3A_565 = tpu.memref_squeeze %parallel_loop3A_564 : memref<1x8x8x129xf32, #tpu.memory_space<vmem>> -> memref<8x8x129xf32, #tpu.memory_space<vmem>>
        tpu.vector_store_idx %parallel_loop3A_565[%shift_right_arithmetic3A_26, %and3A_29, %parallel_loop3A_540], %parallel_loop3A_559 : memref<8x8x129xf32, #tpu.memory_space<vmem>>[vector<16xi32>, vector<16xi32>, vector<16xi32>], vector<16xf32>,
        %parallel_loop3A_566 = arith.constant 4 : i32
        %parallel_loop3A_567 = arith.index_cast %parallel_loop3A_566 : i32 to index
        %parallel_loop3A_568 = arith.index_cast %parallel_loop3A_539 : i32 to index
        %parallel_loop3A_569 = arith.constant 32 : index
        %parallel_loop3A_570 = tpu.vector_load %arg11[%parallel_loop3A_567, %parallel_loop3A_568, %parallel_loop3A_569] {strides = array<i32>} : memref<5x128x64xf32, #tpu.memory_space<vmem>>, vector<16xf32>,
        %parallel_loop3A_571 = arith.mulf %parallel_loop3A_570, %parallel_loop3A_541 : vector<16xf32>
        %parallel_loop3A_572 = arith.constant 4 : i32
        %parallel_loop3A_573 = arith.constant 0 : i32
        %parallel_loop3A_574 = arith.constant 0 : i32
        %parallel_loop3A_575 = arith.constant 0 : i32
        %parallel_loop3A_576 = tpu.memref_slice %arg12[%parallel_loop3A_572, %parallel_loop3A_573, %parallel_loop3A_574, %parallel_loop3A_575] : memref<5x8x8x129xf32, #tpu.memory_space<vmem>> -> memref<1x8x8x129xf32, #tpu.memory_space<vmem>>
        %parallel_loop3A_577 = tpu.memref_squeeze %parallel_loop3A_576 : memref<1x8x8x129xf32, #tpu.memory_space<vmem>> -> memref<8x8x129xf32, #tpu.memory_space<vmem>>
        tpu.vector_store_idx %parallel_loop3A_577[%shift_right_arithmetic3A_32, %and3A_35, %parallel_loop3A_540], %parallel_loop3A_571 : memref<8x8x129xf32, #tpu.memory_space<vmem>>[vector<16xi32>, vector<16xi32>, vector<16xi32>], vector<16xf32>,
        %parallel_loop3A_578 = arith.constant 4 : i32
        %parallel_loop3A_579 = arith.index_cast %parallel_loop3A_578 : i32 to index
        %parallel_loop3A_580 = arith.index_cast %parallel_loop3A_539 : i32 to index
        %parallel_loop3A_581 = arith.constant 48 : index
        %parallel_loop3A_582 = tpu.vector_load %arg11[%parallel_loop3A_579, %parallel_loop3A_580, %parallel_loop3A_581] {strides = array<i32>} : memref<5x128x64xf32, #tpu.memory_space<vmem>>, vector<16xf32>,
        %parallel_loop3A_583 = arith.mulf %parallel_loop3A_582, %parallel_loop3A_541 : vector<16xf32>
        %parallel_loop3A_584 = arith.constant 4 : i32
        %parallel_loop3A_585 = arith.constant 0 : i32
        %parallel_loop3A_586 = arith.constant 0 : i32
        %parallel_loop3A_587 = arith.constant 0 : i32
        %parallel_loop3A_588 = tpu.memref_slice %arg12[%parallel_loop3A_584, %parallel_loop3A_585, %parallel_loop3A_586, %parallel_loop3A_587] : memref<5x8x8x129xf32, #tpu.memory_space<vmem>> -> memref<1x8x8x129xf32, #tpu.memory_space<vmem>>
        %parallel_loop3A_589 = tpu.memref_squeeze %parallel_loop3A_588 : memref<1x8x8x129xf32, #tpu.memory_space<vmem>> -> memref<8x8x129xf32, #tpu.memory_space<vmem>>
        tpu.vector_store_idx %parallel_loop3A_589[%shift_right_arithmetic3A_38, %and3A_41, %parallel_loop3A_540], %parallel_loop3A_583 : memref<8x8x129xf32, #tpu.memory_space<vmem>>[vector<16xi32>, vector<16xi32>, vector<16xi32>], vector<16xf32>,
      } {sc.loop_unroll_factor = 4 : i64, sc.parallel_access}
      %dma_start3A_508 = arith.constant 4 : i32
      %dma_start3A_509 = arith.constant 4 : i32
      %dma_start3A_510 = arith.constant 0 : i32
      %dma_start3A_511 = arith.constant 0 : i32
      %dma_start3A_512 = arith.constant 0 : i32
      %dma_start3A_513 = tpu.memref_slice %arg12[%dma_start3A_508, %dma_start3A_510, %dma_start3A_511, %dma_start3A_512] : memref<5x8x8x129xf32, #tpu.memory_space<vmem>> -> memref<1x8x8x128xf32, #tpu.memory_space<vmem>>
      %dma_start3A_514 = tpu.memref_squeeze %dma_start3A_513 : memref<1x8x8x128xf32, #tpu.memory_space<vmem>> -> memref<8x8x128xf32, #tpu.memory_space<vmem>>
      %dma_start3A_515 = arith.constant 0 : i32
      %dma_start3A_516 = arith.constant 0 : i32
      %dma_start3A_517 = arith.constant 0 : i32
      %dma_start3A_518 = tpu.memref_slice %arg7[%add3A_488, %dma_start3A_515, %add3A, %dma_start3A_516, %dma_start3A_517] : memref<50x8x32x8x128xf32, #tpu.memory_space<hbm>> -> memref<1x8x1x8x128xf32, #tpu.memory_space<hbm>>
      %dma_start3A_519 = tpu.memref_squeeze %dma_start3A_518 : memref<1x8x1x8x128xf32, #tpu.memory_space<hbm>> -> memref<8x8x128xf32, #tpu.memory_space<hbm>>
      %dma_start3A_520 = tpu.memref_slice %arg16[%dma_start3A_509] : memref<5x!tpu.dma_semaphore, #tpu.memory_space<semaphore_mem>> -> memref<1x!tpu.dma_semaphore, #tpu.memory_space<semaphore_mem>>
      %dma_start3A_521 = tpu.memref_squeeze %dma_start3A_520 : memref<1x!tpu.dma_semaphore, #tpu.memory_space<semaphore_mem>> -> memref<!tpu.dma_semaphore, #tpu.memory_space<semaphore_mem>>
      %dma_start3A_522 = arith.constant 0 : i32
      %dma_start3A_523 = arith.constant 0 : i32
      %dma_start3A_524 = arith.constant 0 : i32
      %dma_start3A_525 = tpu.memref_slice %arg7[%add3A_488, %dma_start3A_522, %add3A, %dma_start3A_523, %dma_start3A_524] : memref<50x8x32x8x128xf32, #tpu.memory_space<hbm>> -> memref<1x8x1x8x128xf32, #tpu.memory_space<hbm>>
      %dma_start3A_526 = tpu.memref_squeeze %dma_start3A_525 : memref<1x8x1x8x128xf32, #tpu.memory_space<hbm>> -> memref<8x8x128xf32, #tpu.memory_space<hbm>>
      %dma_start3A_527 = arith.constant 0 : i32
      %dma_start3A_528 = arith.constant 0 : i32
      %dma_start3A_529 = arith.constant 0 : i32
      %dma_start3A_530 = tpu.memref_slice %arg12[%dma_start3A_508, %dma_start3A_527, %dma_start3A_528, %dma_start3A_529] : memref<5x8x8x129xf32, #tpu.memory_space<vmem>> -> memref<1x8x8x128xf32, #tpu.memory_space<vmem>>
      %dma_start3A_531 = tpu.memref_squeeze %dma_start3A_530 : memref<1x8x8x128xf32, #tpu.memory_space<vmem>> -> memref<8x8x128xf32, #tpu.memory_space<vmem>>
      tpu.enqueue_dma source(%dma_start3A_531 : memref<8x8x128xf32, #tpu.memory_space<vmem>>) target(%dma_start3A_526 : memref<8x8x128xf32, #tpu.memory_space<hbm>>) target_semaphore(%dma_start3A_521 : memref<!tpu.dma_semaphore, #tpu.memory_space<semaphore_mem>>)
      %add3A_532 = arith.constant 4 : i32
      %add3A_533 = arith.addi %add3A_488, %add3A_532 : i32
      %lt3A_534 = arith.constant 50 : i32
      %lt3A_535 = arith.cmpi slt, %add3A_533, %lt3A_534 : i32
      %convert_element_type3A_536 = arith.extui %lt3A_535 : i1 to i32
      %cond3A_537 = arith.constant 0 : i32
      %cond3A_538 = arith.cmpi ne, %convert_element_type3A_536, %cond3A_537 : i32
      scf.if %cond3A_538 {
        %ge3A = arith.constant 1 : i32
        %ge3A_539 = arith.cmpi sge, %add3A_488, %ge3A : i32
        %convert_element_type3A_540 = arith.extui %ge3A_539 : i1 to i32
        %cond3A_541 = arith.constant 0 : i32
        %cond3A_542 = arith.cmpi ne, %convert_element_type3A_540, %cond3A_541 : i32
        scf.if %cond3A_542 {
          %dma_wait3A_559 = arith.constant 3 : i32
          %dma_wait3A_560 = arith.constant 0 : i32
          %dma_wait3A_561 = arith.constant 3 : i32
          %dma_wait3A_562 = arith.constant 0 : i32
          %dma_wait3A_563 = arith.constant 0 : i32
          %dma_wait3A_564 = arith.constant 0 : i32
          %dma_wait3A_565 = tpu.memref_slice %arg12[%dma_wait3A_559, %dma_wait3A_562, %dma_wait3A_563, %dma_wait3A_564] : memref<5x8x8x129xf32, #tpu.memory_space<vmem>> -> memref<1x8x8x128xf32, #tpu.memory_space<vmem>>
          %dma_wait3A_566 = tpu.memref_squeeze %dma_wait3A_565 : memref<1x8x8x128xf32, #tpu.memory_space<vmem>> -> memref<8x8x128xf32, #tpu.memory_space<vmem>>
          %dma_wait3A_567 = arith.constant 0 : i32
          %dma_wait3A_568 = arith.constant 0 : i32
          %dma_wait3A_569 = arith.constant 0 : i32
          %dma_wait3A_570 = tpu.memref_slice %arg7[%dma_wait3A_560, %dma_wait3A_567, %add3A, %dma_wait3A_568, %dma_wait3A_569] : memref<50x8x32x8x128xf32, #tpu.memory_space<hbm>> -> memref<1x8x1x8x128xf32, #tpu.memory_space<hbm>>
          %dma_wait3A_571 = tpu.memref_squeeze %dma_wait3A_570 : memref<1x8x1x8x128xf32, #tpu.memory_space<hbm>> -> memref<8x8x128xf32, #tpu.memory_space<hbm>>
          %dma_wait3A_572 = tpu.memref_slice %arg16[%dma_wait3A_561] : memref<5x!tpu.dma_semaphore, #tpu.memory_space<semaphore_mem>> -> memref<1x!tpu.dma_semaphore, #tpu.memory_space<semaphore_mem>>
          %dma_wait3A_573 = tpu.memref_squeeze %dma_wait3A_572 : memref<1x!tpu.dma_semaphore, #tpu.memory_space<semaphore_mem>> -> memref<!tpu.dma_semaphore, #tpu.memory_space<semaphore_mem>>
          %dma_wait3A_574 = arith.constant 0 : i32
          %dma_wait3A_575 = arith.constant 0 : i32
          %dma_wait3A_576 = arith.constant 0 : i32
          %dma_wait3A_577 = tpu.memref_slice %arg7[%dma_wait3A_560, %dma_wait3A_574, %add3A, %dma_wait3A_575, %dma_wait3A_576] : memref<50x8x32x8x128xf32, #tpu.memory_space<hbm>> -> memref<1x8x1x8x128xf32, #tpu.memory_space<hbm>>
          %dma_wait3A_578 = tpu.memref_squeeze %dma_wait3A_577 : memref<1x8x1x8x128xf32, #tpu.memory_space<hbm>> -> memref<8x8x128xf32, #tpu.memory_space<hbm>>
          %dma_wait3A_579 = arith.constant 0 : i32
          %dma_wait3A_580 = arith.constant 0 : i32
          %dma_wait3A_581 = arith.constant 0 : i32
          %dma_wait3A_582 = tpu.memref_slice %arg12[%dma_wait3A_559, %dma_wait3A_579, %dma_wait3A_580, %dma_wait3A_581] : memref<5x8x8x129xf32, #tpu.memory_space<vmem>> -> memref<1x8x8x128xf32, #tpu.memory_space<vmem>>
          %dma_wait3A_583 = tpu.memref_squeeze %dma_wait3A_582 : memref<1x8x8x128xf32, #tpu.memory_space<vmem>> -> memref<8x8x128xf32, #tpu.memory_space<vmem>>
          tpu.wait_dma2 semaphore(%dma_wait3A_573 : memref<!tpu.dma_semaphore, #tpu.memory_space<semaphore_mem>>) src(%dma_wait3A_583 : memref<8x8x128xf32, #tpu.memory_space<vmem>>) dst(%dma_wait3A_578 : memref<8x8x128xf32, #tpu.memory_space<hbm>>)
        } else {
        }
        %add3A_543 = arith.constant 4 : i32
        %add3A_544 = arith.addi %add3A_488, %add3A_543 : i32
        %dma_start3A_545 = arith.constant 3 : i32
        %dma_start3A_546 = arith.constant 3 : i32
        %dma_start3A_547 = arith.constant 0 : i32
        %dma_start3A_548 = arith.constant 0 : i32
        %dma_start3A_549 = tpu.memref_slice %arg11[%dma_start3A_545, %dma_start3A_547, %dma_start3A_548] : memref<5x128x64xf32, #tpu.memory_space<vmem>> -> memref<1x128x64xf32, #tpu.memory_space<vmem>>
        %dma_start3A_550 = tpu.memref_squeeze %dma_start3A_549 : memref<1x128x64xf32, #tpu.memory_space<vmem>> -> memref<128x64xf32, #tpu.memory_space<vmem>>
        %dma_start3A_551 = arith.constant 0 : i32
        %dma_start3A_552 = tpu.memref_slice %arg8[%add3A_544, %dma_start3A_551] : memref<50x128xi32, #tpu.memory_space<vmem>> -> memref<1x128xi32, #tpu.memory_space<vmem>>
        %dma_start3A_553 = tpu.memref_squeeze %dma_start3A_552 : memref<1x128xi32, #tpu.memory_space<vmem>> -> memref<128xi32, #tpu.memory_space<vmem>>
        %dma_start3A_554 = arith.constant 0 : i32
        %dma_start3A_555 = arith.constant 0 : i32
        %dma_start3A_556 = tpu.memref_slice %arg2[%dma_start3A_554, %dma_start3A_555] : memref<100000x64xf32, #tpu.memory_space<hbm>> -> memref<100000x64xf32, #tpu.memory_space<hbm>>
        %dma_start3A_557 = tpu.memref_slice %arg15[%dma_start3A_546] : memref<5x!tpu.dma_semaphore, #tpu.memory_space<semaphore_mem>> -> memref<1x!tpu.dma_semaphore, #tpu.memory_space<semaphore_mem>>
        %dma_start3A_558 = tpu.memref_squeeze %dma_start3A_557 : memref<1x!tpu.dma_semaphore, #tpu.memory_space<semaphore_mem>> -> memref<!tpu.dma_semaphore, #tpu.memory_space<semaphore_mem>>
        tpu.enqueue_indirect_dma source(%dma_start3A_556 : memref<100000x64xf32, #tpu.memory_space<hbm>>) target(%dma_start3A_550 : memref<128x64xf32, #tpu.memory_space<vmem>>) offsets(%dma_start3A_553 : memref<128xi32, #tpu.memory_space<vmem>>) semaphore(%dma_start3A_558 : memref<!tpu.dma_semaphore, #tpu.memory_space<semaphore_mem>>)
      } else {
      }
    }
    %scan3A_128 = arith.constant 10 : i32
    %dma_wait3A_129 = arith.constant 0 : i32
    %dma_wait3A_130 = arith.constant 0 : i32
    %dma_wait3A_131 = arith.constant 0 : i32
    %dma_wait3A_132 = arith.constant 0 : i32
    %dma_wait3A_133 = arith.constant 0 : i32
    %dma_wait3A_134 = arith.constant 0 : i32
    %dma_wait3A_135 = tpu.memref_slice %arg12[%dma_wait3A_129, %dma_wait3A_132, %dma_wait3A_133, %dma_wait3A_134] : memref<5x8x8x129xf32, #tpu.memory_space<vmem>> -> memref<1x8x8x128xf32, #tpu.memory_space<vmem>>
    %dma_wait3A_136 = tpu.memref_squeeze %dma_wait3A_135 : memref<1x8x8x128xf32, #tpu.memory_space<vmem>> -> memref<8x8x128xf32, #tpu.memory_space<vmem>>
    %dma_wait3A_137 = arith.constant 0 : i32
    %dma_wait3A_138 = arith.constant 0 : i32
    %dma_wait3A_139 = arith.constant 0 : i32
    %dma_wait3A_140 = tpu.memref_slice %arg7[%dma_wait3A_130, %dma_wait3A_137, %add3A, %dma_wait3A_138, %dma_wait3A_139] : memref<50x8x32x8x128xf32, #tpu.memory_space<hbm>> -> memref<1x8x1x8x128xf32, #tpu.memory_space<hbm>>
    %dma_wait3A_141 = tpu.memref_squeeze %dma_wait3A_140 : memref<1x8x1x8x128xf32, #tpu.memory_space<hbm>> -> memref<8x8x128xf32, #tpu.memory_space<hbm>>
    %dma_wait3A_142 = tpu.memref_slice %arg16[%dma_wait3A_131] : memref<5x!tpu.dma_semaphore, #tpu.memory_space<semaphore_mem>> -> memref<1x!tpu.dma_semaphore, #tpu.memory_space<semaphore_mem>>
    %dma_wait3A_143 = tpu.memref_squeeze %dma_wait3A_142 : memref<1x!tpu.dma_semaphore, #tpu.memory_space<semaphore_mem>> -> memref<!tpu.dma_semaphore, #tpu.memory_space<semaphore_mem>>
    %dma_wait3A_144 = arith.constant 0 : i32
    %dma_wait3A_145 = arith.constant 0 : i32
    %dma_wait3A_146 = arith.constant 0 : i32
    %dma_wait3A_147 = tpu.memref_slice %arg7[%dma_wait3A_130, %dma_wait3A_144, %add3A, %dma_wait3A_145, %dma_wait3A_146] : memref<50x8x32x8x128xf32, #tpu.memory_space<hbm>> -> memref<1x8x1x8x128xf32, #tpu.memory_space<hbm>>
    %dma_wait3A_148 = tpu.memref_squeeze %dma_wait3A_147 : memref<1x8x1x8x128xf32, #tpu.memory_space<hbm>> -> memref<8x8x128xf32, #tpu.memory_space<hbm>>
    %dma_wait3A_149 = arith.constant 0 : i32
    %dma_wait3A_150 = arith.constant 0 : i32
    %dma_wait3A_151 = arith.constant 0 : i32
    %dma_wait3A_152 = tpu.memref_slice %arg12[%dma_wait3A_129, %dma_wait3A_149, %dma_wait3A_150, %dma_wait3A_151] : memref<5x8x8x129xf32, #tpu.memory_space<vmem>> -> memref<1x8x8x128xf32, #tpu.memory_space<vmem>>
    %dma_wait3A_153 = tpu.memref_squeeze %dma_wait3A_152 : memref<1x8x8x128xf32, #tpu.memory_space<vmem>> -> memref<8x8x128xf32, #tpu.memory_space<vmem>>
    tpu.wait_dma2 semaphore(%dma_wait3A_143 : memref<!tpu.dma_semaphore, #tpu.memory_space<semaphore_mem>>) src(%dma_wait3A_153 : memref<8x8x128xf32, #tpu.memory_space<vmem>>) dst(%dma_wait3A_148 : memref<8x8x128xf32, #tpu.memory_space<hbm>>)
    %dma_wait3A_154 = arith.constant 1 : i32
    %dma_wait3A_155 = arith.constant 0 : i32
    %dma_wait3A_156 = arith.constant 1 : i32
    %dma_wait3A_157 = arith.constant 0 : i32
    %dma_wait3A_158 = arith.constant 0 : i32
    %dma_wait3A_159 = arith.constant 0 : i32
    %dma_wait3A_160 = tpu.memref_slice %arg12[%dma_wait3A_154, %dma_wait3A_157, %dma_wait3A_158, %dma_wait3A_159] : memref<5x8x8x129xf32, #tpu.memory_space<vmem>> -> memref<1x8x8x128xf32, #tpu.memory_space<vmem>>
    %dma_wait3A_161 = tpu.memref_squeeze %dma_wait3A_160 : memref<1x8x8x128xf32, #tpu.memory_space<vmem>> -> memref<8x8x128xf32, #tpu.memory_space<vmem>>
    %dma_wait3A_162 = arith.constant 0 : i32
    %dma_wait3A_163 = arith.constant 0 : i32
    %dma_wait3A_164 = arith.constant 0 : i32
    %dma_wait3A_165 = tpu.memref_slice %arg7[%dma_wait3A_155, %dma_wait3A_162, %add3A, %dma_wait3A_163, %dma_wait3A_164] : memref<50x8x32x8x128xf32, #tpu.memory_space<hbm>> -> memref<1x8x1x8x128xf32, #tpu.memory_space<hbm>>
    %dma_wait3A_166 = tpu.memref_squeeze %dma_wait3A_165 : memref<1x8x1x8x128xf32, #tpu.memory_space<hbm>> -> memref<8x8x128xf32, #tpu.memory_space<hbm>>
    %dma_wait3A_167 = tpu.memref_slice %arg16[%dma_wait3A_156] : memref<5x!tpu.dma_semaphore, #tpu.memory_space<semaphore_mem>> -> memref<1x!tpu.dma_semaphore, #tpu.memory_space<semaphore_mem>>
    %dma_wait3A_168 = tpu.memref_squeeze %dma_wait3A_167 : memref<1x!tpu.dma_semaphore, #tpu.memory_space<semaphore_mem>> -> memref<!tpu.dma_semaphore, #tpu.memory_space<semaphore_mem>>
    %dma_wait3A_169 = arith.constant 0 : i32
    %dma_wait3A_170 = arith.constant 0 : i32
    %dma_wait3A_171 = arith.constant 0 : i32
    %dma_wait3A_172 = tpu.memref_slice %arg7[%dma_wait3A_155, %dma_wait3A_169, %add3A, %dma_wait3A_170, %dma_wait3A_171] : memref<50x8x32x8x128xf32, #tpu.memory_space<hbm>> -> memref<1x8x1x8x128xf32, #tpu.memory_space<hbm>>
    %dma_wait3A_173 = tpu.memref_squeeze %dma_wait3A_172 : memref<1x8x1x8x128xf32, #tpu.memory_space<hbm>> -> memref<8x8x128xf32, #tpu.memory_space<hbm>>
    %dma_wait3A_174 = arith.constant 0 : i32
    %dma_wait3A_175 = arith.constant 0 : i32
    %dma_wait3A_176 = arith.constant 0 : i32
    %dma_wait3A_177 = tpu.memref_slice %arg12[%dma_wait3A_154, %dma_wait3A_174, %dma_wait3A_175, %dma_wait3A_176] : memref<5x8x8x129xf32, #tpu.memory_space<vmem>> -> memref<1x8x8x128xf32, #tpu.memory_space<vmem>>
    %dma_wait3A_178 = tpu.memref_squeeze %dma_wait3A_177 : memref<1x8x8x128xf32, #tpu.memory_space<vmem>> -> memref<8x8x128xf32, #tpu.memory_space<vmem>>
    tpu.wait_dma2 semaphore(%dma_wait3A_168 : memref<!tpu.dma_semaphore, #tpu.memory_space<semaphore_mem>>) src(%dma_wait3A_178 : memref<8x8x128xf32, #tpu.memory_space<vmem>>) dst(%dma_wait3A_173 : memref<8x8x128xf32, #tpu.memory_space<hbm>>)
    %dma_wait3A_179 = arith.constant 2 : i32
    %dma_wait3A_180 = arith.constant 0 : i32
    %dma_wait3A_181 = arith.constant 2 : i32
    %dma_wait3A_182 = arith.constant 0 : i32
    %dma_wait3A_183 = arith.constant 0 : i32
    %dma_wait3A_184 = arith.constant 0 : i32
    %dma_wait3A_185 = tpu.memref_slice %arg12[%dma_wait3A_179, %dma_wait3A_182, %dma_wait3A_183, %dma_wait3A_184] : memref<5x8x8x129xf32, #tpu.memory_space<vmem>> -> memref<1x8x8x128xf32, #tpu.memory_space<vmem>>
    %dma_wait3A_186 = tpu.memref_squeeze %dma_wait3A_185 : memref<1x8x8x128xf32, #tpu.memory_space<vmem>> -> memref<8x8x128xf32, #tpu.memory_space<vmem>>
    %dma_wait3A_187 = arith.constant 0 : i32
    %dma_wait3A_188 = arith.constant 0 : i32
    %dma_wait3A_189 = arith.constant 0 : i32
    %dma_wait3A_190 = tpu.memref_slice %arg7[%dma_wait3A_180, %dma_wait3A_187, %add3A, %dma_wait3A_188, %dma_wait3A_189] : memref<50x8x32x8x128xf32, #tpu.memory_space<hbm>> -> memref<1x8x1x8x128xf32, #tpu.memory_space<hbm>>
    %dma_wait3A_191 = tpu.memref_squeeze %dma_wait3A_190 : memref<1x8x1x8x128xf32, #tpu.memory_space<hbm>> -> memref<8x8x128xf32, #tpu.memory_space<hbm>>
    %dma_wait3A_192 = tpu.memref_slice %arg16[%dma_wait3A_181] : memref<5x!tpu.dma_semaphore, #tpu.memory_space<semaphore_mem>> -> memref<1x!tpu.dma_semaphore, #tpu.memory_space<semaphore_mem>>
    %dma_wait3A_193 = tpu.memref_squeeze %dma_wait3A_192 : memref<1x!tpu.dma_semaphore, #tpu.memory_space<semaphore_mem>> -> memref<!tpu.dma_semaphore, #tpu.memory_space<semaphore_mem>>
    %dma_wait3A_194 = arith.constant 0 : i32
    %dma_wait3A_195 = arith.constant 0 : i32
    %dma_wait3A_196 = arith.constant 0 : i32
    %dma_wait3A_197 = tpu.memref_slice %arg7[%dma_wait3A_180, %dma_wait3A_194, %add3A, %dma_wait3A_195, %dma_wait3A_196] : memref<50x8x32x8x128xf32, #tpu.memory_space<hbm>> -> memref<1x8x1x8x128xf32, #tpu.memory_space<hbm>>
    %dma_wait3A_198 = tpu.memref_squeeze %dma_wait3A_197 : memref<1x8x1x8x128xf32, #tpu.memory_space<hbm>> -> memref<8x8x128xf32, #tpu.memory_space<hbm>>
    %dma_wait3A_199 = arith.constant 0 : i32
    %dma_wait3A_200 = arith.constant 0 : i32
    %dma_wait3A_201 = arith.constant 0 : i32
    %dma_wait3A_202 = tpu.memref_slice %arg12[%dma_wait3A_179, %dma_wait3A_199, %dma_wait3A_200, %dma_wait3A_201] : memref<5x8x8x129xf32, #tpu.memory_space<vmem>> -> memref<1x8x8x128xf32, #tpu.memory_space<vmem>>
    %dma_wait3A_203 = tpu.memref_squeeze %dma_wait3A_202 : memref<1x8x8x128xf32, #tpu.memory_space<vmem>> -> memref<8x8x128xf32, #tpu.memory_space<vmem>>
    tpu.wait_dma2 semaphore(%dma_wait3A_193 : memref<!tpu.dma_semaphore, #tpu.memory_space<semaphore_mem>>) src(%dma_wait3A_203 : memref<8x8x128xf32, #tpu.memory_space<vmem>>) dst(%dma_wait3A_198 : memref<8x8x128xf32, #tpu.memory_space<hbm>>)
    %dma_wait3A_204 = arith.constant 3 : i32
    %dma_wait3A_205 = arith.constant 0 : i32
    %dma_wait3A_206 = arith.constant 3 : i32
    %dma_wait3A_207 = arith.constant 0 : i32
    %dma_wait3A_208 = arith.constant 0 : i32
    %dma_wait3A_209 = arith.constant 0 : i32
    %dma_wait3A_210 = tpu.memref_slice %arg12[%dma_wait3A_204, %dma_wait3A_207, %dma_wait3A_208, %dma_wait3A_209] : memref<5x8x8x129xf32, #tpu.memory_space<vmem>> -> memref<1x8x8x128xf32, #tpu.memory_space<vmem>>
    %dma_wait3A_211 = tpu.memref_squeeze %dma_wait3A_210 : memref<1x8x8x128xf32, #tpu.memory_space<vmem>> -> memref<8x8x128xf32, #tpu.memory_space<vmem>>
    %dma_wait3A_212 = arith.constant 0 : i32
    %dma_wait3A_213 = arith.constant 0 : i32
    %dma_wait3A_214 = arith.constant 0 : i32
    %dma_wait3A_215 = tpu.memref_slice %arg7[%dma_wait3A_205, %dma_wait3A_212, %add3A, %dma_wait3A_213, %dma_wait3A_214] : memref<50x8x32x8x128xf32, #tpu.memory_space<hbm>> -> memref<1x8x1x8x128xf32, #tpu.memory_space<hbm>>
    %dma_wait3A_216 = tpu.memref_squeeze %dma_wait3A_215 : memref<1x8x1x8x128xf32, #tpu.memory_space<hbm>> -> memref<8x8x128xf32, #tpu.memory_space<hbm>>
    %dma_wait3A_217 = tpu.memref_slice %arg16[%dma_wait3A_206] : memref<5x!tpu.dma_semaphore, #tpu.memory_space<semaphore_mem>> -> memref<1x!tpu.dma_semaphore, #tpu.memory_space<semaphore_mem>>
    %dma_wait3A_218 = tpu.memref_squeeze %dma_wait3A_217 : memref<1x!tpu.dma_semaphore, #tpu.memory_space<semaphore_mem>> -> memref<!tpu.dma_semaphore, #tpu.memory_space<semaphore_mem>>
    %dma_wait3A_219 = arith.constant 0 : i32
    %dma_wait3A_220 = arith.constant 0 : i32
    %dma_wait3A_221 = arith.constant 0 : i32
    %dma_wait3A_222 = tpu.memref_slice %arg7[%dma_wait3A_205, %dma_wait3A_219, %add3A, %dma_wait3A_220, %dma_wait3A_221] : memref<50x8x32x8x128xf32, #tpu.memory_space<hbm>> -> memref<1x8x1x8x128xf32, #tpu.memory_space<hbm>>
    %dma_wait3A_223 = tpu.memref_squeeze %dma_wait3A_222 : memref<1x8x1x8x128xf32, #tpu.memory_space<hbm>> -> memref<8x8x128xf32, #tpu.memory_space<hbm>>
    %dma_wait3A_224 = arith.constant 0 : i32
    %dma_wait3A_225 = arith.constant 0 : i32
    %dma_wait3A_226 = arith.constant 0 : i32
    %dma_wait3A_227 = tpu.memref_slice %arg12[%dma_wait3A_204, %dma_wait3A_224, %dma_wait3A_225, %dma_wait3A_226] : memref<5x8x8x129xf32, #tpu.memory_space<vmem>> -> memref<1x8x8x128xf32, #tpu.memory_space<vmem>>
    %dma_wait3A_228 = tpu.memref_squeeze %dma_wait3A_227 : memref<1x8x8x128xf32, #tpu.memory_space<vmem>> -> memref<8x8x128xf32, #tpu.memory_space<vmem>>
    tpu.wait_dma2 semaphore(%dma_wait3A_218 : memref<!tpu.dma_semaphore, #tpu.memory_space<semaphore_mem>>) src(%dma_wait3A_228 : memref<8x8x128xf32, #tpu.memory_space<vmem>>) dst(%dma_wait3A_223 : memref<8x8x128xf32, #tpu.memory_space<hbm>>)
    %dma_wait3A_229 = arith.constant 4 : i32
    %dma_wait3A_230 = arith.constant 0 : i32
    %dma_wait3A_231 = arith.constant 4 : i32
    %dma_wait3A_232 = arith.constant 0 : i32
    %dma_wait3A_233 = arith.constant 0 : i32
    %dma_wait3A_234 = arith.constant 0 : i32
    %dma_wait3A_235 = tpu.memref_slice %arg12[%dma_wait3A_229, %dma_wait3A_232, %dma_wait3A_233, %dma_wait3A_234] : memref<5x8x8x129xf32, #tpu.memory_space<vmem>> -> memref<1x8x8x128xf32, #tpu.memory_space<vmem>>
    %dma_wait3A_236 = tpu.memref_squeeze %dma_wait3A_235 : memref<1x8x8x128xf32, #tpu.memory_space<vmem>> -> memref<8x8x128xf32, #tpu.memory_space<vmem>>
    %dma_wait3A_237 = arith.constant 0 : i32
    %dma_wait3A_238 = arith.constant 0 : i32
    %dma_wait3A_239 = arith.constant 0 : i32
    %dma_wait3A_240 = tpu.memref_slice %arg7[%dma_wait3A_230, %dma_wait3A_237, %add3A, %dma_wait3A_238, %dma_wait3A_239] : memref<50x8x32x8x128xf32, #tpu.memory_space<hbm>> -> memref<1x8x1x8x128xf32, #tpu.memory_space<hbm>>
    %dma_wait3A_241 = tpu.memref_squeeze %dma_wait3A_240 : memref<1x8x1x8x128xf32, #tpu.memory_space<hbm>> -> memref<8x8x128xf32, #tpu.memory_space<hbm>>
    %dma_wait3A_242 = tpu.memref_slice %arg16[%dma_wait3A_231] : memref<5x!tpu.dma_semaphore, #tpu.memory_space<semaphore_mem>> -> memref<1x!tpu.dma_semaphore, #tpu.memory_space<semaphore_mem>>
    %dma_wait3A_243 = tpu.memref_squeeze %dma_wait3A_242 : memref<1x!tpu.dma_semaphore, #tpu.memory_space<semaphore_mem>> -> memref<!tpu.dma_semaphore, #tpu.memory_space<semaphore_mem>>
    %dma_wait3A_244 = arith.constant 0 : i32
    %dma_wait3A_245 = arith.constant 0 : i32
    %dma_wait3A_246 = arith.constant 0 : i32
    %dma_wait3A_247 = tpu.memref_slice %arg7[%dma_wait3A_230, %dma_wait3A_244, %add3A, %dma_wait3A_245, %dma_wait3A_246] : memref<50x8x32x8x128xf32, #tpu.memory_space<hbm>> -> memref<1x8x1x8x128xf32, #tpu.memory_space<hbm>>
    %dma_wait3A_248 = tpu.memref_squeeze %dma_wait3A_247 : memref<1x8x1x8x128xf32, #tpu.memory_space<hbm>> -> memref<8x8x128xf32, #tpu.memory_space<hbm>>
    %dma_wait3A_249 = arith.constant 0 : i32
    %dma_wait3A_250 = arith.constant 0 : i32
    %dma_wait3A_251 = arith.constant 0 : i32
    %dma_wait3A_252 = tpu.memref_slice %arg12[%dma_wait3A_229, %dma_wait3A_249, %dma_wait3A_250, %dma_wait3A_251] : memref<5x8x8x129xf32, #tpu.memory_space<vmem>> -> memref<1x8x8x128xf32, #tpu.memory_space<vmem>>
    %dma_wait3A_253 = tpu.memref_squeeze %dma_wait3A_252 : memref<1x8x8x128xf32, #tpu.memory_space<vmem>> -> memref<8x8x128xf32, #tpu.memory_space<vmem>>
    tpu.wait_dma2 semaphore(%dma_wait3A_243 : memref<!tpu.dma_semaphore, #tpu.memory_space<semaphore_mem>>) src(%dma_wait3A_253 : memref<8x8x128xf32, #tpu.memory_space<vmem>>) dst(%dma_wait3A_248 : memref<8x8x128xf32, #tpu.memory_space<hbm>>)
    %dma_wait3A_254 = arith.constant 0 : i32
    %dma_wait3A_255 = arith.constant 0 : i32
    %dma_wait3A_256 = arith.constant 0 : i32
    %dma_wait3A_257 = tpu.memref_slice %arg14[%dma_wait3A_254, %dma_wait3A_255, %dma_wait3A_256] : memref<8x8x129xf32, #tpu.memory_space<vmem>> -> memref<8x8x128xf32, #tpu.memory_space<vmem>>
    %dma_wait3A_258 = arith.constant 0 : i32
    %dma_wait3A_259 = arith.constant 0 : i32
    %dma_wait3A_260 = arith.constant 0 : i32
    %dma_wait3A_261 = tpu.memref_slice %arg6[%dma_wait3A_258, %add3A, %dma_wait3A_259, %dma_wait3A_260] : memref<8x32x8x128xf32, #tpu.memory_space<hbm>> -> memref<8x1x8x128xf32, #tpu.memory_space<hbm>>
    %dma_wait3A_262 = tpu.memref_squeeze %dma_wait3A_261 : memref<8x1x8x128xf32, #tpu.memory_space<hbm>> -> memref<8x8x128xf32, #tpu.memory_space<hbm>>
    %dma_wait3A_263 = arith.constant 0 : i32
    %dma_wait3A_264 = arith.constant 0 : i32
    %dma_wait3A_265 = arith.constant 0 : i32
    %dma_wait3A_266 = tpu.memref_slice %arg6[%dma_wait3A_263, %add3A, %dma_wait3A_264, %dma_wait3A_265] : memref<8x32x8x128xf32, #tpu.memory_space<hbm>> -> memref<8x1x8x128xf32, #tpu.memory_space<hbm>>
    %dma_wait3A_267 = tpu.memref_squeeze %dma_wait3A_266 : memref<8x1x8x128xf32, #tpu.memory_space<hbm>> -> memref<8x8x128xf32, #tpu.memory_space<hbm>>
    %dma_wait3A_268 = arith.constant 0 : i32
    %dma_wait3A_269 = arith.constant 0 : i32
    %dma_wait3A_270 = arith.constant 0 : i32
    %dma_wait3A_271 = tpu.memref_slice %arg14[%dma_wait3A_268, %dma_wait3A_269, %dma_wait3A_270] : memref<8x8x129xf32, #tpu.memory_space<vmem>> -> memref<8x8x128xf32, #tpu.memory_space<vmem>>
    tpu.wait_dma2 semaphore(%arg18 : memref<!tpu.dma_semaphore, #tpu.memory_space<semaphore_mem>>) src(%dma_wait3A_271 : memref<8x8x128xf32, #tpu.memory_space<vmem>>) dst(%dma_wait3A_267 : memref<8x8x128xf32, #tpu.memory_space<hbm>>)
    return
  }
}

</mosaic_0001>

<sc_bundles>
// kernel: kernel.3.cloned.1.call-start
scs
__scs_entry_jumppad:
0x0: {  	(pc) =	sbr.rel $0x88, $3  }
0x1: {  	(tag) =	ssettag $0x0;
	lr =	simm.s32 $0x1  }
0x2: {  	[smem:$0x3F9D] =	sst lr;
	_ =	strace $0xD0000000  }
0x3: {  	_ = 	snop  }
0x4: {  	_ = 	snop  }
0x5: {  	_ = 	snop  }
0x6: {  	_ = 	snop  }
0x7: {  	_ = 	snop  }
__scs_overlays_trampoline_lowered:
0x8: {  	[smem:$0x3FAC] =	sst s0  }
0x9: {  	[smem:$0x3FAD] =	sst s1  }
0xa: {  	[smem:$0x3FAE] =	sst s2  }
0xb: {  	[smem:$0x3FAF] =	sst s3  }
0xc: {  	[smem:$0x3FB0] =	sst s4  }
0xd: {  	[smem:$0x3FB1] =	sst s5  }
0xe: {  	[smem:$0x3FB2] =	sst s6  }
0xf: {  	[smem:$0x3FB3] =	sst s7  }
0x10: {  	[smem:$0x3FB4] =	sst s8  }
0x11: {  	[smem:$0x3FB5] =	sst s9;
	s0 =	simm.s32 @!p0 $0x0  }
0x12: {  	s1 =	sld [smem:$0x3F9B];
	s0 =	simm.s32 @p0 $0x1  }
0x13: {  	[smem:$0x3FB6] =	sst s0;
	s0 =	simm.s32 @!p1 $0x0  }
0x14: {  	s2 =	sld [smem:$0x3F9A];
	s0 =	simm.s32 @p1 $0x1  }
0x15: {  	[smem:$0x3FB7] =	sst s0;
	s0 =	simm.s32 @!p2 $0x0  }
0x16: {  	s3 =	sld [smem:$0x3FDB];
	s0 =	simm.s32 @p2 $0x1  }
0x17: {  	s4 =	simm.s32 $0x1BF5;
	[smem:$0x3FB9] =	sst s0  }
0x18: {  	s0 =	sld [smem:$0x3F9C];
	_ =	swait.ge [sflag:s4], $0x0  }
0x19: {  	s7 =	sld [smem:$0x3F9D]  }
0x1a: {  	s8 =	sadd.s32 $0xFFFFE003, lr  }
0x1b: {  	s9 =	sadd.s32 $0xFFFFFEF7, lr;
	s5 =	simm.s32 $0xFFFFFFFF;
	p2 =	slt.u32 s8, $0xFFFFF086  }
0x1c: {  	p1 =	slt.u32 s9, $0xF7A;
	s5 =	simm.s32 @!p2 $0x0  }
0x1d: {  	s5 =	simm.s32 @p1 $0x1;
	p0 =	seq.s32 s7, s2  }
0x1e: {  	s7 =	smul.u32 @!p0 $0xF7A, s2;
	p2 =	seq.s32 @!p0 s5, $0x0  }
0x1f: {  	s9 =	smul.u32 $0xF7A, s1;
	s8 =	simm.s32 @!p0 $0x1BF5;
	p2 =	por !p2, p0  }
0x20: {  	[sflag:s8] =	ssyncset.s32 @!p0 $0xFFFFF086;
	s6 =	sadd.s32 @!p0 s3, s7;
	s7 =	simm.s32 @!p0 $0x108  }
0x21: {  	s3 =	sadd.s32 s3, s9;
	s6 =	sadd.s32 @!p0 $0x88, s6;
	s7 =	simm.s32 @p2 $0x1082  }
0x22: {  	[simem:s7], [sflag:s8] =	dma.local @!p0 [hbm:s6], $0xF7A  }
0x23: {  	s9 =	sor.u32 $0xD0000000, s2;
	s6 =	simm.s32 $0x108;
	_ =	swait.ge @!p0 [sflag:s8], $0x0  }
0x24: {  	s3 =	sadd.s32 $0x88, s3;
	s6 =	simm.s32 @!p1 $0x1082;
	[sflag:s4] =	ssyncset.s32 $0xFFFFF086  }
0x25: {  	[simem:s6], [sflag:s4] =	dma.local [hbm:s3], $0xF7A  }
0x26: {  	[smem:$0x3F9D] =	sst s1;
	(tag) =	ssettag s2;
	_ =	strace s9  }
0x27: {  	s1 =	sld [smem:$0x3FAD]  }
0x28: {  	s2 =	sld [smem:$0x3FAE]  }
0x29: {  	s4 =	sld [smem:$0x3FB0]  }
0x2a: {  	p0 =	seq.s32 s5, $0x0;
	s5 =	sld [smem:$0x3FB1]  }
0x2b: {  	s6 =	sld [smem:$0x3FB2]  }
0x2c: {  	s7 =	sld [smem:$0x3FB3]  }
0x2d: {  	s3 =	simm.s32 $0x108;
	s8 =	sld [smem:$0x3FB4]  }
0x2e: {  	s3 =	simm.s32 @!p0 $0x1082;
	s9 =	sld [smem:$0x3FB5]  }
0x2f: {  	lr =	sadd.s32 s0, s3;
	s0 =	sld [smem:$0x3FAC]  }
0x30: {  	s3 =	sld [smem:$0x3FAF]  }
0x31: {  	[smem:$0x3FB8] =	sst s10  }
0x32: {  	s10 =	sld [smem:$0x3FB6];
	_ =	sdelay $0x3  }
0x33: {  	p0 =	seq.s32 s10, $0x1;
	s10 =	sld [smem:$0x3FB8];
	_ =	sdelay $0x3  }
0x34: {  	[smem:$0x3FB8] =	sst s10  }
0x35: {  	s10 =	sld [smem:$0x3FB7];
	_ =	sdelay $0x3  }
0x36: {  	p1 =	seq.s32 s10, $0x1;
	s10 =	sld [smem:$0x3FB8];
	_ =	sdelay $0x3  }
0x37: {  	[smem:$0x3FB8] =	sst s10  }
0x38: {  	s10 =	sld [smem:$0x3FB9]  }
0x39: {  	_ = 	snop;
	(pc) =	sbr.ind lr, $3  }
0x3a: {  	_ = 	snop  }
0x3b: {  	_ = 	snop  }
0x3c: {  	p2 =	seq.s32 s10, $0x1;
	s10 =	sld [smem:$0x3FB8]  }
0x3d: {  	_ =	shalt  }
0x3e: {  	_ =	shalt  }
0x3f: {  	_ =	shalt  }
0x40: {  	_ =	shalt  }
0x41: {  	_ =	shalt  }
0x42: {  	_ =	shalt  }
0x43: {  	_ =	shalt  }
0x44: {  	_ =	shalt  }
0x45: {  	_ =	shalt  }
0x46: {  	_ =	shalt  }
0x47: {  	_ =	shalt  }
0x48: {  	_ =	shalt  }
0x49: {  	_ =	shalt  }
0x4a: {  	_ =	shalt  }
0x4b: {  	_ =	shalt  }
0x4c: {  	_ =	shalt  }
0x4d: {  	_ =	shalt  }
0x4e: {  	_ =	shalt  }
0x4f: {  	_ =	shalt  }
0x50: {  	_ =	shalt  }
0x51: {  	_ =	shalt  }
0x52: {  	_ =	shalt  }
0x53: {  	_ =	shalt  }
0x54: {  	_ =	shalt  }
0x55: {  	_ =	shalt  }
0x56: {  	_ =	shalt  }
0x57: {  	_ =	shalt  }
0x58: {  	_ =	shalt  }
0x59: {  	_ =	shalt  }
0x5a: {  	_ =	shalt  }
0x5b: {  	_ =	shalt  }
0x5c: {  	_ =	shalt  }
0x5d: {  	_ =	shalt  }
0x5e: {  	_ =	shalt  }
0x5f: {  	_ =	shalt  }
0x60: {  	_ =	shalt  }
0x61: {  	_ =	shalt  }
0x62: {  	_ =	shalt  }
0x63: {  	_ =	shalt  }
0x64: {  	_ =	shalt  }
0x65: {  	_ =	shalt  }
0x66: {  	_ =	shalt  }
0x67: {  	_ =	shalt  }
0x68: {  	_ =	shalt  }
0x69: {  	_ =	shalt  }
0x6a: {  	_ =	shalt  }
0x6b: {  	_ =	shalt  }
0x6c: {  	_ =	shalt  }
0x6d: {  	_ =	shalt  }
0x6e: {  	_ =	shalt  }
0x6f: {  	_ =	shalt  }
0x70: {  	_ =	shalt  }
0x71: {  	_ =	shalt  }
0x72: {  	_ =	shalt  }
0x73: {  	_ =	shalt  }
0x74: {  	_ =	shalt  }
0x75: {  	_ =	shalt  }
0x76: {  	_ =	shalt  }
0x77: {  	_ =	shalt  }
0x78: {  	_ =	shalt  }
0x79: {  	_ =	shalt  }
0x7a: {  	_ =	shalt  }
0x7b: {  	_ =	shalt  }
0x7c: {  	_ =	shalt  }
0x7d: {  	_ =	shalt  }
0x7e: {  	_ =	shalt  }
0x7f: {  	_ =	shalt  }
0x80: {  	_ =	shalt  }
0x81: {  	_ =	shalt  }
0x82: {  	_ =	shalt  }
0x83: {  	_ =	shalt  }
0x84: {  	_ =	shalt  }
0x85: {  	_ =	shalt  }
0x86: {  	_ =	shalt  }
0x87: {  	_ =	shalt  }
.Lfunc_end0:
.L_simem_size_0:
called_computation_lowered:
.L_overlay_start_0:
0x88: {  	s2 =	sld [smem:$0x3FD9]  }
0x89: {  	s3 =	sld [smem:$0x3FFE];
	_ =	sdelay $0x1  }
0x8a: {  	s1 =	srdreg.scid  }
0x8b: {  	s0 =	sand.u32 $0x1, s1  }
0x8c: {  	s14 =	sshll.u32 s0, $0xA;
	s2 =	sadd.s32 s3, s2  }
0x8d: {  	s2 =	sadd.s32 s2, s14  }
0x8e: {  	[smem:$0x3FC4] =	sst s2  }
0x8f: {  	_ = 	snop  }
0x90: {  	s2 =	sld [smem:$0x3FD0];
	_ =	sdelay $0x2  }
0x91: {  	s4 =	simm.s32 $0xA;
	s5 =	simm.s32 $0x10;
	s15 =	sld [smem:$0x3FC8]  }
0x92: {  	[smem:s5], [sflag:s4] =	dma.local [hbm:s2], $0x1  }
0x93: {  	_ =	swait.eq [sflag:s4], $0x1  }
0x94: {  	[sflag:s4] =	ssyncset.done $0x0  }
0x95: {  	s16 =	sld [smem:$0x10];
	[sflag:s4] =	ssyncadd.s32 $0xFFFFFFFF  }
0x96: {  	s17 =	sld [smem:$0x11];
	(tm) =	ssettm $0x1  }
0x97: {  	s18 =	sld [smem:$0x3FFB];
	_ =	sdelay $0x3  }
0x98: {  	_ =	strace s18  }
0x99: {  	s5 =	sld [smem:$0x3FFC];
	_ =	sdelay $0x3  }
0x9a: {  	_ =	strace s5  }
0x9b: {  	s5 =	sld [smem:$0x3FFD];
	_ =	sdelay $0x3  }
0x9c: {  	_ =	strace s5  }
0x9d: {  	_ =	strace $0x8FFFFFFF  }
0x9e: {  	s19 =	sld [smem:$0x3FDB];
	_ =	sdelay $0x1  }
0x9f: {  	s6 =	simm.s32 $_scs_section_size  }
0xa0: {  	s7 =	simm.s32 $_size__tile_overlayer_lowered;
	s8 =	simm.s32 $_tile_overlayer_lowered  }
0xa1: {  	s22 =	simm.s32 $0x1BFF;
	s21 =	sshll.u32 s8, $0x1;
	s5 =	sadd.s32 s6, s19  }
0xa2: {  	s9 =	simm.s32 $0x0;
	s20 =	sshll.u32 s7, $0x1;
	s7 =	sadd.s32 s21, s5  }
0xa3: {  	[timem:s9], [sflag:s22] =	dma.local [hbm:s7], s20  }
0xa4: {  	_ =	swait.ge [sflag:s22], s20  }
0xa5: {  	s6 =	ssub.s32 $0x0, s20;
	[sflag:s22] =	ssyncset.done $0x0  }
0xa6: {  	[sflag:s22] =	ssyncadd.s32 s6;
	_ =	sdelay $0x1  }
0xa7: {  	s23 =	simm.s32 $0x1B8B  }
0xa8: {  	_ =	swait.ge [sflag:s23], $0x1  }
0xa9: {  	[sflag:s23] =	ssyncset.done $0x0  }
0xaa: {  	s25 =	simm.s32 $0x1B8E;
	s24 =	sld [smem:$0x3FFE];
	[sflag:s23] =	ssyncadd.s32 $0xFFFFFFFF  }
0xab: {  	s26 =	simm.s32 $execute0_lowered;
	[smem:$0x3FD2] =	sst s25  }
0xac: {  	s7 =	sshll.u32 s26, $0x1;
	_ =	strace $0x80000046;
	[dreg:$0x1] =	wrdreg $0xFFFFFFFF  }
0xad: {  	s28 =	simm.s32 $_size_execute0_lowered;
	s5 =	sadd.s32 s5, s7;
	[dreg:$0x0] =	wrdreg $0x0  }
0xae: {  	s7 =	sshll.u32 s28, $0x1;
	[dreg:$0x2] =	wrdreg s5  }
0xaf: {  	[dreg:$0x3] =	wrdreg s7  }
0xb0: {  	[dreg:$0x4] =	wrdreg $0xC0  }
0xb1: {  	_ =	task [dreg:s9], $0x5FFFF  }
0xb2: {  	[dreg:$0x1] =	wrdreg $0xFFFFFFFF  }
0xb3: {  	[dreg:$0x0] =	wrdreg $0x60  }
0xb4: {  	[dreg:$0x2] =	wrdreg s24  }
0xb5: {  	[dreg:$0x3] =	wrdreg s15  }
0xb6: {  	[dreg:$0x4] =	wrdreg s16  }
0xb7: {  	[dreg:$0x5] =	wrdreg s17  }
0xb8: {  	[dreg:$0x6] =	wrdreg $0x9  }
0xb9: {  	_ =	task.clear_ibuf [dreg:s9], $0x7FFFF;
	_ =	strace $0x90000046  }
0xba: {  	s29 =	simm.s32 $0x9;
	_ =	strace $0x80000048  }
0xbb: {  	_ =	swait.ge [sflag:s29], $0x1  }
0xbc: {  	[sflag:s29] =	ssyncadd.s32 $0xFFFFFFFF  }
0xbd: {  	_ =	strace $0x90000048  }
0xbe: {  	_ =	sfence  }
0xbf: {  	s30 =	sld [smem:$0x0];
	_ =	sdelay $0x2  }
0xc0: {  	s31 =	sshll.u32 s1, $0xD;
	s1 =	sshrl.u32 s1, $0x2  }
0xc1: {  	s3 =	sand.u32 $0x4000, s31;
	s1 =	sadd.s32 s1, s30  }
0xc2: {  	s0 =	sor.u32 s3, s0;
	s1 =	sshll.u32 s1, $0x11  }
0xc3: {  	s0 =	sor.u32 s1, s0  }
0xc4: {  	s0 =	sadd.s32 $0x8F2B, s0  }
0xc5: {  	[sflag:s0] =	ssyncadd.remote.s32 $0x1  }
0xc6: {  	_ =	sfence.sel $0xFFFF  }
0xc7: {  	[dreg:$0x0] =	wrdreg $0xFFFFFFFF;
	(pc) =	sbr.abs _section_cstart, $3  }
0xc8: {  	[dreg:$0x1] =	wrdreg $0xFFFFFFFF  }
0xc9: {  	_ =	task.clear_ibuf [dreg:s9], $0x2FFFF;
	_ =	strace $0x9FFFFFFF  }
0xca: {  	(tm) =	ssettm $0x7FFFFFFF  }
0xcb: {  	_ =	shalt  }
tec
execute0_lowered:
.L_overlay_start_1:
0x0: {  	(tag) =	ssettag $0x1  }
0x1: {  	s0 =	rddreg [dreg:$0x0]  }
0x2: {  	s1 =	rddreg [dreg:$0x1]  }
0x3: {  	s5 =	rddreg [dreg:$0x2]  }
0x4: {  	s2 =	rddreg [dreg:$0x3]  }
0x5: {  	s4 =	srdreg.scid;
	s6 =	stileid.u32  }
0x6: {  	s3 =	simm.s32 $0x0;
	s11 =	simm.s32 $0x80;
	s14 =	simm.s32 $0x1900  }
0x7: {  	s22 =	simm.s32 $0x9280;
	s28 =	simm.s32 $0xB280;
	s29 =	simm.s32 $0x2  }
0x8: {  	s30 =	simm.s32 $0xF480;
	s31 =	simm.s32 $0x3;
	s16 =	simm.s32 $0x13880  }
0x9: {  	s17 =	simm.s32 $0x5;
	s18 =	simm.s32 $0x15A80;
	s12 =	simm.s32 $0x9  }
0xa: {  	s4 =	sand.u32 $0x1, s4;
	s6 =	sshll.u32 s6, $0x1;
	[smem:$0x7FF] =	sst s3  }
0xb: {  	s6 =	sor.u32 s4, s6;
	s7 =	ssub.s32 $0x2, s4;
	_ =	strace $0x80000047  }
0xc: {  	s4 =	sadd.s32 $0xD000, s0;
	s8 =	sshll.u32 s6, $0x4;
	s9 =	sshrl.u32 s7, $0x1  }
0xd: {  	s25 =	sshll.u32 s6, $0x7;
	s0 =	sadd.s32 s8, s0;
	s7 =	ssub.s32 s7, s9  }
0xe: {  	s1 =	sadd.s32 s1, s8;
	s8 =	sshll.u32 s6, $0xA;
	s24 =	sadd.s32 $0x800, s0  }
.Ltmp0:
0xf: {  	s0 =	sadd.s32 $0x6C00, s0;
	[dreg:$0x7] =	wrdreg s1;
	(pc) =	sbr.rel .LBB2_1-.Ltmp0, $4  }
0x10: {  	v0 =	vlaneseq.u32;
	s26 =	smax.u32 s7, $0x1;
	s1 =	simm.s32 $0x4;
	[dreg:$0x5] =	wrdreg s24  }
0x11: {  	v0 =	vmul.u32 $0x88, v0;
	s7 =	simm.s32 $0x0;
	[dreg:$0x6] =	wrdreg s0;
	s0 =	sadd.s32 s5, s25  }
0x12: {  	[dreg:$0x9] =	wrdreg s26;
	s24 =	simm.s32 $0x19C80;
	s25 =	simm.s32 $0x1  }
0x13: {  	v1 =	vadd.s32 $0x880, v0;
	v2 =	vadd.s32 $0x1100, v0;
	v3 =	vadd.s32 $0x1980, v0;
	s26 =	simm.s32 $0xD280;
	[dreg:$0x8] =	wrdreg s0;
	s0 =	simm.s32 $0x11680  }
.LBB2_28:
0x14: {  	s5 =	simm.s32 $0x6  }
0x15: {  	_ =	swait.ge [sflag:s5], $0x2000  }
0x16: {  	[sflag:s5] =	ssyncset.done $0x0  }
0x17: {  	s19 =	simm.s32 $0x7;
	[sflag:s5] =	ssyncadd.s32 $0xFFFFE000  }
0x18: {  	_ =	swait.ge [sflag:s19], $0x2000  }
0x19: {  	[sflag:s19] =	ssyncset.done $0x0  }
0x1a: {  	s20 =	simm.s32 $0x8;
	[sflag:s19] =	ssyncadd.s32 $0xFFFFE000  }
0x1b: {  	_ =	swait.ge [sflag:s20], $0x2000  }
0x1c: {  	[sflag:s20] =	ssyncset.done $0x0  }
0x1d: {  	[sflag:s20] =	ssyncadd.s32 $0xFFFFE000  }
0x1e: {  	_ =	swait.ge [sflag:s12], $0x2000  }
0x1f: {  	[sflag:s12] =	ssyncset.done $0x0  }
0x20: {  	s21 =	simm.s32 $0xA;
	[sflag:s12] =	ssyncadd.s32 $0xFFFFE000  }
0x21: {  	_ =	swait.ge [sflag:s21], $0x2000  }
0x22: {  	[sflag:s21] =	ssyncset.done $0x0  }
0x23: {  	s6 =	simm.s32 $0xC;
	[sflag:s21] =	ssyncadd.s32 $0xFFFFE000  }
0x24: {  	_ =	swait.ge [sflag:s6], $0x2000  }
0x25: {  	s7 =	rddreg [dreg:$0xa]  }
0x26: {  	s23 =	rddreg [dreg:$0x9];
	s7 =	sadd.s32 $0x1, s7  }
0x27: {  	p0 =	sne.s32 s7, s23  }
.Ltmp1:
0x28: {  	_ = 	snop;
	(pc) =	sbr.rel @!p0 .LBB2_29-.Ltmp1, $3  }
0x29: {  	_ =	sdelay $0x1  }
0x2a: {  	[sflag:s6] =	ssyncset.done $0x0  }
0x2b: {  	[sflag:s6] =	ssyncadd.s32 $0xFFFFE000  }
.LBB2_1:
0x2c: {  	[dreg:$0xa] =	wrdreg s7  }
0x2d: {  	s5 =	rddreg [dreg:$0x5];
	s6 =	simm.s32 $0x1000;
	s23 =	simm.s32 $0xD  }
0x2e: {  	[tilespmem:s3], [sflag:$0xD] =	stream.strided.gather [hbm4b:s5+s11], $0x1900, s6, s11, $0x38;
	[tilespmem:$0x1BE80] =	vst v63  }
0x2f: {  	_ =	swait.ge [sflag:s23], $0x1900  }
0x30: {  	[sflag:s23] =	ssyncset.done $0x0  }
0x31: {  	s9 =	rddreg [dreg:$0x6];
	[sflag:s23] =	ssyncadd.s32 $0xFFFFE700  }
0x32: {  	[tilespmem:s14], [sflag:$0xD] =	stream.strided.gather [hbm4b:s9+s11], $0x1900, s6, s11, $0x38;
	[tilespmem:$0x1BE80] =	vst v63  }
0x33: {  	_ =	swait.ge [sflag:s23], $0x1900  }
0x34: {  	[sflag:s23] =	ssyncset.done $0x0  }
0x35: {  	s13 =	simm.s32 $0x3200;
	s10 =	rddreg [dreg:$0x7];
	[sflag:s23] =	ssyncadd.s32 $0xFFFFE700  }
0x36: {  	[tilespmem:s13], [sflag:$0xD] =	stream.linear.gather [hbm4b:s10+s3], $0x80, $0x38;
	[tilespmem:$0x1BE80] =	vst v63  }
0x37: {  	_ =	swait.ge [sflag:s23], $0x80  }
0x38: {  	[sflag:s23] =	ssyncset.done $0x0  }
0x39: {  	s15 =	simm.s32 $0x17C80;
	[sflag:s23] =	ssyncadd.s32 $0xFFFFFF80  }
0x3a: {  	[tilespmem:s15], [sflag:$0xB] =	stream.indirect.gather [hbm4b:s4+s11], $0x40, s13, s11, $0xb8;
	[tilespmem:$0x1BE80] =	vst v63  }
0x3b: {  	s19 =	simm.s32 $0x3280  }
0x3c: {  	[tilespmem:s19], [sflag:$0x1] =	stream.indirect.gather [hbm4b:s4+s11], $0x40, s3, s11, $0xb8;
	[tilespmem:$0x1BE80] =	vst v63  }
0x3d: {  	s20 =	simm.s32 $0x5280  }
0x3e: {  	[tilespmem:s20], [sflag:$0x2] =	stream.indirect.gather [hbm4b:s4+s11], $0x40, s11, s11, $0xb8;
	[tilespmem:$0x1BE80] =	vst v63  }
0x3f: {  	s21 =	simm.s32 $0x100;
	s23 =	simm.s32 $0x7280  }
0x40: {  	[tilespmem:s23], [sflag:$0x3] =	stream.indirect.gather [hbm4b:s4+s11], $0x40, s21, s11, $0xb8;
	[tilespmem:$0x1BE80] =	vst v63  }
0x41: {  	s7 =	simm.s32 $0x180;
	s9 =	simm.s32 $0xB  }
0x42: {  	[tilespmem:s22], [sflag:$0x4] =	stream.indirect.gather [hbm4b:s4+s11], $0x40, s7, s11, $0xb8;
	[tilespmem:$0x1BE80] =	vst v63  }
0x43: {  	s10 =	simm.s32 $0x3;
	_ =	swait.ge [sflag:s9], $0x2000  }
0x44: {  	v4 =	vmov s10;
	[sflag:s9] =	ssyncset.done $0x0  }
0x45: {  	v5 =	vand.u32 $0x7F, v4;
	v4 =	vmov s3;
	s13 =	simm.s32 $0x1;
	s7 =	simm.s32 $0x17D00;
	[sflag:s9] =	ssyncadd.s32 $0xFFFFE000  }
0x46: {  	v8 =	vadd.s32 v0, v5;
	v6 =	vand.u32 $0x7C, v4;
	v4 =	vmov s13;
	v7 =	vld [tilespmem:s7+$0x40]  }
0x47: {  	v10 =	vadd.s32 v0, v6;
	v11 =	vand.u32 $0x7D, v4;
	v9 =	vld [tilespmem:s7+$0xFFFFFF80]  }
0x48: {  	s15 =	simm.s32 $0x2;
	v12 =	vadd.s32 v0, v11;
	v4 =	vld [tilespmem:s7+$0xFFFFFFC0]  }
0x49: {  	v13 =	vmov s15  }
0x4a: {  	v13 =	vand.u32 $0x7E, v13  }
0x4b: {  	v15 =	vadd.s32 v0, v13;
	v14 =	vld [tilespmem:s7+$0x0];
	[tilespmem:v8+s24+$0x0] =	vst.idx.msk $0xffff, v7  }
0x4c: {  	v8 =	vadd.s32 v1, v5;
	[tilespmem:v10+s24+$0x0] =	vst.idx.msk $0xffff, v9;
	v7 =	vld [tilespmem:s7+$0x50]  }
0x4d: {  	v10 =	vadd.s32 v1, v6;
	[tilespmem:v12+s24+$0x0] =	vst.idx.msk $0xffff, v4;
	v9 =	vld [tilespmem:s7+$0xFFFFFF90]  }
0x4e: {  	v12 =	vadd.s32 v1, v11;
	v4 =	vld [tilespmem:s7+$0xFFFFFFD0];
	_ =	sdelay $0x1  }
0x4f: {  	[tilespmem:v15+s24+$0x0] =	vst.idx.msk $0xffff, v14  }
0x50: {  	v16 =	vadd.s32 v1, v13;
	v15 =	vld [tilespmem:s7+$0x10];
	[tilespmem:v8+s24+$0x0] =	vst.idx.msk $0xffff, v7  }
0x51: {  	s19 =	simm.s32 $0x7;
	v14 =	vadd.s32 v2, v5;
	[tilespmem:v10+s24+$0x0] =	vst.idx.msk $0xffff, v9;
	v7 =	vld [tilespmem:s7+$0x60]  }
0x52: {  	v10 =	vadd.s32 v2, v6;
	v8 =	vmov s19;
	[tilespmem:v12+s24+$0x0] =	vst.idx.msk $0xffff, v4;
	v9 =	vld [tilespmem:s7+$0xFFFFFFA0]  }
0x53: {  	s5 =	simm.s32 $0x17E00;
	v17 =	vadd.s32 v2, v11;
	v8 =	vand.u32 $0x7F, v8;
	v12 =	vld [tilespmem:s7+$0xFFFFFFE0]  }
0x54: {  	s20 =	simm.s32 $0x4;
	v18 =	vld [tilespmem:s5+$0x40];
	v19 =	vadd.s32 v0, v8  }
0x55: {  	s21 =	simm.s32 $0x5;
	v4 =	vmov s20;
	[tilespmem:v16+s24+$0x0] =	vst.idx.msk $0xffff, v15  }
0x56: {  	v22 =	vmov s21;
	v4 =	vand.u32 $0x7C, v4;
	[tilespmem:v14+s24+$0x0] =	vst.idx.msk $0xffff, v7  }
0x57: {  	s23 =	simm.s32 $0x6;
	v20 =	vld [tilespmem:s5+$0xFFFFFF80];
	v21 =	vadd.s32 v0, v4;
	v7 =	vand.u32 $0x7D, v22;
	[tilespmem:v10+s24+$0x0] =	vst.idx.msk $0xffff, v9  }
0x58: {  	v14 =	vmov s23;
	v9 =	vld [tilespmem:s5+$0xFFFFFFC0];
	[tilespmem:v17+s24+$0x0] =	vst.idx.msk $0xffff, v12;
	v10 =	vadd.s32 v0, v7  }
0x59: {  	v16 =	vadd.s32 v3, v5;
	v12 =	vld [tilespmem:s7+$0x20];
	v5 =	vand.u32 $0x7E, v14;
	[tilespmem:v19+s24+$0x0] =	vst.idx.msk $0xffff, v18;
	v18 =	vadd.s32 v2, v13  }
0x5a: {  	v14 =	vld [tilespmem:s5+$0x0];
	v63 =	vadd.s32 v0, v5  }
0x5b: {  	v15 =	vld [tilespmem:s7+$0x70]  }
0x5c: {  	[tilespmem:v21+s24+$0x0] =	vst.idx.msk $0xffff, v20;
	v20 =	vadd.s32 v1, v8;
	v19 =	vld [tilespmem:s5+$0x50]  }
0x5d: {  	v23 =	vadd.s32 v1, v4;
	v21 =	vld [tilespmem:s5+$0xFFFFFF90];
	[tilespmem:v10+s24+$0x0] =	vst.idx.msk $0xffff, v9  }
0x5e: {  	v25 =	vadd.s32 v3, v11;
	v24 =	vld [tilespmem:s7+$0xFFFFFFF0];
	[tilespmem:v18+s24+$0x0] =	vst.idx.msk $0xffff, v12  }
0x5f: {  	v18 =	vadd.s32 v1, v7;
	v17 =	vld [tilespmem:s5+$0xFFFFFFD0];
	[tilespmem:v63+s24+$0x0] =	vst.idx.msk $0xffff, v14  }
0x60: {  	[tilespmem:v16+s24+$0x0] =	vst.idx.msk $0xffff, v15;
	v16 =	vadd.s32 v1, v5;
	v15 =	vld [tilespmem:s5+$0x10]  }
0x61: {  	[tilespmem:v20+s24+$0x0] =	vst.idx.msk $0xffff, v19;
	v11 =	vld [tilespmem:s7+$0x30];
	v14 =	vadd.s32 v3, v13  }
0x62: {  	v12 =	vadd.s32 v2, v8;
	[tilespmem:v23+s24+$0x0] =	vst.idx.msk $0xffff, v21;
	v9 =	vld [tilespmem:s5+$0x60]  }
0x63: {  	s6 =	simm.s32 $0xB;
	s10 =	simm.s32 $0x8;
	s13 =	simm.s32 $0xC;
	[tilespmem:v25+s24+$0x0] =	vst.idx.msk $0xffff, v24;
	v13 =	vadd.s32 v2, v4;
	v10 =	vld [tilespmem:s5+$0xFFFFFFA0]  }
.LBB2_2:
0x64: {  	p0 =	slt.u32 s13, $0x7C;
	v19 =	vmov s6;
	[tilespmem:v18+s24+$0x0] =	vst.idx.msk $0xffff, v17;
	v17 =	vld [tilespmem:s7+$0xFFFFFFB0];
	v18 =	vadd.s32 v3, v6;
	v6 =	vmov v4;
	s7 =	smov.u32 s5  }
0x65: {  	v4 =	vmov s10;
	v21 =	vadd.s32 v2, v7;
	s5 =	sadd.s32 $0x100, s5;
	v19 =	vand.u32 $0x7F, v19;
	v20 =	vld [tilespmem:s7+$0xFFFFFFE0];
	[tilespmem:v16+s24+$0x0] =	vst.idx.msk $0xffff, v15  }
0x66: {  	s6 =	sadd.s32 $0x1, s10;
	v4 =	vand.u32 $0x7C, v4;
	v15 =	vld [tilespmem:s5+$0x40];
	v16 =	vadd.s32 v0, v19;
	[tilespmem:v14+s24+$0x0] =	vst.idx.msk $0xffff, v11  }
0x67: {  	v22 =	vmov s6;
	s6 =	sadd.s32 $0x2, s10;
	s10 =	smov.u32 s13;
	v14 =	vadd.s32 v0, v4;
	v11 =	vld [tilespmem:s5+$0xFFFFFF80];
	[tilespmem:v12+s24+$0x0] =	vst.idx.msk $0xffff, v9  }
0x68: {  	v9 =	vand.u32 $0x7D, v22;
	v12 =	vmov s6;
	[tilespmem:v13+s24+$0x0] =	vst.idx.msk $0xffff, v10;
	v10 =	vld [tilespmem:s7+$0x70];
	v13 =	vadd.s32 v3, v8;
	v8 =	vmovc v19  }
0x69: {  	v22 =	vadd.s32 v0, v9;
	v12 =	vand.u32 $0x7E, v12;
	v19 =	vld [tilespmem:s5+$0xFFFFFFC0];
	[tilespmem:v18+s24+$0x0] =	vst.idx.msk $0xffff, v17  }
0x6a: {  	v24 =	vadd.s32 v0, v12;
	v23 =	vld [tilespmem:s5+$0x0];
	[tilespmem:v21+s24+$0x0] =	vst.idx.msk $0xffff, v20  }
0x6b: {  	v21 =	vadd.s32 v2, v5;
	[tilespmem:v16+s24+$0x0] =	vst.idx.msk $0xffff, v15;
	v20 =	vld [tilespmem:s7+$0x20]  }
0x6c: {  	[tilespmem:v14+s24+$0x0] =	vst.idx.msk $0xffff, v11;
	v11 =	vld [tilespmem:s5+$0x50];
	v14 =	vadd.s32 v1, v8  }
0x6d: {  	v26 =	vadd.s32 v1, v4;
	v25 =	vld [tilespmem:s5+$0xFFFFFF90];
	[tilespmem:v13+s24+$0x0] =	vst.idx.msk $0xffff, v10  }
0x6e: {  	[tilespmem:v22+s24+$0x0] =	vst.idx.msk $0xffff, v19;
	v19 =	vld [tilespmem:s7+$0xFFFFFFF0];
	v22 =	vadd.s32 v3, v7;
	v7 =	vmov v9  }
.Ltmp2:
0x6f: {  	v17 =	vld [tilespmem:s5+$0xFFFFFFD0];
	v18 =	vadd.s32 v1, v7;
	[tilespmem:v24+s24+$0x0] =	vst.idx.msk $0xffff, v23;
	(pc) =	sbr.rel @p0 .LBB2_2-.Ltmp2, $4  }
0x70: {  	v16 =	vadd.s32 v1, v12;
	v15 =	vld [tilespmem:s5+$0x10];
	[tilespmem:v21+s24+$0x0] =	vst.idx.msk $0xffff, v20  }
0x71: {  	[tilespmem:v14+s24+$0x0] =	vst.idx.msk $0xffff, v11;
	v11 =	vld [tilespmem:s7+$0x30];
	v14 =	vadd.s32 v3, v5;
	v5 =	vmov v12  }
0x72: {  	v12 =	vadd.s32 v2, v8;
	[tilespmem:v26+s24+$0x0] =	vst.idx.msk $0xffff, v25;
	v9 =	vld [tilespmem:s5+$0x60]  }
0x73: {  	s13 =	sadd.s32 $0x4, s13;
	s6 =	sadd.s32 $0x3, s10;
	v13 =	vadd.s32 v2, v4;
	v10 =	vld [tilespmem:s5+$0xFFFFFFA0];
	[tilespmem:v22+s24+$0x0] =	vst.idx.msk $0xffff, v19  }
0x74: {  	_ =	sdelay $0x2  }
0x75: {  	v19 =	vmov s6  }
0x76: {  	s23 =	sadd.s32 $0x1, s10;
	[tilespmem:v18+s24+$0x0] =	vst.idx.msk $0xffff, v17;
	v30 =	vld [tilespmem:s7+$0xFFFFFFB0];
	v6 =	vadd.s32 v3, v6;
	s9 =	sadd.s32 $0x100, s5;
	v21 =	vmov s10;
	v31 =	vand.u32 $0x7F, v19  }
0x77: {  	s13 =	sadd.s32 $0x2, s10;
	v32 =	vmov s23;
	[tilespmem:v16+s24+$0x0] =	vst.idx.msk $0xffff, v15;
	v33 =	vld [tilespmem:s9+$0x40];
	v21 =	vand.u32 $0x7C, v21;
	v34 =	vadd.s32 v0, v31  }
0x78: {  	v20 =	vmov s13;
	v22 =	vld [tilespmem:s9+$0xFFFFFF80];
	v19 =	vand.u32 $0x7D, v32;
	[tilespmem:v14+s24+$0x0] =	vst.idx.msk $0xffff, v11;
	v39 =	vadd.s32 v0, v21  }
0x79: {  	v35 =	vld [tilespmem:s9+$0xFFFFFFC0];
	v20 =	vand.u32 $0x7E, v20;
	v36 =	vadd.s32 v0, v19;
	[tilespmem:v12+s24+$0x0] =	vst.idx.msk $0xffff, v9  }
0x7a: {  	v37 =	vld [tilespmem:s9+$0x0];
	v38 =	vadd.s32 v0, v20;
	[tilespmem:v13+s24+$0x0] =	vst.idx.msk $0xffff, v10  }
0x7b: {  	v41 =	vadd.s32 v2, v7;
	v40 =	vld [tilespmem:s5+$0xFFFFFFE0];
	[tilespmem:v6+s24+$0x0] =	vst.idx.msk $0xffff, v30  }
0x7c: {  	v49 =	vadd.s32 v2, v5;
	v48 =	vld [tilespmem:s5+$0x20];
	[tilespmem:v34+s24+$0x0] =	vst.idx.msk $0xffff, v33  }
0x7d: {  	v43 =	vadd.s32 v1, v31;
	[tilespmem:v39+s24+$0x0] =	vst.idx.msk $0xffff, v22;
	v15 =	vld [tilespmem:s9+$0x50]  }
0x7e: {  	v47 =	vadd.s32 v1, v21;
	[tilespmem:v36+s24+$0x0] =	vst.idx.msk $0xffff, v35;
	v46 =	vld [tilespmem:s9+$0xFFFFFF90]  }
0x7f: {  	v44 =	vadd.s32 v1, v19;
	[tilespmem:v38+s24+$0x0] =	vst.idx.msk $0xffff, v37;
	v11 =	vld [tilespmem:s9+$0xFFFFFFD0]  }
0x80: {  	v45 =	vadd.s32 v1, v20;
	[tilespmem:v41+s24+$0x0] =	vst.idx.msk $0xffff, v40;
	v9 =	vld [tilespmem:s9+$0x10]  }
0x81: {  	v8 =	vadd.s32 v3, v8;
	v42 =	vld [tilespmem:s5+$0x70];
	[tilespmem:v49+s24+$0x0] =	vst.idx.msk $0xffff, v48  }
0x82: {  	v5 =	vadd.s32 v3, v5;
	v13 =	vld [tilespmem:s5+$0x30];
	[tilespmem:v43+s24+$0x0] =	vst.idx.msk $0xffff, v15  }
0x83: {  	v52 =	vadd.s32 v2, v31;
	[tilespmem:v47+s24+$0x0] =	vst.idx.msk $0xffff, v46;
	v15 =	vld [tilespmem:s9+$0x60]  }
0x84: {  	v57 =	vadd.s32 v2, v21;
	[tilespmem:v44+s24+$0x0] =	vst.idx.msk $0xffff, v11;
	v56 =	vld [tilespmem:s9+$0xFFFFFFA0]  }
0x85: {  	v53 =	vadd.s32 v2, v19;
	[tilespmem:v45+s24+$0x0] =	vst.idx.msk $0xffff, v9;
	v11 =	vld [tilespmem:s9+$0xFFFFFFE0]  }
0x86: {  	v55 =	vadd.s32 v2, v20;
	[tilespmem:v8+s24+$0x0] =	vst.idx.msk $0xffff, v42;
	v54 =	vld [tilespmem:s9+$0x20]  }
0x87: {  	v4 =	vadd.s32 v3, v4;
	v58 =	vld [tilespmem:s5+$0xFFFFFFB0];
	[tilespmem:v5+s24+$0x0] =	vst.idx.msk $0xffff, v13  }
0x88: {  	v51 =	vadd.s32 v3, v7;
	v50 =	vld [tilespmem:s5+$0xFFFFFFF0];
	[tilespmem:v52+s24+$0x0] =	vst.idx.msk $0xffff, v15  }
0x89: {  	v60 =	vadd.s32 v3, v31;
	[tilespmem:v57+s24+$0x0] =	vst.idx.msk $0xffff, v56;
	v59 =	vld [tilespmem:s9+$0x70]  }
0x8a: {  	v63 =	vadd.s32 v3, v21;
	[tilespmem:v53+s24+$0x0] =	vst.idx.msk $0xffff, v11;
	v5 =	vld [tilespmem:s9+$0xFFFFFFB0]  }
0x8b: {  	v61 =	vadd.s32 v3, v19;
	[tilespmem:v55+s24+$0x0] =	vst.idx.msk $0xffff, v54;
	v11 =	vld [tilespmem:s9+$0xFFFFFFF0]  }
0x8c: {  	v62 =	vadd.s32 v3, v20;
	[tilespmem:v4+s24+$0x0] =	vst.idx.msk $0xffff, v58;
	v6 =	vld [tilespmem:s9+$0x30]  }
0x8d: {  	[tilespmem:v51+s24+$0x0] =	vst.idx.msk $0xffff, v50  }
0x8e: {  	[tilespmem:v60+s24+$0x0] =	vst.idx.msk $0xffff, v59  }
0x8f: {  	[tilespmem:v63+s24+$0x0] =	vst.idx.msk $0xffff, v5  }
0x90: {  	[tilespmem:v61+s24+$0x0] =	vst.idx.msk $0xffff, v11  }
0x91: {  	[tilespmem:v62+s24+$0x0] =	vst.idx.msk $0xffff, v6  }
0x92: {  	s7 =	simm.s32 $0x0;
	s15 =	simm.s32 $0x19C80;
	s9 =	rddreg [dreg:$0x8]  }
0x93: {  	[hbm4b:s9+s7] =	stream.linear.scatter [tilespmem:s15], [sflag:$0xC], $0x80, $0x38;
	[tilespmem:$0x1BE80] =	vst v63  }
0x94: {  	s19 =	simm.s32 $0x19D08;
	s20 =	sadd.s32 $0x10, s9  }
0x95: {  	[hbm4b:s20+s7] =	stream.linear.scatter [tilespmem:s19], [sflag:$0xC], $0x80, $0x38;
	[tilespmem:$0x1BE80] =	vst v63  }
0x96: {  	s21 =	simm.s32 $0x19D90;
	s6 =	simm.s32 $0x19E18;
	s23 =	sadd.s32 $0x20, s9  }
0x97: {  	[hbm4b:s23+s7] =	stream.linear.scatter [tilespmem:s21], [sflag:$0xC], $0x80, $0x38;
	[tilespmem:$0x1BE80] =	vst v63  }
0x98: {  	s13 =	simm.s32 $0x19EA0;
	s5 =	simm.s32 $0x440;
	s10 =	sadd.s32 $0x30, s9  }
0x99: {  	[hbm4b:s10+s7] =	stream.linear.scatter [tilespmem:s6], [sflag:$0xC], $0x80, $0x38;
	[tilespmem:$0x1BE80] =	vst v63  }
0x9a: {  	s15 =	sadd.s32 $0x40, s9;
	s19 =	simm.s32 $0x19F28;
	s20 =	sadd.s32 $0x50, s9  }
0x9b: {  	[hbm4b:s15+s7] =	stream.linear.scatter [tilespmem:s13], [sflag:$0xC], $0x80, $0x38;
	[tilespmem:$0x1BE80] =	vst v63  }
0x9c: {  	s21 =	simm.s32 $0x19FB0;
	s23 =	sadd.s32 $0x60, s9;
	s6 =	simm.s32 $0x2200  }
0x9d: {  	[hbm4b:s20+s7] =	stream.linear.scatter [tilespmem:s19], [sflag:$0xC], $0x80, $0x38;
	[tilespmem:$0x1BE80] =	vst v63  }
0x9e: {  	s10 =	sadd.s32 $0x1000, s9;
	s13 =	simm.s32 $0x1A038;
	s15 =	sadd.s32 $0x70, s9  }
0x9f: {  	[hbm4b:s23+s7] =	stream.linear.scatter [tilespmem:s21], [sflag:$0xC], $0x80, $0x38;
	[tilespmem:$0x1BE80] =	vst v63  }
.LBB2_4:
0xa0: {  	[hbm4b:s15+s7] =	stream.linear.scatter [tilespmem:s13], [sflag:$0xC], $0x80, $0x38;
	[tilespmem:$0x1BE80] =	vst v63  }
0xa1: {  	s13 =	smov.u32 s5;
	s5 =	smov.u32 s6  }
0xa2: {  	s19 =	sadd.s32 $0x1100, s6;
	s5 =	sshra.s32 s5, $0x2;
	s15 =	sadd.s32 $0x19C80, s13  }
0xa3: {  	[hbm4b:s10+s7] =	stream.linear.scatter [tilespmem:s15], [sflag:$0xC], $0x80, $0x38;
	[tilespmem:$0x1BE80] =	vst v63  }
0xa4: {  	p0 =	sne.s32 s6, $0x7700;
	s6 =	sadd.s32 $0x19D08, s13;
	s15 =	sadd.s32 $0x10, s10  }
0xa5: {  	[hbm4b:s15+s7] =	stream.linear.scatter [tilespmem:s6], [sflag:$0xC], $0x80, $0x38;
	[tilespmem:$0x1BE80] =	vst v63  }
0xa6: {  	s6 =	sadd.s32 $0x19D90, s13;
	s15 =	sadd.s32 $0x20, s10  }
0xa7: {  	[hbm4b:s15+s7] =	stream.linear.scatter [tilespmem:s6], [sflag:$0xC], $0x80, $0x38;
	[tilespmem:$0x1BE80] =	vst v63  }
0xa8: {  	s6 =	sadd.s32 $0x19E18, s13;
	s15 =	sadd.s32 $0x30, s10  }
0xa9: {  	[hbm4b:s15+s7] =	stream.linear.scatter [tilespmem:s6], [sflag:$0xC], $0x80, $0x38;
	[tilespmem:$0x1BE80] =	vst v63  }
0xaa: {  	s6 =	sadd.s32 $0x19EA0, s13;
	s15 =	sadd.s32 $0x40, s10  }
0xab: {  	[hbm4b:s15+s7] =	stream.linear.scatter [tilespmem:s6], [sflag:$0xC], $0x80, $0x38;
	[tilespmem:$0x1BE80] =	vst v63  }
.Ltmp3:
0xac: {  	s6 =	sadd.s32 $0x19F28, s13;
	s15 =	sadd.s32 $0x50, s10;
	(pc) =	sbr.rel @p0 .LBB2_4-.Ltmp3, $4  }
0xad: {  	[hbm4b:s15+s7] =	stream.linear.scatter [tilespmem:s6], [sflag:$0xC], $0x80, $0x38;
	[tilespmem:$0x1BE80] =	vst v63  }
0xae: {  	s6 =	sadd.s32 $0x19FB0, s13;
	s15 =	sadd.s32 $0x60, s10;
	s13 =	sadd.s32 $0x1A038, s13  }
0xaf: {  	[hbm4b:s15+s7] =	stream.linear.scatter [tilespmem:s6], [sflag:$0xC], $0x80, $0x38;
	[tilespmem:$0x1BE80] =	vst v63  }
0xb0: {  	s15 =	sadd.s32 $0x70, s10;
	s10 =	sadd.s32 $0x1000, s10;
	s6 =	smov.u32 s19  }
0xb1: {  	[hbm4b:s15+s7] =	stream.linear.scatter [tilespmem:s13], [sflag:$0xC], $0x80, $0x38;
	[tilespmem:$0x1BE80] =	vst v63  }
0xb2: {  	s6 =	sadd.s32 $0x19C80, s5  }
0xb3: {  	[hbm4b:s10+s7] =	stream.linear.scatter [tilespmem:s6], [sflag:$0xC], $0x80, $0x38;
	[tilespmem:$0x1BE80] =	vst v63  }
0xb4: {  	s23 =	sadd.s32 $0x19D08, s5;
	s9 =	sadd.s32 $0x10, s10  }
0xb5: {  	[hbm4b:s9+s7] =	stream.linear.scatter [tilespmem:s23], [sflag:$0xC], $0x80, $0x38;
	[tilespmem:$0x1BE80] =	vst v63  }
0xb6: {  	s15 =	sadd.s32 $0x19D90, s5;
	s19 =	sadd.s32 $0x20, s10  }
0xb7: {  	[hbm4b:s19+s7] =	stream.linear.scatter [tilespmem:s15], [sflag:$0xC], $0x80, $0x38;
	[tilespmem:$0x1BE80] =	vst v63  }
0xb8: {  	s20 =	sadd.s32 $0x19E18, s5;
	s21 =	sadd.s32 $0x30, s10  }
0xb9: {  	[hbm4b:s21+s7] =	stream.linear.scatter [tilespmem:s20], [sflag:$0xC], $0x80, $0x38;
	[tilespmem:$0x1BE80] =	vst v63  }
0xba: {  	s23 =	sadd.s32 $0x19EA0, s5;
	s9 =	sadd.s32 $0x40, s10  }
0xbb: {  	[hbm4b:s9+s7] =	stream.linear.scatter [tilespmem:s23], [sflag:$0xC], $0x80, $0x38;
	[tilespmem:$0x1BE80] =	vst v63  }
0xbc: {  	s13 =	sadd.s32 $0x19F28, s5;
	s15 =	sadd.s32 $0x50, s10  }
0xbd: {  	[hbm4b:s15+s7] =	stream.linear.scatter [tilespmem:s13], [sflag:$0xC], $0x80, $0x38;
	[tilespmem:$0x1BE80] =	vst v63  }
0xbe: {  	s19 =	sadd.s32 $0x19FB0, s5;
	s20 =	sadd.s32 $0x60, s10  }
0xbf: {  	[hbm4b:s20+s7] =	stream.linear.scatter [tilespmem:s19], [sflag:$0xC], $0x80, $0x38;
	[tilespmem:$0x1BE80] =	vst v63  }
0xc0: {  	s21 =	sadd.s32 $0x1A038, s5;
	s23 =	sadd.s32 $0x70, s10  }
0xc1: {  	[hbm4b:s23+s7] =	stream.linear.scatter [tilespmem:s21], [sflag:$0xC], $0x80, $0x38;
	[tilespmem:$0x1BE80] =	vst v63  }
.LBB2_6:
0xc2: {  	s19 =	smul.u32 $0x5, s7  }
0xc3: {  	s5 =	simm.s32 $0x0  }
0xc4: {  	s20 =	simm.s32 $0x1;
	v4 =	vmov s5;
	s6 =	sshll.u32 s19, $0x7  }
0xc5: {  	s21 =	simm.s32 $0x3;
	v12 =	vand.u32 $0x7C, v4;
	v4 =	vmov s20;
	v15 =	vmov s6  }
0xc6: {  	v17 =	vand.u32 $0x7D, v4;
	v4 =	vmov s21;
	v5 =	vor.u32 v15, v12  }
0xc7: {  	v6 =	vor.u32 v15, v17;
	v18 =	vand.u32 $0x7F, v4  }
0xc8: {  	_ =	swait.ge [sflag:s25], $0x2000;
	v4 =	vor.u32 v15, v18  }
0xc9: {  	s23 =	simm.s32 $0x2;
	[sflag:s25] =	ssyncset.done $0x0  }
0xca: {  	v7 =	vmov s23;
	[sflag:s25] =	ssyncadd.s32 $0xFFFFE000  }
0xcb: {  	v14 =	vand.u32 $0x7E, v7;
	v16 =	vld.idx.msk [tilespmem:v5+s14+$0x0], $0xffff  }
0xcc: {  	v5 =	vor.u32 v15, v14;
	v33 =	vld.idx.msk [tilespmem:v6+s14+$0x0], $0xffff  }
0xcd: {  	s15 =	simm.s32 $0x3300;
	v23 =	vld.idx.msk [tilespmem:v4+s14+$0x0], $0xffff  }
0xce: {  	v4 =	vld [tilespmem:s15+$0x40]  }
0xcf: {  	v6 =	vld [tilespmem:s15+$0xFFFFFF80]  }
0xd0: {  	v7 =	vld [tilespmem:s15+$0xFFFFFFC0];
	v8 =	vadd.s32 v0, v18  }
0xd1: {  	v13 =	vld.idx.msk [tilespmem:v5+s14+$0x0], $0xffff;
	v5 =	vadd.s32 v0, v12  }
0xd2: {  	v9 =	vld [tilespmem:s15+$0x0];
	v11 =	vadd.s32 v0, v17  }
0xd3: {  	v10 =	vmul.f32 v4, v23  }
0xd4: {  	v19 =	vadd.s32 v0, v14;
	v6 =	vmul.f32 v6, v16  }
0xd5: {  	s9 =	simm.s32 $0x5;
	s10 =	simm.s32 $0x6;
	v7 =	vmul.f32 v7, v33;
	[tilespmem:v8+s26+$0x0] =	vst.idx.msk $0xffff, v10  }
0xd6: {  	v20 =	vmov s9;
	v21 =	vmov s10;
	[tilespmem:v5+s26+$0x0] =	vst.idx.msk $0xffff, v6;
	v6 =	vld [tilespmem:s15+$0x50]  }
0xd7: {  	s6 =	simm.s32 $0x4;
	[tilespmem:v11+s26+$0x0] =	vst.idx.msk $0xffff, v7;
	v10 =	vand.u32 $0x7D, v20;
	v5 =	vand.u32 $0x7E, v21;
	v9 =	vmul.f32 v9, v13;
	v21 =	vld [tilespmem:s15+$0xFFFFFF90]  }
0xd8: {  	v22 =	vadd.s32 v1, v18;
	v4 =	vmov s6;
	v11 =	vld [tilespmem:s15+$0xFFFFFFD0];
	v20 =	vor.u32 v15, v10  }
0xd9: {  	s10 =	simm.s32 $0x3400;
	v4 =	vand.u32 $0x7C, v4;
	[tilespmem:v19+s26+$0x0] =	vst.idx.msk $0xffff, v9;
	v19 =	vadd.s32 v1, v12  }
0xda: {  	s13 =	simm.s32 $0x7;
	v28 =	vld [tilespmem:s10+$0x40];
	v25 =	vadd.s32 v1, v17;
	v8 =	vor.u32 v15, v4  }
0xdb: {  	v30 =	vld [tilespmem:s10+$0xFFFFFFC0];
	v9 =	vmov s13;
	v26 =	vmul.f32 v6, v23  }
0xdc: {  	v24 =	vld [tilespmem:s15+$0x10];
	v9 =	vand.u32 $0x7F, v9;
	v21 =	vmul.f32 v21, v16  }
0xdd: {  	v11 =	vmul.f32 v11, v33;
	v6 =	vld.idx.msk [tilespmem:v20+s14+$0x0], $0xffff;
	v20 =	vor.u32 v15, v9;
	[tilespmem:v22+s26+$0x0] =	vst.idx.msk $0xffff, v26  }
0xde: {  	v22 =	vadd.s32 v1, v14;
	[tilespmem:v19+s26+$0x0] =	vst.idx.msk $0xffff, v21;
	v19 =	vld [tilespmem:s15+$0x60]  }
0xdf: {  	v8 =	vld.idx.msk [tilespmem:v8+s14+$0x0], $0xffff;
	[tilespmem:v25+s26+$0x0] =	vst.idx.msk $0xffff, v11  }
0xe0: {  	v7 =	vor.u32 v15, v5;
	v25 =	vld [tilespmem:s15+$0xFFFFFFE0];
	v26 =	vadd.s32 v2, v18  }
0xe1: {  	v24 =	vmul.f32 v24, v13;
	v21 =	vld [tilespmem:s15+$0xFFFFFFA0]  }
0xe2: {  	v27 =	vadd.s32 v2, v12;
	v29 =	vadd.s32 v2, v17;
	v11 =	vld.idx.msk [tilespmem:v20+s14+$0x0], $0xffff  }
0xe3: {  	v40 =	vadd.s32 v3, v18;
	[tilespmem:v22+s26+$0x0] =	vst.idx.msk $0xffff, v24;
	v22 =	vld [tilespmem:s10+$0xFFFFFF80];
	v24 =	vmul.f32 v19, v23  }
0xe4: {  	s20 =	simm.s32 $0x8;
	v34 =	vld [tilespmem:s10+$0x0];
	v32 =	vadd.s32 v0, v4;
	v35 =	vadd.s32 v0, v10;
	v31 =	vadd.s32 v0, v9  }
0xe5: {  	v38 =	vadd.s32 v0, v5;
	v7 =	vld.idx.msk [tilespmem:v7+s14+$0x0], $0xffff;
	v20 =	vmov s20;
	v25 =	vmul.f32 v25, v33;
	[tilespmem:v26+s26+$0x0] =	vst.idx.msk $0xffff, v24  }
0xe6: {  	s23 =	simm.s32 $0xA;
	v19 =	vadd.s32 v3, v12;
	v12 =	vand.u32 $0x7C, v20;
	v21 =	vmul.f32 v21, v16;
	v36 =	vld [tilespmem:s15+$0x70]  }
0xe7: {  	v37 =	vmov s23;
	s21 =	simm.s32 $0x9;
	[tilespmem:v29+s26+$0x0] =	vst.idx.msk $0xffff, v25;
	v25 =	vld [tilespmem:s15+$0x20];
	v20 =	vor.u32 v15, v12;
	v26 =	vmul.f32 v28, v11  }
0xe8: {  	v39 =	vld [tilespmem:s15+$0xFFFFFFF0];
	v24 =	vmov s21;
	[tilespmem:v27+s26+$0x0] =	vst.idx.msk $0xffff, v21;
	v21 =	vadd.s32 v3, v17;
	v22 =	vmul.f32 v22, v8  }
0xe9: {  	v17 =	vand.u32 $0x7D, v24;
	v24 =	vmul.f32 v30, v6;
	v27 =	vadd.s32 v2, v14;
	[tilespmem:v31+s26+$0x0] =	vst.idx.msk $0xffff, v26;
	v26 =	vld [tilespmem:s15+$0xFFFFFFB0]  }
0xea: {  	v18 =	vand.u32 $0x7E, v37;
	v30 =	vmul.f32 v34, v7;
	v29 =	vor.u32 v15, v17;
	v28 =	vld [tilespmem:s10+$0x50];
	[tilespmem:v32+s26+$0x0] =	vst.idx.msk $0xffff, v22  }
0xeb: {  	v31 =	vor.u32 v15, v18;
	[tilespmem:v35+s26+$0x0] =	vst.idx.msk $0xffff, v24;
	v22 =	vld [tilespmem:s10+$0xFFFFFF90];
	v63 =	vmul.f32 v36, v23  }
0xec: {  	[tilespmem:v38+s26+$0x0] =	vst.idx.msk $0xffff, v30;
	v30 =	vadd.s32 v1, v9;
	v32 =	vmul.f32 v25, v13;
	v23 =	vld [tilespmem:s10+$0xFFFFFFD0]  }
0xed: {  	s5 =	simm.s32 $0xC;
	s13 =	simm.s32 $0xB;
	v24 =	vadd.s32 v1, v4;
	v25 =	vld [tilespmem:s10+$0x10];
	v33 =	vmul.f32 v39, v33;
	[tilespmem:v40+s26+$0x0] =	vst.idx.msk $0xffff, v63  }
.LBB2_7:
0xee: {  	p0 =	slt.u32 s5, $0x7C;
	v20 =	vld.idx.msk [tilespmem:v20+s14+$0x0], $0xffff;
	v34 =	vmov s13;
	v35 =	vadd.s32 v1, v10;
	v16 =	vmul.f32 v26, v16;
	[tilespmem:v27+s26+$0x0] =	vst.idx.msk $0xffff, v32  }
0xef: {  	v27 =	vadd.s32 v1, v5;
	v26 =	vand.u32 $0x7F, v34;
	v28 =	vmul.f32 v28, v11;
	[tilespmem:v21+s26+$0x0] =	vst.idx.msk $0xffff, v33;
	v21 =	vld [tilespmem:s15+$0x30];
	s15 =	smov.u32 s10  }
0xf0: {  	v34 =	vld.idx.msk [tilespmem:v29+s14+$0x0], $0xffff;
	v29 =	vor.u32 v15, v26;
	v22 =	vmul.f32 v22, v8;
	[tilespmem:v19+s26+$0x0] =	vst.idx.msk $0xffff, v16  }
0xf1: {  	v19 =	vld.idx.msk [tilespmem:v31+s14+$0x0], $0xffff;
	v23 =	vmul.f32 v23, v6;
	[tilespmem:v30+s26+$0x0] =	vst.idx.msk $0xffff, v28;
	v28 =	vadd.s32 v3, v14  }
0xf2: {  	v14 =	vmovc v5;
	[tilespmem:v24+s26+$0x0] =	vst.idx.msk $0xffff, v22;
	v22 =	vmul.f32 v25, v7;
	v24 =	vld [tilespmem:s10+$0x60];
	v16 =	vmov v8;
	v25 =	vmov v17  }
0xf3: {  	v5 =	vmov v18;
	v17 =	vld [tilespmem:s10+$0xFFFFFFA0];
	[tilespmem:v35+s26+$0x0] =	vst.idx.msk $0xffff, v23  }
0xf4: {  	v8 =	vmov v20;
	v18 =	vld [tilespmem:s10+$0xFFFFFFE0];
	[tilespmem:v27+s26+$0x0] =	vst.idx.msk $0xffff, v22;
	v22 =	vadd.s32 v2, v9;
	v21 =	vmul.f32 v21, v13  }
0xf5: {  	v27 =	vadd.s32 v2, v4;
	s10 =	sadd.s32 $0x100, s10;
	v13 =	vmov v7;
	v23 =	vld.idx.msk [tilespmem:v29+s14+$0x0], $0xffff  }
0xf6: {  	v30 =	vadd.s32 v2, v10;
	v29 =	vld [tilespmem:s10+$0x40];
	[tilespmem:v28+s26+$0x0] =	vst.idx.msk $0xffff, v21  }
0xf7: {  	v20 =	vmov s5;
	v7 =	vmov v19;
	v21 =	vld [tilespmem:s10+$0xFFFFFF80];
	v24 =	vmul.f32 v24, v11  }
0xf8: {  	v31 =	vadd.s32 v0, v26;
	v19 =	vadd.s32 v3, v4;
	v4 =	vmovc v12;
	v28 =	vld [tilespmem:s10+$0xFFFFFFC0];
	v17 =	vmul.f32 v17, v16  }
0xf9: {  	s6 =	sadd.s32 $0x1, s5;
	v12 =	vand.u32 $0x7C, v20;
	v32 =	vadd.s32 v0, v4;
	v33 =	vld [tilespmem:s10+$0x0];
	v18 =	vmul.f32 v18, v6;
	[tilespmem:v22+s26+$0x0] =	vst.idx.msk $0xffff, v24  }
0xfa: {  	v20 =	vor.u32 v15, v12;
	v22 =	vmov s6;
	s6 =	sadd.s32 $0x2, s5;
	v24 =	vadd.s32 v0, v25;
	[tilespmem:v27+s26+$0x0] =	vst.idx.msk $0xffff, v17;
	v35 =	vld [tilespmem:s15+$0x70]  }
0xfb: {  	v37 =	vadd.s32 v0, v5;
	v36 =	vmov s6;
	v27 =	vmul.f32 v29, v23;
	[tilespmem:v30+s26+$0x0] =	vst.idx.msk $0xffff, v18;
	v38 =	vld [tilespmem:s15+$0x20]  }
0xfc: {  	v40 =	vadd.s32 v3, v9;
	v9 =	vmovc v26;
	v30 =	vmul.f32 v21, v8;
	v39 =	vld [tilespmem:s15+$0xFFFFFFF0];
	v21 =	vadd.s32 v3, v10  }
.Ltmp4:
0xfd: {  	v17 =	vand.u32 $0x7D, v22;
	v41 =	vmul.f32 v28, v34;
	[tilespmem:v31+s26+$0x0] =	vst.idx.msk $0xffff, v27;
	v26 =	vld [tilespmem:s15+$0xFFFFFFB0];
	v27 =	vadd.s32 v2, v14;
	(pc) =	sbr.rel @p0 .LBB2_7-.Ltmp4, $4  }
0xfe: {  	v29 =	vor.u32 v15, v17;
	v18 =	vand.u32 $0x7E, v36;
	[tilespmem:v32+s26+$0x0] =	vst.idx.msk $0xffff, v30;
	v30 =	vmul.f32 v33, v7;
	v28 =	vld [tilespmem:s10+$0x50]  }
0xff: {  	v31 =	vor.u32 v15, v18;
	v22 =	vld [tilespmem:s10+$0xFFFFFF90];
	[tilespmem:v24+s26+$0x0] =	vst.idx.msk $0xffff, v41;
	v35 =	vmul.f32 v35, v11;
	v11 =	vmov v23  }
0x100: {  	v10 =	vmov v25;
	v23 =	vld [tilespmem:s10+$0xFFFFFFD0];
	[tilespmem:v37+s26+$0x0] =	vst.idx.msk $0xffff, v30;
	v30 =	vadd.s32 v1, v9;
	v32 =	vmul.f32 v38, v13  }
0x101: {  	s13 =	sadd.s32 $0x3, s5;
	s5 =	sadd.s32 $0x4, s5;
	v24 =	vadd.s32 v1, v4;
	v25 =	vld [tilespmem:s10+$0x10];
	v33 =	vmul.f32 v39, v6;
	[tilespmem:v40+s26+$0x0] =	vst.idx.msk $0xffff, v35;
	v6 =	vmov v34  }
0x102: {  	_ =	sdelay $0x1  }
0x103: {  	v34 =	vmov s13  }
0x104: {  	v34 =	vand.u32 $0x7F, v34  }
0x105: {  	v20 =	vld.idx.msk [tilespmem:v20+s14+$0x0], $0xffff;
	v15 =	vor.u32 v15, v34  }
0x106: {  	v29 =	vld.idx.msk [tilespmem:v29+s14+$0x0], $0xffff  }
0x107: {  	v31 =	vld.idx.msk [tilespmem:v31+s14+$0x0], $0xffff;
	s5 =	sadd.s32 $0x100, s10  }
0x108: {  	v35 =	vld [tilespmem:s5+$0x40]  }
0x109: {  	v36 =	vld [tilespmem:s5+$0xFFFFFFC0]  }
0x10a: {  	v15 =	vld.idx.msk [tilespmem:v15+s14+$0x0], $0xffff  }
0x10b: {  	v59 =	vadd.s32 v0, v17;
	v58 =	vld [tilespmem:s5+$0x0]  }
0x10c: {  	v16 =	vmul.f32 v26, v16;
	[tilespmem:v27+s26+$0x0] =	vst.idx.msk $0xffff, v32;
	v37 =	vld [tilespmem:s5+$0xFFFFFF80];
	v38 =	vadd.s32 v0, v34  }
0x10d: {  	v62 =	vadd.s32 v0, v18;
	[tilespmem:v21+s26+$0x0] =	vst.idx.msk $0xffff, v33;
	v60 =	vmul.f32 v28, v11  }
0x10e: {  	v61 =	vadd.s32 v0, v12;
	[tilespmem:v19+s26+$0x0] =	vst.idx.msk $0xffff, v16;
	v36 =	vmul.f32 v36, v29  }
0x10f: {  	v39 =	vadd.s32 v1, v10;
	[tilespmem:v30+s26+$0x0] =	vst.idx.msk $0xffff, v60;
	v63 =	vmul.f32 v35, v15  }
0x110: {  	v32 =	vld [tilespmem:s15+$0x30];
	v26 =	vmul.f32 v58, v31;
	[tilespmem:v59+s26+$0x0] =	vst.idx.msk $0xffff, v36  }
0x111: {  	v41 =	vadd.s32 v1, v5;
	v40 =	vmul.f32 v37, v20;
	v44 =	vld [tilespmem:s5+$0xFFFFFFD0];
	[tilespmem:v38+s26+$0x0] =	vst.idx.msk $0xffff, v63  }
0x112: {  	v14 =	vadd.s32 v3, v14;
	v23 =	vmul.f32 v23, v6;
	[tilespmem:v62+s26+$0x0] =	vst.idx.msk $0xffff, v26;
	v42 =	vld [tilespmem:s5+$0x50]  }
0x113: {  	v49 =	vadd.s32 v1, v17;
	v43 =	vmul.f32 v22, v8;
	[tilespmem:v61+s26+$0x0] =	vst.idx.msk $0xffff, v40;
	v48 =	vld [tilespmem:s5+$0x10]  }
0x114: {  	v46 =	vadd.s32 v1, v34;
	v47 =	vmul.f32 v25, v7;
	[tilespmem:v39+s26+$0x0] =	vst.idx.msk $0xffff, v23;
	v45 =	vld [tilespmem:s5+$0xFFFFFF90]  }
0x115: {  	v53 =	vadd.s32 v1, v18;
	[tilespmem:v24+s26+$0x0] =	vst.idx.msk $0xffff, v43;
	v13 =	vmul.f32 v32, v13;
	v52 =	vld [tilespmem:s10+$0xFFFFFFE0]  }
0x116: {  	v51 =	vadd.s32 v1, v12;
	v50 =	vld [tilespmem:s10+$0x60];
	[tilespmem:v41+s26+$0x0] =	vst.idx.msk $0xffff, v47;
	v57 =	vmul.f32 v44, v29  }
0x117: {  	v58 =	vadd.s32 v2, v10;
	[tilespmem:v14+s26+$0x0] =	vst.idx.msk $0xffff, v13;
	v59 =	vld [tilespmem:s10+$0x20];
	v54 =	vmul.f32 v42, v15  }
0x118: {  	v56 =	vadd.s32 v2, v9;
	v55 =	vld [tilespmem:s10+$0xFFFFFFA0];
	v61 =	vmul.f32 v48, v31;
	[tilespmem:v49+s26+$0x0] =	vst.idx.msk $0xffff, v57  }
0x119: {  	v33 =	vadd.s32 v2, v5;
	v27 =	vmul.f32 v45, v20;
	v35 =	vld [tilespmem:s5+$0xFFFFFFE0];
	[tilespmem:v46+s26+$0x0] =	vst.idx.msk $0xffff, v54  }
0x11a: {  	v60 =	vadd.s32 v2, v4;
	v36 =	vmul.f32 v52, v6;
	[tilespmem:v53+s26+$0x0] =	vst.idx.msk $0xffff, v61;
	v62 =	vld [tilespmem:s5+$0x60]  }
0x11b: {  	v39 =	vadd.s32 v2, v17;
	v63 =	vmul.f32 v50, v11;
	[tilespmem:v51+s26+$0x0] =	vst.idx.msk $0xffff, v27;
	v40 =	vld [tilespmem:s5+$0x20]  }
0x11c: {  	v37 =	vadd.s32 v2, v34;
	[tilespmem:v58+s26+$0x0] =	vst.idx.msk $0xffff, v36;
	v27 =	vld [tilespmem:s5+$0xFFFFFFA0];
	v42 =	vmul.f32 v59, v7  }
0x11d: {  	v38 =	vmul.f32 v55, v8;
	v44 =	vld [tilespmem:s10+$0xFFFFFFF0];
	[tilespmem:v56+s26+$0x0] =	vst.idx.msk $0xffff, v63;
	v46 =	vadd.s32 v2, v18  }
0x11e: {  	v43 =	vadd.s32 v2, v12;
	v41 =	vld [tilespmem:s10+$0x70];
	[tilespmem:v33+s26+$0x0] =	vst.idx.msk $0xffff, v42;
	v49 =	vmul.f32 v35, v29  }
0x11f: {  	v50 =	vadd.s32 v3, v10;
	[tilespmem:v60+s26+$0x0] =	vst.idx.msk $0xffff, v38;
	v51 =	vld [tilespmem:s10+$0x30];
	v45 =	vmul.f32 v62, v15  }
0x120: {  	v47 =	vadd.s32 v3, v9;
	v48 =	vld [tilespmem:s10+$0xFFFFFFB0];
	v53 =	vmul.f32 v40, v31;
	[tilespmem:v39+s26+$0x0] =	vst.idx.msk $0xffff, v49  }
0x121: {  	v5 =	vadd.s32 v3, v5;
	v52 =	vmul.f32 v27, v20;
	v14 =	vld [tilespmem:s5+$0xFFFFFFF0];
	[tilespmem:v37+s26+$0x0] =	vst.idx.msk $0xffff, v45  }
0x122: {  	v4 =	vadd.s32 v3, v4;
	v55 =	vmul.f32 v44, v6;
	[tilespmem:v46+s26+$0x0] =	vst.idx.msk $0xffff, v53;
	v19 =	vld [tilespmem:s5+$0x70]  }
0x123: {  	v59 =	vadd.s32 v3, v17;
	v54 =	vmul.f32 v41, v11;
	[tilespmem:v43+s26+$0x0] =	vst.idx.msk $0xffff, v52;
	v60 =	vld [tilespmem:s5+$0x30]  }
0x124: {  	v56 =	vadd.s32 v3, v34;
	[tilespmem:v50+s26+$0x0] =	vst.idx.msk $0xffff, v55;
	v57 =	vld [tilespmem:s5+$0xFFFFFFB0];
	v61 =	vmul.f32 v51, v7  }
0x125: {  	v63 =	vadd.s32 v3, v18;
	v58 =	vmul.f32 v48, v8;
	[tilespmem:v47+s26+$0x0] =	vst.idx.msk $0xffff, v54  }
0x126: {  	v62 =	vadd.s32 v3, v12;
	[tilespmem:v5+s26+$0x0] =	vst.idx.msk $0xffff, v61;
	v5 =	vmul.f32 v14, v29  }
0x127: {  	s6 =	smul.u32 $0x140000, s7;
	[tilespmem:v4+s26+$0x0] =	vst.idx.msk $0xffff, v58;
	v4 =	vmul.f32 v19, v15  }
0x128: {  	[tilespmem:v59+s26+$0x0] =	vst.idx.msk $0xffff, v5;
	v5 =	vmul.f32 v60, v31  }
0x129: {  	s5 =	sor.u32 s8, s6;
	[tilespmem:v56+s26+$0x0] =	vst.idx.msk $0xffff, v4;
	v4 =	vmul.f32 v57, v20  }
0x12a: {  	s5 =	sshrl.u32 s5, $0x3;
	[tilespmem:v63+s26+$0x0] =	vst.idx.msk $0xffff, v5  }
0x12b: {  	s9 =	simm.s32 $0xD280;
	s10 =	sadd.s32 s2, s5;
	[tilespmem:v62+s26+$0x0] =	vst.idx.msk $0xffff, v4  }
0x12c: {  	[hbm4b:s10+s3] =	stream.linear.scatter [tilespmem:s9], [sflag:$0x6], $0x80, $0x38;
	[tilespmem:$0x1BE80] =	vst v63  }
0x12d: {  	s13 =	simm.s32 $0xD308;
	s6 =	sadd.s32 $0x10, s10  }
0x12e: {  	[hbm4b:s6+s3] =	stream.linear.scatter [tilespmem:s13], [sflag:$0x6], $0x80, $0x38;
	[tilespmem:$0x1BE80] =	vst v63  }
0x12f: {  	s21 =	simm.s32 $0xD418;
	s15 =	simm.s32 $0xD390;
	s20 =	sadd.s32 $0x20, s10  }
0x130: {  	[hbm4b:s20+s3] =	stream.linear.scatter [tilespmem:s15], [sflag:$0x6], $0x80, $0x38;
	[tilespmem:$0x1BE80] =	vst v63  }
0x131: {  	s5 =	simm.s32 $0x440;
	s23 =	sadd.s32 $0x30, s10;
	s9 =	simm.s32 $0xD4A0  }
0x132: {  	[hbm4b:s23+s3] =	stream.linear.scatter [tilespmem:s21], [sflag:$0x6], $0x80, $0x38;
	[tilespmem:$0x1BE80] =	vst v63  }
0x133: {  	s13 =	sadd.s32 $0x40, s10;
	s6 =	simm.s32 $0x2200;
	s15 =	simm.s32 $0xD528  }
0x134: {  	[hbm4b:s13+s3] =	stream.linear.scatter [tilespmem:s9], [sflag:$0x6], $0x80, $0x38;
	[tilespmem:$0x1BE80] =	vst v63  }
0x135: {  	s20 =	sadd.s32 $0x50, s10;
	s21 =	simm.s32 $0xD5B0;
	s23 =	sadd.s32 $0x60, s10  }
0x136: {  	[hbm4b:s20+s3] =	stream.linear.scatter [tilespmem:s15], [sflag:$0x6], $0x80, $0x38;
	[tilespmem:$0x1BE80] =	vst v63  }
0x137: {  	s13 =	simm.s32 $0xD638;
	s15 =	sadd.s32 $0x70, s10;
	s10 =	sadd.s32 $0x1000, s10  }
0x138: {  	[hbm4b:s23+s3] =	stream.linear.scatter [tilespmem:s21], [sflag:$0x6], $0x80, $0x38;
	[tilespmem:$0x1BE80] =	vst v63  }
.LBB2_9:
0x139: {  	[hbm4b:s15+s3] =	stream.linear.scatter [tilespmem:s13], [sflag:$0x6], $0x80, $0x38;
	[tilespmem:$0x1BE80] =	vst v63  }
0x13a: {  	s13 =	smov.u32 s5;
	s5 =	smov.u32 s6  }
0x13b: {  	s20 =	sadd.s32 $0x1100, s6;
	s5 =	sshra.s32 s5, $0x2;
	s15 =	sadd.s32 $0xD280, s13  }
0x13c: {  	[hbm4b:s10+s3] =	stream.linear.scatter [tilespmem:s15], [sflag:$0x6], $0x80, $0x38;
	[tilespmem:$0x1BE80] =	vst v63  }
0x13d: {  	p0 =	sne.s32 s6, $0x7700;
	s6 =	sadd.s32 $0xD308, s13;
	s15 =	sadd.s32 $0x10, s10  }
0x13e: {  	[hbm4b:s15+s3] =	stream.linear.scatter [tilespmem:s6], [sflag:$0x6], $0x80, $0x38;
	[tilespmem:$0x1BE80] =	vst v63  }
0x13f: {  	s6 =	sadd.s32 $0xD390, s13;
	s15 =	sadd.s32 $0x20, s10  }
0x140: {  	[hbm4b:s15+s3] =	stream.linear.scatter [tilespmem:s6], [sflag:$0x6], $0x80, $0x38;
	[tilespmem:$0x1BE80] =	vst v63  }
0x141: {  	s6 =	sadd.s32 $0xD418, s13;
	s15 =	sadd.s32 $0x30, s10  }
0x142: {  	[hbm4b:s15+s3] =	stream.linear.scatter [tilespmem:s6], [sflag:$0x6], $0x80, $0x38;
	[tilespmem:$0x1BE80] =	vst v63  }
0x143: {  	s6 =	sadd.s32 $0xD4A0, s13;
	s15 =	sadd.s32 $0x40, s10  }
0x144: {  	[hbm4b:s15+s3] =	stream.linear.scatter [tilespmem:s6], [sflag:$0x6], $0x80, $0x38;
	[tilespmem:$0x1BE80] =	vst v63  }
.Ltmp5:
0x145: {  	s6 =	sadd.s32 $0xD528, s13;
	s15 =	sadd.s32 $0x50, s10;
	(pc) =	sbr.rel @p0 .LBB2_9-.Ltmp5, $4  }
0x146: {  	[hbm4b:s15+s3] =	stream.linear.scatter [tilespmem:s6], [sflag:$0x6], $0x80, $0x38;
	[tilespmem:$0x1BE80] =	vst v63  }
0x147: {  	s6 =	sadd.s32 $0xD5B0, s13;
	s15 =	sadd.s32 $0x60, s10;
	s13 =	sadd.s32 $0xD638, s13  }
0x148: {  	[hbm4b:s15+s3] =	stream.linear.scatter [tilespmem:s6], [sflag:$0x6], $0x80, $0x38;
	[tilespmem:$0x1BE80] =	vst v63  }
0x149: {  	s15 =	sadd.s32 $0x70, s10;
	s10 =	sadd.s32 $0x1000, s10;
	s6 =	smov.u32 s20  }
0x14a: {  	[hbm4b:s15+s3] =	stream.linear.scatter [tilespmem:s13], [sflag:$0x6], $0x80, $0x38;
	[tilespmem:$0x1BE80] =	vst v63  }
0x14b: {  	s6 =	sadd.s32 $0xD280, s5  }
0x14c: {  	[hbm4b:s10+s3] =	stream.linear.scatter [tilespmem:s6], [sflag:$0x6], $0x80, $0x38;
	[tilespmem:$0x1BE80] =	vst v63  }
0x14d: {  	s23 =	sadd.s32 $0xD308, s5;
	s9 =	sadd.s32 $0x10, s10  }
0x14e: {  	[hbm4b:s9+s3] =	stream.linear.scatter [tilespmem:s23], [sflag:$0x6], $0x80, $0x38;
	[tilespmem:$0x1BE80] =	vst v63  }
0x14f: {  	s13 =	sadd.s32 $0xD390, s5;
	s15 =	sadd.s32 $0x20, s10  }
0x150: {  	[hbm4b:s15+s3] =	stream.linear.scatter [tilespmem:s13], [sflag:$0x6], $0x80, $0x38;
	[tilespmem:$0x1BE80] =	vst v63  }
0x151: {  	s20 =	sadd.s32 $0xD418, s5;
	s21 =	sadd.s32 $0x30, s10;
	p0 =	seq.s32 s7, $0x0  }
0x152: {  	[hbm4b:s21+s3] =	stream.linear.scatter [tilespmem:s20], [sflag:$0x6], $0x80, $0x38;
	[tilespmem:$0x1BE80] =	vst v63  }
0x153: {  	s23 =	sadd.s32 $0xD4A0, s5;
	s9 =	sadd.s32 $0x40, s10;
	s15 =	sadd.s32 $0xD528, s5  }
0x154: {  	[hbm4b:s9+s3] =	stream.linear.scatter [tilespmem:s23], [sflag:$0x6], $0x80, $0x38;
	[tilespmem:$0x1BE80] =	vst v63  }
0x155: {  	s13 =	sadd.s32 $0x70, s10;
	s20 =	sadd.s32 $0x50, s10;
	s21 =	sadd.s32 $0xD5B0, s5  }
0x156: {  	[hbm4b:s20+s3] =	stream.linear.scatter [tilespmem:s15], [sflag:$0x6], $0x80, $0x38;
	[tilespmem:$0x1BE80] =	vst v63  }
0x157: {  	s23 =	sadd.s32 $0x60, s10;
	s9 =	sadd.s32 $0xD638, s5;
	s10 =	sadd.s32 $0x4, s19  }
0x158: {  	[hbm4b:s23+s3] =	stream.linear.scatter [tilespmem:s21], [sflag:$0x6], $0x80, $0x38;
	[tilespmem:$0x1BE80] =	vst v63  }
0x159: {  	s5 =	simm.s32 @!p0 $0xA;
	s20 =	sadd.s32 $0x1, s19;
	s15 =	simm.s32 $0x0  }
0x15a: {  	[hbm4b:s13+s3] =	stream.linear.scatter [tilespmem:s9], [sflag:$0x6], $0x80, $0x38;
	[tilespmem:$0x1BE80] =	vst v63  }
0x15b: {  	v4 =	vmov s15;
	s21 =	sshll.u32 s20, $0x7;
	s9 =	simm.s32 $0x1;
	_ =	swait.ge @!p0 [sflag:s5], $0x2000  }
0x15c: {  	s23 =	sshll.u32 s10, $0x7;
	v12 =	vand.u32 $0x7C, v4;
	v15 =	vmov s21;
	s13 =	simm.s32 $0x3;
	v4 =	vmov s9;
	[sflag:s5] =	ssyncset.done @!p0 $0x0  }
0x15d: {  	s15 =	sand.u32 $0x3FFFFF80, s23;
	v5 =	vor.u32 v15, v12;
	v17 =	vand.u32 $0x7D, v4;
	v4 =	vmov s13;
	[sflag:s5] =	ssyncadd.s32 @!p0 $0xFFFFE000  }
0x15e: {  	v6 =	vor.u32 v15, v17;
	v18 =	vand.u32 $0x7F, v4;
	[tilespmem:s28], [sflag:$0x5] =	stream.indirect.gather [hbm4b:s4+s11], $0x40, s15, s11, $0xb8;
	[tilespmem:$0x1BE80] =	vst v63  }
0x15f: {  	v4 =	vor.u32 v15, v18;
	_ =	swait.ge [sflag:s29], $0x2000  }
0x160: {  	s21 =	simm.s32 $0x2;
	[sflag:s29] =	ssyncset.done $0x0  }
0x161: {  	v7 =	vmov s21;
	[sflag:s29] =	ssyncadd.s32 $0xFFFFE000  }
0x162: {  	v14 =	vand.u32 $0x7E, v7;
	v16 =	vld.idx.msk [tilespmem:v5+s14+$0x0], $0xffff  }
0x163: {  	v5 =	vor.u32 v15, v14;
	v33 =	vld.idx.msk [tilespmem:v6+s14+$0x0], $0xffff  }
0x164: {  	s15 =	simm.s32 $0x5370;
	v23 =	vld.idx.msk [tilespmem:v4+s14+$0x0], $0xffff  }
0x165: {  	v4 =	vld [tilespmem:s15+$0xFFFFFFD0]  }
0x166: {  	v6 =	vld [tilespmem:s15+$0xFFFFFF10]  }
0x167: {  	v8 =	vadd.s32 v0, v18;
	v7 =	vld [tilespmem:s15+$0xFFFFFF50]  }
0x168: {  	v13 =	vld.idx.msk [tilespmem:v5+s14+$0x0], $0xffff;
	v5 =	vadd.s32 v0, v12  }
0x169: {  	v11 =	vadd.s32 v0, v17;
	v9 =	vld [tilespmem:s15+$0xFFFFFF90]  }
0x16a: {  	s6 =	simm.s32 $0x4;
	v10 =	vmul.f32 v4, v23  }
0x16b: {  	v19 =	vadd.s32 v0, v14;
	v6 =	vmul.f32 v6, v16;
	v4 =	vmov s6  }
0x16c: {  	s9 =	simm.s32 $0x5;
	s13 =	simm.s32 $0x6;
	v7 =	vmul.f32 v7, v33;
	v4 =	vand.u32 $0x7C, v4;
	[tilespmem:v8+s30+$0x0] =	vst.idx.msk $0xffff, v10  }
0x16d: {  	v20 =	vmov s9;
	v21 =	vmov s13;
	v8 =	vor.u32 v15, v4;
	[tilespmem:v5+s30+$0x0] =	vst.idx.msk $0xffff, v6;
	v6 =	vld [tilespmem:s15+$0xFFFFFFE0]  }
0x16e: {  	[tilespmem:v11+s30+$0x0] =	vst.idx.msk $0xffff, v7;
	v10 =	vand.u32 $0x7D, v20;
	v5 =	vand.u32 $0x7E, v21;
	v9 =	vmul.f32 v9, v13;
	v21 =	vld [tilespmem:s15+$0xFFFFFF20]  }
0x16f: {  	v22 =	vadd.s32 v1, v18;
	v11 =	vld [tilespmem:s15+$0xFFFFFF60];
	v20 =	vor.u32 v15, v10  }
0x170: {  	[tilespmem:v19+s30+$0x0] =	vst.idx.msk $0xffff, v9;
	v19 =	vadd.s32 v1, v12  }
0x171: {  	s21 =	simm.s32 $0x7;
	v25 =	vadd.s32 v1, v17;
	v24 =	vld [tilespmem:s15+$0xFFFFFFA0]  }
0x172: {  	v9 =	vmov s21;
	s21 =	simm.s32 $0x5470;
	v8 =	vld.idx.msk [tilespmem:v8+s14+$0x0], $0xffff;
	v26 =	vmul.f32 v6, v23  }
0x173: {  	v9 =	vand.u32 $0x7F, v9;
	v28 =	vld [tilespmem:s21+$0xFFFFFFD0];
	v21 =	vmul.f32 v21, v16  }
0x174: {  	v11 =	vmul.f32 v11, v33;
	v6 =	vld.idx.msk [tilespmem:v20+s14+$0x0], $0xffff;
	v20 =	vor.u32 v15, v9;
	[tilespmem:v22+s30+$0x0] =	vst.idx.msk $0xffff, v26  }
0x175: {  	v22 =	vadd.s32 v1, v14;
	[tilespmem:v19+s30+$0x0] =	vst.idx.msk $0xffff, v21;
	v19 =	vld [tilespmem:s15+$0xFFFFFFF0]  }
0x176: {  	v30 =	vld [tilespmem:s21+$0xFFFFFF50];
	[tilespmem:v25+s30+$0x0] =	vst.idx.msk $0xffff, v11  }
0x177: {  	v7 =	vor.u32 v15, v5;
	v25 =	vld [tilespmem:s15+$0xFFFFFF70];
	v26 =	vadd.s32 v2, v18  }
0x178: {  	v24 =	vmul.f32 v24, v13;
	v21 =	vld [tilespmem:s15+$0xFFFFFF30]  }
0x179: {  	v27 =	vadd.s32 v2, v12;
	v29 =	vadd.s32 v2, v17;
	v11 =	vld.idx.msk [tilespmem:v20+s14+$0x0], $0xffff  }
0x17a: {  	v40 =	vadd.s32 v3, v18;
	[tilespmem:v22+s30+$0x0] =	vst.idx.msk $0xffff, v24;
	v22 =	vld [tilespmem:s21+$0xFFFFFF10];
	v24 =	vmul.f32 v19, v23  }
0x17b: {  	s6 =	simm.s32 $0x8;
	v32 =	vadd.s32 v0, v4;
	v35 =	vadd.s32 v0, v10;
	v34 =	vld [tilespmem:s21+$0xFFFFFF90];
	v31 =	vadd.s32 v0, v9  }
0x17c: {  	v38 =	vadd.s32 v0, v5;
	v7 =	vld.idx.msk [tilespmem:v7+s14+$0x0], $0xffff;
	v20 =	vmov s6;
	v25 =	vmul.f32 v25, v33;
	[tilespmem:v26+s30+$0x0] =	vst.idx.msk $0xffff, v24  }
0x17d: {  	s13 =	simm.s32 $0xA;
	v19 =	vadd.s32 v3, v12;
	v12 =	vand.u32 $0x7C, v20;
	v21 =	vmul.f32 v21, v16;
	v36 =	vld [tilespmem:s15+$0x0]  }
0x17e: {  	s9 =	simm.s32 $0x9;
	v37 =	vmov s13;
	[tilespmem:v29+s30+$0x0] =	vst.idx.msk $0xffff, v25;
	v25 =	vld [tilespmem:s15+$0xFFFFFFB0];
	v20 =	vor.u32 v15, v12;
	v26 =	vmul.f32 v28, v11  }
0x17f: {  	v39 =	vld [tilespmem:s15+$0xFFFFFF80];
	v24 =	vmov s9;
	[tilespmem:v27+s30+$0x0] =	vst.idx.msk $0xffff, v21;
	v21 =	vadd.s32 v3, v17;
	v22 =	vmul.f32 v22, v8  }
0x180: {  	v17 =	vand.u32 $0x7D, v24;
	v24 =	vmul.f32 v30, v6;
	v27 =	vadd.s32 v2, v14;
	[tilespmem:v31+s30+$0x0] =	vst.idx.msk $0xffff, v26;
	v26 =	vld [tilespmem:s15+$0xFFFFFF40]  }
0x181: {  	v18 =	vand.u32 $0x7E, v37;
	v30 =	vmul.f32 v34, v7;
	v29 =	vor.u32 v15, v17;
	v28 =	vld [tilespmem:s21+$0xFFFFFFE0];
	[tilespmem:v32+s30+$0x0] =	vst.idx.msk $0xffff, v22  }
0x182: {  	v31 =	vor.u32 v15, v18;
	[tilespmem:v35+s30+$0x0] =	vst.idx.msk $0xffff, v24;
	v22 =	vld [tilespmem:s21+$0xFFFFFF20];
	v63 =	vmul.f32 v36, v23  }
0x183: {  	[tilespmem:v38+s30+$0x0] =	vst.idx.msk $0xffff, v30;
	v30 =	vadd.s32 v1, v9;
	v32 =	vmul.f32 v25, v13;
	v23 =	vld [tilespmem:s21+$0xFFFFFF60]  }
0x184: {  	s5 =	simm.s32 $0xC;
	s13 =	simm.s32 $0xB;
	v24 =	vadd.s32 v1, v4;
	v25 =	vld [tilespmem:s21+$0xFFFFFFA0];
	v33 =	vmul.f32 v39, v33;
	[tilespmem:v40+s30+$0x0] =	vst.idx.msk $0xffff, v63  }
.LBB2_11:
0x185: {  	p0 =	slt.u32 s5, $0x7C;
	v20 =	vld.idx.msk [tilespmem:v20+s14+$0x0], $0xffff;
	v34 =	vmov s13;
	v35 =	vadd.s32 v1, v10;
	v16 =	vmul.f32 v26, v16;
	[tilespmem:v27+s30+$0x0] =	vst.idx.msk $0xffff, v32  }
0x186: {  	v27 =	vadd.s32 v1, v5;
	v26 =	vand.u32 $0x7F, v34;
	v28 =	vmul.f32 v28, v11;
	[tilespmem:v21+s30+$0x0] =	vst.idx.msk $0xffff, v33;
	v21 =	vld [tilespmem:s15+$0xFFFFFFC0];
	s15 =	smov.u32 s21  }
0x187: {  	v34 =	vld.idx.msk [tilespmem:v29+s14+$0x0], $0xffff;
	v29 =	vor.u32 v15, v26;
	v22 =	vmul.f32 v22, v8;
	[tilespmem:v19+s30+$0x0] =	vst.idx.msk $0xffff, v16  }
0x188: {  	v19 =	vld.idx.msk [tilespmem:v31+s14+$0x0], $0xffff;
	v23 =	vmul.f32 v23, v6;
	[tilespmem:v30+s30+$0x0] =	vst.idx.msk $0xffff, v28;
	v28 =	vadd.s32 v3, v14  }
0x189: {  	v14 =	vmovc v5;
	[tilespmem:v24+s30+$0x0] =	vst.idx.msk $0xffff, v22;
	v22 =	vmul.f32 v25, v7;
	v24 =	vld [tilespmem:s21+$0xFFFFFFF0];
	v16 =	vmov v8;
	v25 =	vmov v17  }
0x18a: {  	v5 =	vmov v18;
	v17 =	vld [tilespmem:s21+$0xFFFFFF30];
	[tilespmem:v35+s30+$0x0] =	vst.idx.msk $0xffff, v23  }
0x18b: {  	v8 =	vmov v20;
	v18 =	vld [tilespmem:s21+$0xFFFFFF70];
	[tilespmem:v27+s30+$0x0] =	vst.idx.msk $0xffff, v22;
	v22 =	vadd.s32 v2, v9;
	v21 =	vmul.f32 v21, v13  }
0x18c: {  	v27 =	vadd.s32 v2, v4;
	s21 =	sadd.s32 $0x100, s21;
	v13 =	vmov v7;
	v23 =	vld.idx.msk [tilespmem:v29+s14+$0x0], $0xffff  }
0x18d: {  	v30 =	vadd.s32 v2, v10;
	v29 =	vld [tilespmem:s21+$0xFFFFFFD0];
	[tilespmem:v28+s30+$0x0] =	vst.idx.msk $0xffff, v21  }
0x18e: {  	v20 =	vmov s5;
	v7 =	vmov v19;
	v21 =	vld [tilespmem:s21+$0xFFFFFF10];
	v24 =	vmul.f32 v24, v11  }
0x18f: {  	v31 =	vadd.s32 v0, v26;
	v19 =	vadd.s32 v3, v4;
	v4 =	vmovc v12;
	v28 =	vld [tilespmem:s21+$0xFFFFFF50];
	v17 =	vmul.f32 v17, v16  }
0x190: {  	s6 =	sadd.s32 $0x1, s5;
	v12 =	vand.u32 $0x7C, v20;
	v32 =	vadd.s32 v0, v4;
	v33 =	vld [tilespmem:s21+$0xFFFFFF90];
	v18 =	vmul.f32 v18, v6;
	[tilespmem:v22+s30+$0x0] =	vst.idx.msk $0xffff, v24  }
0x191: {  	v20 =	vor.u32 v15, v12;
	v22 =	vmov s6;
	s6 =	sadd.s32 $0x2, s5;
	v24 =	vadd.s32 v0, v25;
	[tilespmem:v27+s30+$0x0] =	vst.idx.msk $0xffff, v17;
	v35 =	vld [tilespmem:s15+$0x0]  }
0x192: {  	v37 =	vadd.s32 v0, v5;
	v36 =	vmov s6;
	v27 =	vmul.f32 v29, v23;
	[tilespmem:v30+s30+$0x0] =	vst.idx.msk $0xffff, v18;
	v38 =	vld [tilespmem:s15+$0xFFFFFFB0]  }
0x193: {  	v40 =	vadd.s32 v3, v9;
	v9 =	vmovc v26;
	v30 =	vmul.f32 v21, v8;
	v39 =	vld [tilespmem:s15+$0xFFFFFF80];
	v21 =	vadd.s32 v3, v10  }
.Ltmp6:
0x194: {  	v17 =	vand.u32 $0x7D, v22;
	v41 =	vmul.f32 v28, v34;
	[tilespmem:v31+s30+$0x0] =	vst.idx.msk $0xffff, v27;
	v26 =	vld [tilespmem:s15+$0xFFFFFF40];
	v27 =	vadd.s32 v2, v14;
	(pc) =	sbr.rel @p0 .LBB2_11-.Ltmp6, $4  }
0x195: {  	v29 =	vor.u32 v15, v17;
	v18 =	vand.u32 $0x7E, v36;
	[tilespmem:v32+s30+$0x0] =	vst.idx.msk $0xffff, v30;
	v30 =	vmul.f32 v33, v7;
	v28 =	vld [tilespmem:s21+$0xFFFFFFE0]  }
0x196: {  	v31 =	vor.u32 v15, v18;
	v22 =	vld [tilespmem:s21+$0xFFFFFF20];
	[tilespmem:v24+s30+$0x0] =	vst.idx.msk $0xffff, v41;
	v35 =	vmul.f32 v35, v11;
	v11 =	vmov v23  }
0x197: {  	v10 =	vmov v25;
	v23 =	vld [tilespmem:s21+$0xFFFFFF60];
	[tilespmem:v37+s30+$0x0] =	vst.idx.msk $0xffff, v30;
	v30 =	vadd.s32 v1, v9;
	v32 =	vmul.f32 v38, v13  }
0x198: {  	s13 =	sadd.s32 $0x3, s5;
	s5 =	sadd.s32 $0x4, s5;
	v24 =	vadd.s32 v1, v4;
	v25 =	vld [tilespmem:s21+$0xFFFFFFA0];
	v33 =	vmul.f32 v39, v6;
	[tilespmem:v40+s30+$0x0] =	vst.idx.msk $0xffff, v35;
	v6 =	vmov v34  }
0x199: {  	_ =	sdelay $0x1  }
0x19a: {  	v34 =	vmov s13  }
0x19b: {  	v34 =	vand.u32 $0x7F, v34  }
0x19c: {  	v20 =	vld.idx.msk [tilespmem:v20+s14+$0x0], $0xffff;
	v15 =	vor.u32 v15, v34  }
0x19d: {  	v29 =	vld.idx.msk [tilespmem:v29+s14+$0x0], $0xffff  }
0x19e: {  	v31 =	vld.idx.msk [tilespmem:v31+s14+$0x0], $0xffff;
	s5 =	sadd.s32 $0x100, s21  }
0x19f: {  	v35 =	vld [tilespmem:s5+$0xFFFFFFD0]  }
0x1a0: {  	v36 =	vld [tilespmem:s5+$0xFFFFFF50]  }
0x1a1: {  	v15 =	vld.idx.msk [tilespmem:v15+s14+$0x0], $0xffff  }
0x1a2: {  	v59 =	vadd.s32 v0, v17;
	v58 =	vld [tilespmem:s5+$0xFFFFFF90]  }
0x1a3: {  	v16 =	vmul.f32 v26, v16;
	[tilespmem:v27+s30+$0x0] =	vst.idx.msk $0xffff, v32;
	v37 =	vld [tilespmem:s5+$0xFFFFFF10];
	v38 =	vadd.s32 v0, v34  }
0x1a4: {  	v62 =	vadd.s32 v0, v18;
	[tilespmem:v21+s30+$0x0] =	vst.idx.msk $0xffff, v33;
	v60 =	vmul.f32 v28, v11  }
0x1a5: {  	v61 =	vadd.s32 v0, v12;
	[tilespmem:v19+s30+$0x0] =	vst.idx.msk $0xffff, v16;
	v36 =	vmul.f32 v36, v29  }
0x1a6: {  	v39 =	vadd.s32 v1, v10;
	[tilespmem:v30+s30+$0x0] =	vst.idx.msk $0xffff, v60;
	v63 =	vmul.f32 v35, v15  }
0x1a7: {  	v32 =	vld [tilespmem:s15+$0xFFFFFFC0];
	v26 =	vmul.f32 v58, v31;
	[tilespmem:v59+s30+$0x0] =	vst.idx.msk $0xffff, v36  }
0x1a8: {  	v41 =	vadd.s32 v1, v5;
	v40 =	vmul.f32 v37, v20;
	v44 =	vld [tilespmem:s5+$0xFFFFFF60];
	[tilespmem:v38+s30+$0x0] =	vst.idx.msk $0xffff, v63  }
0x1a9: {  	v14 =	vadd.s32 v3, v14;
	v23 =	vmul.f32 v23, v6;
	[tilespmem:v62+s30+$0x0] =	vst.idx.msk $0xffff, v26;
	v42 =	vld [tilespmem:s5+$0xFFFFFFE0]  }
0x1aa: {  	v49 =	vadd.s32 v1, v17;
	v43 =	vmul.f32 v22, v8;
	[tilespmem:v61+s30+$0x0] =	vst.idx.msk $0xffff, v40;
	v48 =	vld [tilespmem:s5+$0xFFFFFFA0]  }
0x1ab: {  	v46 =	vadd.s32 v1, v34;
	v47 =	vmul.f32 v25, v7;
	[tilespmem:v39+s30+$0x0] =	vst.idx.msk $0xffff, v23;
	v45 =	vld [tilespmem:s5+$0xFFFFFF20]  }
0x1ac: {  	v53 =	vadd.s32 v1, v18;
	[tilespmem:v24+s30+$0x0] =	vst.idx.msk $0xffff, v43;
	v13 =	vmul.f32 v32, v13;
	v52 =	vld [tilespmem:s21+$0xFFFFFF70]  }
0x1ad: {  	v51 =	vadd.s32 v1, v12;
	v50 =	vld [tilespmem:s21+$0xFFFFFFF0];
	[tilespmem:v41+s30+$0x0] =	vst.idx.msk $0xffff, v47;
	v57 =	vmul.f32 v44, v29  }
0x1ae: {  	v58 =	vadd.s32 v2, v10;
	[tilespmem:v14+s30+$0x0] =	vst.idx.msk $0xffff, v13;
	v59 =	vld [tilespmem:s21+$0xFFFFFFB0];
	v54 =	vmul.f32 v42, v15  }
0x1af: {  	v56 =	vadd.s32 v2, v9;
	v55 =	vld [tilespmem:s21+$0xFFFFFF30];
	v61 =	vmul.f32 v48, v31;
	[tilespmem:v49+s30+$0x0] =	vst.idx.msk $0xffff, v57  }
0x1b0: {  	v33 =	vadd.s32 v2, v5;
	v27 =	vmul.f32 v45, v20;
	v35 =	vld [tilespmem:s5+$0xFFFFFF70];
	[tilespmem:v46+s30+$0x0] =	vst.idx.msk $0xffff, v54  }
0x1b1: {  	v60 =	vadd.s32 v2, v4;
	v36 =	vmul.f32 v52, v6;
	[tilespmem:v53+s30+$0x0] =	vst.idx.msk $0xffff, v61;
	v62 =	vld [tilespmem:s5+$0xFFFFFFF0]  }
0x1b2: {  	v39 =	vadd.s32 v2, v17;
	v63 =	vmul.f32 v50, v11;
	[tilespmem:v51+s30+$0x0] =	vst.idx.msk $0xffff, v27;
	v40 =	vld [tilespmem:s5+$0xFFFFFFB0]  }
0x1b3: {  	v37 =	vadd.s32 v2, v34;
	[tilespmem:v58+s30+$0x0] =	vst.idx.msk $0xffff, v36;
	v27 =	vld [tilespmem:s5+$0xFFFFFF30];
	v42 =	vmul.f32 v59, v7  }
0x1b4: {  	v38 =	vmul.f32 v55, v8;
	v44 =	vld [tilespmem:s21+$0xFFFFFF80];
	[tilespmem:v56+s30+$0x0] =	vst.idx.msk $0xffff, v63;
	v46 =	vadd.s32 v2, v18  }
0x1b5: {  	v43 =	vadd.s32 v2, v12;
	v41 =	vld [tilespmem:s21+$0x0];
	[tilespmem:v33+s30+$0x0] =	vst.idx.msk $0xffff, v42;
	v49 =	vmul.f32 v35, v29  }
0x1b6: {  	v50 =	vadd.s32 v3, v10;
	[tilespmem:v60+s30+$0x0] =	vst.idx.msk $0xffff, v38;
	v51 =	vld [tilespmem:s21+$0xFFFFFFC0];
	v45 =	vmul.f32 v62, v15  }
0x1b7: {  	v47 =	vadd.s32 v3, v9;
	v48 =	vld [tilespmem:s21+$0xFFFFFF40];
	v53 =	vmul.f32 v40, v31;
	[tilespmem:v39+s30+$0x0] =	vst.idx.msk $0xffff, v49  }
0x1b8: {  	v5 =	vadd.s32 v3, v5;
	v52 =	vmul.f32 v27, v20;
	v14 =	vld [tilespmem:s5+$0xFFFFFF80];
	[tilespmem:v37+s30+$0x0] =	vst.idx.msk $0xffff, v45  }
0x1b9: {  	v4 =	vadd.s32 v3, v4;
	v55 =	vmul.f32 v44, v6;
	[tilespmem:v46+s30+$0x0] =	vst.idx.msk $0xffff, v53;
	v19 =	vld [tilespmem:s5+$0x0]  }
0x1ba: {  	v59 =	vadd.s32 v3, v17;
	v54 =	vmul.f32 v41, v11;
	[tilespmem:v43+s30+$0x0] =	vst.idx.msk $0xffff, v52;
	v60 =	vld [tilespmem:s5+$0xFFFFFFC0]  }
0x1bb: {  	v56 =	vadd.s32 v3, v34;
	[tilespmem:v50+s30+$0x0] =	vst.idx.msk $0xffff, v55;
	v57 =	vld [tilespmem:s5+$0xFFFFFF40];
	v61 =	vmul.f32 v51, v7  }
0x1bc: {  	v63 =	vadd.s32 v3, v18;
	v58 =	vmul.f32 v48, v8;
	[tilespmem:v47+s30+$0x0] =	vst.idx.msk $0xffff, v54  }
0x1bd: {  	v62 =	vadd.s32 v3, v12;
	[tilespmem:v5+s30+$0x0] =	vst.idx.msk $0xffff, v61;
	v5 =	vmul.f32 v14, v29  }
0x1be: {  	[tilespmem:v4+s30+$0x0] =	vst.idx.msk $0xffff, v58;
	v4 =	vmul.f32 v19, v15  }
0x1bf: {  	s6 =	sshll.u32 s20, $0x12;
	[tilespmem:v59+s30+$0x0] =	vst.idx.msk $0xffff, v5;
	v5 =	vmul.f32 v60, v31  }
0x1c0: {  	s5 =	sor.u32 s8, s6;
	[tilespmem:v56+s30+$0x0] =	vst.idx.msk $0xffff, v4;
	v4 =	vmul.f32 v57, v20  }
0x1c1: {  	s5 =	sshrl.u32 s5, $0x3;
	[tilespmem:v63+s30+$0x0] =	vst.idx.msk $0xffff, v5  }
0x1c2: {  	s9 =	simm.s32 $0xF480;
	s13 =	sadd.s32 s2, s5;
	[tilespmem:v62+s30+$0x0] =	vst.idx.msk $0xffff, v4  }
0x1c3: {  	[hbm4b:s13+s3] =	stream.linear.scatter [tilespmem:s9], [sflag:$0x7], $0x80, $0x38;
	[tilespmem:$0x1BE80] =	vst v63  }
0x1c4: {  	s15 =	simm.s32 $0xF508;
	s6 =	sadd.s32 $0x10, s13  }
0x1c5: {  	[hbm4b:s6+s3] =	stream.linear.scatter [tilespmem:s15], [sflag:$0x7], $0x80, $0x38;
	[tilespmem:$0x1BE80] =	vst v63  }
0x1c6: {  	s20 =	simm.s32 $0xF590;
	s21 =	sadd.s32 $0x20, s13  }
0x1c7: {  	[hbm4b:s21+s3] =	stream.linear.scatter [tilespmem:s20], [sflag:$0x7], $0x80, $0x38;
	[tilespmem:$0x1BE80] =	vst v63  }
0x1c8: {  	s9 =	simm.s32 $0xF618;
	s15 =	sadd.s32 $0x30, s13  }
0x1c9: {  	[hbm4b:s15+s3] =	stream.linear.scatter [tilespmem:s9], [sflag:$0x7], $0x80, $0x38;
	[tilespmem:$0x1BE80] =	vst v63  }
0x1ca: {  	s20 =	simm.s32 $0xF6A0;
	s21 =	sadd.s32 $0x40, s13  }
0x1cb: {  	[hbm4b:s21+s3] =	stream.linear.scatter [tilespmem:s20], [sflag:$0x7], $0x80, $0x38;
	[tilespmem:$0x1BE80] =	vst v63  }
0x1cc: {  	s5 =	simm.s32 $0x440;
	s9 =	simm.s32 $0xF728;
	s15 =	sadd.s32 $0x50, s13  }
0x1cd: {  	[hbm4b:s15+s3] =	stream.linear.scatter [tilespmem:s9], [sflag:$0x7], $0x80, $0x38;
	[tilespmem:$0x1BE80] =	vst v63  }
0x1ce: {  	s6 =	simm.s32 $0x2200;
	s20 =	simm.s32 $0xF7B0;
	s21 =	sadd.s32 $0x60, s13  }
0x1cf: {  	[hbm4b:s21+s3] =	stream.linear.scatter [tilespmem:s20], [sflag:$0x7], $0x80, $0x38;
	[tilespmem:$0x1BE80] =	vst v63  }
0x1d0: {  	s15 =	simm.s32 $0xF838;
	s20 =	sadd.s32 $0x70, s13;
	s13 =	sadd.s32 $0x1000, s13  }
.LBB2_13:
0x1d1: {  	[hbm4b:s20+s3] =	stream.linear.scatter [tilespmem:s15], [sflag:$0x7], $0x80, $0x38;
	[tilespmem:$0x1BE80] =	vst v63  }
0x1d2: {  	s15 =	smov.u32 s5;
	s5 =	smov.u32 s6  }
0x1d3: {  	s21 =	sadd.s32 $0x1100, s6;
	s5 =	sshra.s32 s5, $0x2;
	s20 =	sadd.s32 $0xF480, s15  }
0x1d4: {  	[hbm4b:s13+s3] =	stream.linear.scatter [tilespmem:s20], [sflag:$0x7], $0x80, $0x38;
	[tilespmem:$0x1BE80] =	vst v63  }
0x1d5: {  	p0 =	sne.s32 s6, $0x7700;
	s6 =	sadd.s32 $0xF508, s15;
	s20 =	sadd.s32 $0x10, s13  }
0x1d6: {  	[hbm4b:s20+s3] =	stream.linear.scatter [tilespmem:s6], [sflag:$0x7], $0x80, $0x38;
	[tilespmem:$0x1BE80] =	vst v63  }
0x1d7: {  	s6 =	sadd.s32 $0xF590, s15;
	s20 =	sadd.s32 $0x20, s13  }
0x1d8: {  	[hbm4b:s20+s3] =	stream.linear.scatter [tilespmem:s6], [sflag:$0x7], $0x80, $0x38;
	[tilespmem:$0x1BE80] =	vst v63  }
0x1d9: {  	s6 =	sadd.s32 $0xF618, s15;
	s20 =	sadd.s32 $0x30, s13  }
0x1da: {  	[hbm4b:s20+s3] =	stream.linear.scatter [tilespmem:s6], [sflag:$0x7], $0x80, $0x38;
	[tilespmem:$0x1BE80] =	vst v63  }
0x1db: {  	s6 =	sadd.s32 $0xF6A0, s15;
	s20 =	sadd.s32 $0x40, s13  }
0x1dc: {  	[hbm4b:s20+s3] =	stream.linear.scatter [tilespmem:s6], [sflag:$0x7], $0x80, $0x38;
	[tilespmem:$0x1BE80] =	vst v63  }
.Ltmp7:
0x1dd: {  	s6 =	sadd.s32 $0xF728, s15;
	s20 =	sadd.s32 $0x50, s13;
	(pc) =	sbr.rel @p0 .LBB2_13-.Ltmp7, $4  }
0x1de: {  	[hbm4b:s20+s3] =	stream.linear.scatter [tilespmem:s6], [sflag:$0x7], $0x80, $0x38;
	[tilespmem:$0x1BE80] =	vst v63  }
0x1df: {  	s6 =	sadd.s32 $0xF7B0, s15;
	s20 =	sadd.s32 $0x60, s13;
	s15 =	sadd.s32 $0xF838, s15  }
0x1e0: {  	[hbm4b:s20+s3] =	stream.linear.scatter [tilespmem:s6], [sflag:$0x7], $0x80, $0x38;
	[tilespmem:$0x1BE80] =	vst v63  }
0x1e1: {  	s20 =	sadd.s32 $0x70, s13;
	s13 =	sadd.s32 $0x1000, s13;
	s6 =	smov.u32 s21  }
0x1e2: {  	[hbm4b:s20+s3] =	stream.linear.scatter [tilespmem:s15], [sflag:$0x7], $0x80, $0x38;
	[tilespmem:$0x1BE80] =	vst v63  }
0x1e3: {  	s6 =	sadd.s32 $0xF480, s5  }
0x1e4: {  	[hbm4b:s13+s3] =	stream.linear.scatter [tilespmem:s6], [sflag:$0x7], $0x80, $0x38;
	[tilespmem:$0x1BE80] =	vst v63  }
0x1e5: {  	s21 =	sadd.s32 $0xF508, s5;
	s9 =	sadd.s32 $0x10, s13  }
0x1e6: {  	[hbm4b:s9+s3] =	stream.linear.scatter [tilespmem:s21], [sflag:$0x7], $0x80, $0x38;
	[tilespmem:$0x1BE80] =	vst v63  }
0x1e7: {  	s15 =	sadd.s32 $0xF590, s5;
	s20 =	sadd.s32 $0x20, s13;
	p0 =	seq.s32 s7, $0x9  }
0x1e8: {  	[hbm4b:s20+s3] =	stream.linear.scatter [tilespmem:s15], [sflag:$0x7], $0x80, $0x38;
	[tilespmem:$0x1BE80] =	vst v63  }
0x1e9: {  	s6 =	smul.u32 @!p0 $0xA00, s7;
	s21 =	sadd.s32 $0xF618, s5;
	s9 =	sadd.s32 $0x30, s13  }
0x1ea: {  	[hbm4b:s9+s3] =	stream.linear.scatter [tilespmem:s21], [sflag:$0x7], $0x80, $0x38;
	[tilespmem:$0x1BE80] =	vst v63  }
0x1eb: {  	s15 =	sadd.s32 $0xF6A0, s5;
	s20 =	sadd.s32 $0x40, s13;
	s21 =	sadd.s32 $0xF728, s5  }
0x1ec: {  	[hbm4b:s20+s3] =	stream.linear.scatter [tilespmem:s15], [sflag:$0x7], $0x80, $0x38;
	[tilespmem:$0x1BE80] =	vst v63  }
0x1ed: {  	s9 =	sadd.s32 $0x50, s13;
	s20 =	sadd.s32 $0xF7B0, s5;
	s15 =	sadd.s32 $0x70, s13  }
0x1ee: {  	[hbm4b:s9+s3] =	stream.linear.scatter [tilespmem:s21], [sflag:$0x7], $0x80, $0x38;
	[tilespmem:$0x1BE80] =	vst v63  }
0x1ef: {  	s21 =	sadd.s32 $0x60, s13;
	s9 =	sadd.s32 $0xF838, s5;
	s5 =	simm.s32 @!p0 $0x6  }
0x1f0: {  	[hbm4b:s21+s3] =	stream.linear.scatter [tilespmem:s20], [sflag:$0x7], $0x80, $0x38;
	[tilespmem:$0x1BE80] =	vst v63  }
0x1f1: {  	s13 =	simm.s32 @!p0 $0x80;
	s21 =	sadd.s32 $0x2, s19;
	s20 =	simm.s32 $0x0  }
0x1f2: {  	[hbm4b:s15+s3] =	stream.linear.scatter [tilespmem:s9], [sflag:$0x7], $0x80, $0x38;
	[tilespmem:$0x1BE80] =	vst v63  }
0x1f3: {  	v4 =	vmov s20;
	s15 =	sshll.u32 s21, $0x7;
	s9 =	simm.s32 $0x1;
	_ =	swait.ge @!p0 [sflag:s5], $0x2000  }
0x1f4: {  	s20 =	sshra.s32 @!p0 s6, $0x2;
	v12 =	vand.u32 $0x7C, v4;
	v15 =	vmov s15;
	v4 =	vmov s9;
	s9 =	simm.s32 $0x3;
	[sflag:s5] =	ssyncset.done @!p0 $0x0  }
0x1f5: {  	s6 =	sadd.s32 @!p0 $0x280, s20;
	s15 =	simm.s32 @!p0 $0x3280;
	v5 =	vor.u32 v15, v12;
	v17 =	vand.u32 $0x7D, v4;
	v4 =	vmov s9;
	[sflag:s5] =	ssyncadd.s32 @!p0 $0xFFFFE000  }
0x1f6: {  	v6 =	vor.u32 v15, v17;
	v18 =	vand.u32 $0x7F, v4;
	[tilespmem:s15], [sflag:$0x1] =	stream.indirect.gather @!p0 [hbm4b:s4+s13], $0x40, s6, s13, $0xb8;
	[tilespmem:$0x1BE80] =	vst v63  }
0x1f7: {  	v4 =	vor.u32 v15, v18;
	_ =	swait.ge [sflag:s31], $0x2000  }
0x1f8: {  	s6 =	simm.s32 $0x2;
	[sflag:s31] =	ssyncset.done $0x0  }
0x1f9: {  	v7 =	vmov s6;
	[sflag:s31] =	ssyncadd.s32 $0xFFFFE000  }
0x1fa: {  	v14 =	vand.u32 $0x7E, v7;
	v16 =	vld.idx.msk [tilespmem:v5+s14+$0x0], $0xffff  }
0x1fb: {  	v5 =	vor.u32 v15, v14;
	v33 =	vld.idx.msk [tilespmem:v6+s14+$0x0], $0xffff  }
0x1fc: {  	s5 =	simm.s32 $0x7370;
	v23 =	vld.idx.msk [tilespmem:v4+s14+$0x0], $0xffff  }
0x1fd: {  	v4 =	vld [tilespmem:s5+$0xFFFFFFD0]  }
0x1fe: {  	v6 =	vld [tilespmem:s5+$0xFFFFFF10]  }
0x1ff: {  	v8 =	vadd.s32 v0, v18;
	v7 =	vld [tilespmem:s5+$0xFFFFFF50]  }
0x200: {  	v13 =	vld.idx.msk [tilespmem:v5+s14+$0x0], $0xffff;
	v5 =	vadd.s32 v0, v12  }
0x201: {  	v11 =	vadd.s32 v0, v17;
	v9 =	vld [tilespmem:s5+$0xFFFFFF90]  }
0x202: {  	v10 =	vmul.f32 v4, v23  }
0x203: {  	v19 =	vadd.s32 v0, v14;
	v6 =	vmul.f32 v6, v16  }
0x204: {  	s13 =	simm.s32 $0x5;
	s15 =	simm.s32 $0x6;
	v7 =	vmul.f32 v7, v33;
	[tilespmem:v8+s0+$0x0] =	vst.idx.msk $0xffff, v10  }
0x205: {  	v20 =	vmov s13;
	v21 =	vmov s15;
	[tilespmem:v5+s0+$0x0] =	vst.idx.msk $0xffff, v6;
	v6 =	vld [tilespmem:s5+$0xFFFFFFE0]  }
0x206: {  	s9 =	simm.s32 $0x4;
	[tilespmem:v11+s0+$0x0] =	vst.idx.msk $0xffff, v7;
	v10 =	vand.u32 $0x7D, v20;
	v5 =	vand.u32 $0x7E, v21;
	v9 =	vmul.f32 v9, v13;
	v21 =	vld [tilespmem:s5+$0xFFFFFF20]  }
0x207: {  	v22 =	vadd.s32 v1, v18;
	v4 =	vmov s9;
	v11 =	vld [tilespmem:s5+$0xFFFFFF60];
	v20 =	vor.u32 v15, v10  }
0x208: {  	s15 =	simm.s32 $0x7470;
	v4 =	vand.u32 $0x7C, v4;
	[tilespmem:v19+s0+$0x0] =	vst.idx.msk $0xffff, v9;
	v19 =	vadd.s32 v1, v12  }
0x209: {  	v25 =	vadd.s32 v1, v17;
	v28 =	vld [tilespmem:s15+$0xFFFFFFD0];
	s9 =	simm.s32 $0x7;
	v8 =	vor.u32 v15, v4  }
0x20a: {  	v30 =	vld [tilespmem:s15+$0xFFFFFF50];
	v9 =	vmov s9;
	v26 =	vmul.f32 v6, v23  }
0x20b: {  	v24 =	vld [tilespmem:s5+$0xFFFFFFA0];
	v9 =	vand.u32 $0x7F, v9;
	v21 =	vmul.f32 v21, v16  }
0x20c: {  	v11 =	vmul.f32 v11, v33;
	v6 =	vld.idx.msk [tilespmem:v20+s14+$0x0], $0xffff;
	v20 =	vor.u32 v15, v9;
	[tilespmem:v22+s0+$0x0] =	vst.idx.msk $0xffff, v26  }
0x20d: {  	v22 =	vadd.s32 v1, v14;
	[tilespmem:v19+s0+$0x0] =	vst.idx.msk $0xffff, v21;
	v19 =	vld [tilespmem:s5+$0xFFFFFFF0]  }
0x20e: {  	v8 =	vld.idx.msk [tilespmem:v8+s14+$0x0], $0xffff;
	[tilespmem:v25+s0+$0x0] =	vst.idx.msk $0xffff, v11  }
0x20f: {  	v7 =	vor.u32 v15, v5;
	v25 =	vld [tilespmem:s5+$0xFFFFFF70];
	v26 =	vadd.s32 v2, v18  }
0x210: {  	v24 =	vmul.f32 v24, v13;
	v21 =	vld [tilespmem:s5+$0xFFFFFF30]  }
0x211: {  	v27 =	vadd.s32 v2, v12;
	v29 =	vadd.s32 v2, v17;
	v11 =	vld.idx.msk [tilespmem:v20+s14+$0x0], $0xffff  }
0x212: {  	v40 =	vadd.s32 v3, v18;
	[tilespmem:v22+s0+$0x0] =	vst.idx.msk $0xffff, v24;
	v22 =	vld [tilespmem:s15+$0xFFFFFF10];
	v24 =	vmul.f32 v19, v23  }
0x213: {  	s13 =	simm.s32 $0x8;
	v34 =	vld [tilespmem:s15+$0xFFFFFF90];
	v32 =	vadd.s32 v0, v4;
	v35 =	vadd.s32 v0, v10;
	v31 =	vadd.s32 v0, v9  }
0x214: {  	v38 =	vadd.s32 v0, v5;
	v7 =	vld.idx.msk [tilespmem:v7+s14+$0x0], $0xffff;
	v20 =	vmov s13;
	v25 =	vmul.f32 v25, v33;
	[tilespmem:v26+s0+$0x0] =	vst.idx.msk $0xffff, v24  }
0x215: {  	s13 =	simm.s32 $0xA;
	v19 =	vadd.s32 v3, v12;
	v12 =	vand.u32 $0x7C, v20;
	v21 =	vmul.f32 v21, v16;
	v36 =	vld [tilespmem:s5+$0x0]  }
0x216: {  	s9 =	simm.s32 $0x9;
	v37 =	vmov s13;
	[tilespmem:v29+s0+$0x0] =	vst.idx.msk $0xffff, v25;
	v25 =	vld [tilespmem:s5+$0xFFFFFFB0];
	v20 =	vor.u32 v15, v12;
	v26 =	vmul.f32 v28, v11  }
0x217: {  	v39 =	vld [tilespmem:s5+$0xFFFFFF80];
	v24 =	vmov s9;
	[tilespmem:v27+s0+$0x0] =	vst.idx.msk $0xffff, v21;
	v21 =	vadd.s32 v3, v17;
	v22 =	vmul.f32 v22, v8  }
0x218: {  	v17 =	vand.u32 $0x7D, v24;
	v24 =	vmul.f32 v30, v6;
	v27 =	vadd.s32 v2, v14;
	[tilespmem:v31+s0+$0x0] =	vst.idx.msk $0xffff, v26;
	v26 =	vld [tilespmem:s5+$0xFFFFFF40]  }
0x219: {  	v18 =	vand.u32 $0x7E, v37;
	v30 =	vmul.f32 v34, v7;
	v29 =	vor.u32 v15, v17;
	v28 =	vld [tilespmem:s15+$0xFFFFFFE0];
	[tilespmem:v32+s0+$0x0] =	vst.idx.msk $0xffff, v22  }
0x21a: {  	v31 =	vor.u32 v15, v18;
	[tilespmem:v35+s0+$0x0] =	vst.idx.msk $0xffff, v24;
	v22 =	vld [tilespmem:s15+$0xFFFFFF20];
	v63 =	vmul.f32 v36, v23  }
0x21b: {  	[tilespmem:v38+s0+$0x0] =	vst.idx.msk $0xffff, v30;
	v30 =	vadd.s32 v1, v9;
	v32 =	vmul.f32 v25, v13;
	v23 =	vld [tilespmem:s15+$0xFFFFFF60]  }
0x21c: {  	s6 =	simm.s32 $0xB;
	s13 =	simm.s32 $0xC;
	v24 =	vadd.s32 v1, v4;
	v25 =	vld [tilespmem:s15+$0xFFFFFFA0];
	v33 =	vmul.f32 v39, v33;
	[tilespmem:v40+s0+$0x0] =	vst.idx.msk $0xffff, v63  }
.LBB2_15:
0x21d: {  	p1 =	slt.u32 s13, $0x7C;
	v20 =	vld.idx.msk [tilespmem:v20+s14+$0x0], $0xffff;
	v34 =	vmov s6;
	v35 =	vadd.s32 v1, v10;
	v16 =	vmul.f32 v26, v16;
	[tilespmem:v27+s0+$0x0] =	vst.idx.msk $0xffff, v32  }
0x21e: {  	v27 =	vadd.s32 v1, v5;
	v26 =	vand.u32 $0x7F, v34;
	v28 =	vmul.f32 v28, v11;
	[tilespmem:v21+s0+$0x0] =	vst.idx.msk $0xffff, v33;
	v21 =	vld [tilespmem:s5+$0xFFFFFFC0];
	s5 =	smov.u32 s15  }
0x21f: {  	v34 =	vld.idx.msk [tilespmem:v29+s14+$0x0], $0xffff;
	v29 =	vor.u32 v15, v26;
	v22 =	vmul.f32 v22, v8;
	[tilespmem:v19+s0+$0x0] =	vst.idx.msk $0xffff, v16  }
0x220: {  	v19 =	vld.idx.msk [tilespmem:v31+s14+$0x0], $0xffff;
	v23 =	vmul.f32 v23, v6;
	[tilespmem:v30+s0+$0x0] =	vst.idx.msk $0xffff, v28;
	v28 =	vadd.s32 v3, v14  }
0x221: {  	v14 =	vmovc v5;
	[tilespmem:v24+s0+$0x0] =	vst.idx.msk $0xffff, v22;
	v22 =	vmul.f32 v25, v7;
	v24 =	vld [tilespmem:s15+$0xFFFFFFF0];
	v16 =	vmov v8;
	v25 =	vmov v17  }
0x222: {  	v5 =	vmov v18;
	v17 =	vld [tilespmem:s15+$0xFFFFFF30];
	[tilespmem:v35+s0+$0x0] =	vst.idx.msk $0xffff, v23  }
0x223: {  	v8 =	vmov v20;
	v18 =	vld [tilespmem:s15+$0xFFFFFF70];
	[tilespmem:v27+s0+$0x0] =	vst.idx.msk $0xffff, v22;
	v22 =	vadd.s32 v2, v9;
	v21 =	vmul.f32 v21, v13  }
0x224: {  	v27 =	vadd.s32 v2, v4;
	s15 =	sadd.s32 $0x100, s15;
	v13 =	vmov v7;
	v23 =	vld.idx.msk [tilespmem:v29+s14+$0x0], $0xffff  }
0x225: {  	v30 =	vadd.s32 v2, v10;
	v29 =	vld [tilespmem:s15+$0xFFFFFFD0];
	[tilespmem:v28+s0+$0x0] =	vst.idx.msk $0xffff, v21  }
0x226: {  	v20 =	vmov s13;
	v7 =	vmov v19;
	v21 =	vld [tilespmem:s15+$0xFFFFFF10];
	v24 =	vmul.f32 v24, v11  }
0x227: {  	v31 =	vadd.s32 v0, v26;
	v19 =	vadd.s32 v3, v4;
	v4 =	vmovc v12;
	v28 =	vld [tilespmem:s15+$0xFFFFFF50];
	v17 =	vmul.f32 v17, v16  }
0x228: {  	s6 =	sadd.s32 $0x1, s13;
	v12 =	vand.u32 $0x7C, v20;
	v32 =	vadd.s32 v0, v4;
	v33 =	vld [tilespmem:s15+$0xFFFFFF90];
	v18 =	vmul.f32 v18, v6;
	[tilespmem:v22+s0+$0x0] =	vst.idx.msk $0xffff, v24  }
0x229: {  	v20 =	vor.u32 v15, v12;
	v22 =	vmov s6;
	s6 =	sadd.s32 $0x2, s13;
	v24 =	vadd.s32 v0, v25;
	[tilespmem:v27+s0+$0x0] =	vst.idx.msk $0xffff, v17;
	v35 =	vld [tilespmem:s5+$0x0]  }
0x22a: {  	v37 =	vadd.s32 v0, v5;
	v36 =	vmov s6;
	v27 =	vmul.f32 v29, v23;
	[tilespmem:v30+s0+$0x0] =	vst.idx.msk $0xffff, v18;
	v38 =	vld [tilespmem:s5+$0xFFFFFFB0]  }
0x22b: {  	v40 =	vadd.s32 v3, v9;
	v9 =	vmovc v26;
	v30 =	vmul.f32 v21, v8;
	v39 =	vld [tilespmem:s5+$0xFFFFFF80];
	v21 =	vadd.s32 v3, v10  }
.Ltmp8:
0x22c: {  	v17 =	vand.u32 $0x7D, v22;
	v41 =	vmul.f32 v28, v34;
	[tilespmem:v31+s0+$0x0] =	vst.idx.msk $0xffff, v27;
	v26 =	vld [tilespmem:s5+$0xFFFFFF40];
	v27 =	vadd.s32 v2, v14;
	(pc) =	sbr.rel @p1 .LBB2_15-.Ltmp8, $4  }
0x22d: {  	v29 =	vor.u32 v15, v17;
	v18 =	vand.u32 $0x7E, v36;
	[tilespmem:v32+s0+$0x0] =	vst.idx.msk $0xffff, v30;
	v30 =	vmul.f32 v33, v7;
	v28 =	vld [tilespmem:s15+$0xFFFFFFE0]  }
0x22e: {  	v31 =	vor.u32 v15, v18;
	v22 =	vld [tilespmem:s15+$0xFFFFFF20];
	[tilespmem:v24+s0+$0x0] =	vst.idx.msk $0xffff, v41;
	v35 =	vmul.f32 v35, v11;
	v11 =	vmov v23  }
0x22f: {  	v10 =	vmov v25;
	v23 =	vld [tilespmem:s15+$0xFFFFFF60];
	[tilespmem:v37+s0+$0x0] =	vst.idx.msk $0xffff, v30;
	v30 =	vadd.s32 v1, v9;
	v32 =	vmul.f32 v38, v13  }
0x230: {  	s6 =	sadd.s32 $0x3, s13;
	s13 =	sadd.s32 $0x4, s13;
	v24 =	vadd.s32 v1, v4;
	v25 =	vld [tilespmem:s15+$0xFFFFFFA0];
	v33 =	vmul.f32 v39, v6;
	[tilespmem:v40+s0+$0x0] =	vst.idx.msk $0xffff, v35;
	v6 =	vmov v34  }
0x231: {  	_ =	sdelay $0x1  }
0x232: {  	v34 =	vmov s6  }
0x233: {  	v34 =	vand.u32 $0x7F, v34  }
0x234: {  	v20 =	vld.idx.msk [tilespmem:v20+s14+$0x0], $0xffff;
	v15 =	vor.u32 v15, v34  }
0x235: {  	v29 =	vld.idx.msk [tilespmem:v29+s14+$0x0], $0xffff  }
0x236: {  	v31 =	vld.idx.msk [tilespmem:v31+s14+$0x0], $0xffff;
	s13 =	sadd.s32 $0x100, s15  }
0x237: {  	v35 =	vld [tilespmem:s13+$0xFFFFFFD0]  }
0x238: {  	v36 =	vld [tilespmem:s13+$0xFFFFFF50]  }
0x239: {  	v15 =	vld.idx.msk [tilespmem:v15+s14+$0x0], $0xffff  }
0x23a: {  	v59 =	vadd.s32 v0, v17;
	v58 =	vld [tilespmem:s13+$0xFFFFFF90]  }
0x23b: {  	v16 =	vmul.f32 v26, v16;
	[tilespmem:v27+s0+$0x0] =	vst.idx.msk $0xffff, v32;
	v37 =	vld [tilespmem:s13+$0xFFFFFF10];
	v38 =	vadd.s32 v0, v34  }
0x23c: {  	v62 =	vadd.s32 v0, v18;
	[tilespmem:v21+s0+$0x0] =	vst.idx.msk $0xffff, v33;
	v60 =	vmul.f32 v28, v11  }
0x23d: {  	v61 =	vadd.s32 v0, v12;
	[tilespmem:v19+s0+$0x0] =	vst.idx.msk $0xffff, v16;
	v36 =	vmul.f32 v36, v29  }
0x23e: {  	v39 =	vadd.s32 v1, v10;
	[tilespmem:v30+s0+$0x0] =	vst.idx.msk $0xffff, v60;
	v63 =	vmul.f32 v35, v15  }
0x23f: {  	v32 =	vld [tilespmem:s5+$0xFFFFFFC0];
	v26 =	vmul.f32 v58, v31;
	[tilespmem:v59+s0+$0x0] =	vst.idx.msk $0xffff, v36  }
0x240: {  	v41 =	vadd.s32 v1, v5;
	v40 =	vmul.f32 v37, v20;
	v44 =	vld [tilespmem:s13+$0xFFFFFF60];
	[tilespmem:v38+s0+$0x0] =	vst.idx.msk $0xffff, v63  }
0x241: {  	v14 =	vadd.s32 v3, v14;
	v23 =	vmul.f32 v23, v6;
	[tilespmem:v62+s0+$0x0] =	vst.idx.msk $0xffff, v26;
	v42 =	vld [tilespmem:s13+$0xFFFFFFE0]  }
0x242: {  	v49 =	vadd.s32 v1, v17;
	v43 =	vmul.f32 v22, v8;
	[tilespmem:v61+s0+$0x0] =	vst.idx.msk $0xffff, v40;
	v48 =	vld [tilespmem:s13+$0xFFFFFFA0]  }
0x243: {  	v46 =	vadd.s32 v1, v34;
	v47 =	vmul.f32 v25, v7;
	[tilespmem:v39+s0+$0x0] =	vst.idx.msk $0xffff, v23;
	v45 =	vld [tilespmem:s13+$0xFFFFFF20]  }
0x244: {  	v53 =	vadd.s32 v1, v18;
	[tilespmem:v24+s0+$0x0] =	vst.idx.msk $0xffff, v43;
	v13 =	vmul.f32 v32, v13;
	v52 =	vld [tilespmem:s15+$0xFFFFFF70]  }
0x245: {  	v51 =	vadd.s32 v1, v12;
	v50 =	vld [tilespmem:s15+$0xFFFFFFF0];
	[tilespmem:v41+s0+$0x0] =	vst.idx.msk $0xffff, v47;
	v57 =	vmul.f32 v44, v29  }
0x246: {  	v58 =	vadd.s32 v2, v10;
	[tilespmem:v14+s0+$0x0] =	vst.idx.msk $0xffff, v13;
	v59 =	vld [tilespmem:s15+$0xFFFFFFB0];
	v54 =	vmul.f32 v42, v15  }
0x247: {  	v56 =	vadd.s32 v2, v9;
	v55 =	vld [tilespmem:s15+$0xFFFFFF30];
	v61 =	vmul.f32 v48, v31;
	[tilespmem:v49+s0+$0x0] =	vst.idx.msk $0xffff, v57  }
0x248: {  	v33 =	vadd.s32 v2, v5;
	v27 =	vmul.f32 v45, v20;
	v35 =	vld [tilespmem:s13+$0xFFFFFF70];
	[tilespmem:v46+s0+$0x0] =	vst.idx.msk $0xffff, v54  }
0x249: {  	v60 =	vadd.s32 v2, v4;
	v36 =	vmul.f32 v52, v6;
	[tilespmem:v53+s0+$0x0] =	vst.idx.msk $0xffff, v61;
	v62 =	vld [tilespmem:s13+$0xFFFFFFF0]  }
0x24a: {  	v39 =	vadd.s32 v2, v17;
	v63 =	vmul.f32 v50, v11;
	[tilespmem:v51+s0+$0x0] =	vst.idx.msk $0xffff, v27;
	v40 =	vld [tilespmem:s13+$0xFFFFFFB0]  }
0x24b: {  	v37 =	vadd.s32 v2, v34;
	[tilespmem:v58+s0+$0x0] =	vst.idx.msk $0xffff, v36;
	v27 =	vld [tilespmem:s13+$0xFFFFFF30];
	v42 =	vmul.f32 v59, v7  }
0x24c: {  	v38 =	vmul.f32 v55, v8;
	v44 =	vld [tilespmem:s15+$0xFFFFFF80];
	[tilespmem:v56+s0+$0x0] =	vst.idx.msk $0xffff, v63;
	v46 =	vadd.s32 v2, v18  }
0x24d: {  	v43 =	vadd.s32 v2, v12;
	v41 =	vld [tilespmem:s15+$0x0];
	[tilespmem:v33+s0+$0x0] =	vst.idx.msk $0xffff, v42;
	v49 =	vmul.f32 v35, v29  }
0x24e: {  	v50 =	vadd.s32 v3, v10;
	[tilespmem:v60+s0+$0x0] =	vst.idx.msk $0xffff, v38;
	v51 =	vld [tilespmem:s15+$0xFFFFFFC0];
	v45 =	vmul.f32 v62, v15  }
0x24f: {  	v47 =	vadd.s32 v3, v9;
	v48 =	vld [tilespmem:s15+$0xFFFFFF40];
	v53 =	vmul.f32 v40, v31;
	[tilespmem:v39+s0+$0x0] =	vst.idx.msk $0xffff, v49  }
0x250: {  	v5 =	vadd.s32 v3, v5;
	v52 =	vmul.f32 v27, v20;
	v14 =	vld [tilespmem:s13+$0xFFFFFF80];
	[tilespmem:v37+s0+$0x0] =	vst.idx.msk $0xffff, v45  }
0x251: {  	v4 =	vadd.s32 v3, v4;
	v55 =	vmul.f32 v44, v6;
	[tilespmem:v46+s0+$0x0] =	vst.idx.msk $0xffff, v53;
	v19 =	vld [tilespmem:s13+$0x0]  }
0x252: {  	v59 =	vadd.s32 v3, v17;
	v54 =	vmul.f32 v41, v11;
	[tilespmem:v43+s0+$0x0] =	vst.idx.msk $0xffff, v52;
	v60 =	vld [tilespmem:s13+$0xFFFFFFC0]  }
0x253: {  	v56 =	vadd.s32 v3, v34;
	[tilespmem:v50+s0+$0x0] =	vst.idx.msk $0xffff, v55;
	v57 =	vld [tilespmem:s13+$0xFFFFFF40];
	v61 =	vmul.f32 v51, v7  }
0x254: {  	v63 =	vadd.s32 v3, v18;
	v58 =	vmul.f32 v48, v8;
	[tilespmem:v47+s0+$0x0] =	vst.idx.msk $0xffff, v54  }
0x255: {  	v62 =	vadd.s32 v3, v12;
	[tilespmem:v5+s0+$0x0] =	vst.idx.msk $0xffff, v61;
	v5 =	vmul.f32 v14, v29  }
0x256: {  	[tilespmem:v4+s0+$0x0] =	vst.idx.msk $0xffff, v58;
	v4 =	vmul.f32 v19, v15  }
0x257: {  	s15 =	sshll.u32 s21, $0x12;
	[tilespmem:v59+s0+$0x0] =	vst.idx.msk $0xffff, v5;
	v5 =	vmul.f32 v60, v31  }
0x258: {  	s5 =	sor.u32 s8, s15;
	[tilespmem:v56+s0+$0x0] =	vst.idx.msk $0xffff, v4;
	v4 =	vmul.f32 v57, v20  }
0x259: {  	s5 =	sshrl.u32 s5, $0x3;
	[tilespmem:v63+s0+$0x0] =	vst.idx.msk $0xffff, v5  }
0x25a: {  	s21 =	simm.s32 $0x11680;
	s13 =	sadd.s32 s2, s5;
	[tilespmem:v62+s0+$0x0] =	vst.idx.msk $0xffff, v4  }
0x25b: {  	[hbm4b:s13+s3] =	stream.linear.scatter [tilespmem:s21], [sflag:$0x8], $0x80, $0x38;
	[tilespmem:$0x1BE80] =	vst v63  }
0x25c: {  	s6 =	simm.s32 $0x11708;
	s9 =	sadd.s32 $0x10, s13  }
0x25d: {  	[hbm4b:s9+s3] =	stream.linear.scatter [tilespmem:s6], [sflag:$0x8], $0x80, $0x38;
	[tilespmem:$0x1BE80] =	vst v63  }
0x25e: {  	s15 =	simm.s32 $0x11790;
	s21 =	sadd.s32 $0x20, s13  }
0x25f: {  	[hbm4b:s21+s3] =	stream.linear.scatter [tilespmem:s15], [sflag:$0x8], $0x80, $0x38;
	[tilespmem:$0x1BE80] =	vst v63  }
0x260: {  	s6 =	simm.s32 $0x11818;
	s9 =	sadd.s32 $0x30, s13  }
0x261: {  	[hbm4b:s9+s3] =	stream.linear.scatter [tilespmem:s6], [sflag:$0x8], $0x80, $0x38;
	[tilespmem:$0x1BE80] =	vst v63  }
0x262: {  	s15 =	simm.s32 $0x118A0;
	s21 =	sadd.s32 $0x40, s13  }
0x263: {  	[hbm4b:s21+s3] =	stream.linear.scatter [tilespmem:s15], [sflag:$0x8], $0x80, $0x38;
	[tilespmem:$0x1BE80] =	vst v63  }
0x264: {  	s5 =	simm.s32 $0x440;
	s6 =	simm.s32 $0x11928;
	s9 =	sadd.s32 $0x50, s13  }
0x265: {  	[hbm4b:s9+s3] =	stream.linear.scatter [tilespmem:s6], [sflag:$0x8], $0x80, $0x38;
	[tilespmem:$0x1BE80] =	vst v63  }
0x266: {  	s15 =	simm.s32 $0x119B0;
	s21 =	sadd.s32 $0x60, s13;
	s6 =	simm.s32 $0x2200  }
0x267: {  	[hbm4b:s21+s3] =	stream.linear.scatter [tilespmem:s15], [sflag:$0x8], $0x80, $0x38;
	[tilespmem:$0x1BE80] =	vst v63  }
0x268: {  	s15 =	simm.s32 $0x11A38;
	s21 =	sadd.s32 $0x70, s13;
	s13 =	sadd.s32 $0x1000, s13  }
.LBB2_17:
0x269: {  	[hbm4b:s21+s3] =	stream.linear.scatter [tilespmem:s15], [sflag:$0x8], $0x80, $0x38;
	[tilespmem:$0x1BE80] =	vst v63  }
0x26a: {  	s15 =	smov.u32 s5;
	s5 =	smov.u32 s6  }
0x26b: {  	s9 =	sadd.s32 $0x1100, s6;
	s5 =	sshra.s32 s5, $0x2;
	s21 =	sadd.s32 $0x11680, s15  }
0x26c: {  	[hbm4b:s13+s3] =	stream.linear.scatter [tilespmem:s21], [sflag:$0x8], $0x80, $0x38;
	[tilespmem:$0x1BE80] =	vst v63  }
0x26d: {  	p1 =	sne.s32 s6, $0x7700;
	s6 =	sadd.s32 $0x11708, s15;
	s21 =	sadd.s32 $0x10, s13  }
0x26e: {  	[hbm4b:s21+s3] =	stream.linear.scatter [tilespmem:s6], [sflag:$0x8], $0x80, $0x38;
	[tilespmem:$0x1BE80] =	vst v63  }
0x26f: {  	s6 =	sadd.s32 $0x11790, s15;
	s21 =	sadd.s32 $0x20, s13  }
0x270: {  	[hbm4b:s21+s3] =	stream.linear.scatter [tilespmem:s6], [sflag:$0x8], $0x80, $0x38;
	[tilespmem:$0x1BE80] =	vst v63  }
0x271: {  	s6 =	sadd.s32 $0x11818, s15;
	s21 =	sadd.s32 $0x30, s13  }
0x272: {  	[hbm4b:s21+s3] =	stream.linear.scatter [tilespmem:s6], [sflag:$0x8], $0x80, $0x38;
	[tilespmem:$0x1BE80] =	vst v63  }
0x273: {  	s6 =	sadd.s32 $0x118A0, s15;
	s21 =	sadd.s32 $0x40, s13  }
0x274: {  	[hbm4b:s21+s3] =	stream.linear.scatter [tilespmem:s6], [sflag:$0x8], $0x80, $0x38;
	[tilespmem:$0x1BE80] =	vst v63  }
.Ltmp9:
0x275: {  	s6 =	sadd.s32 $0x11928, s15;
	s21 =	sadd.s32 $0x50, s13;
	(pc) =	sbr.rel @p1 .LBB2_17-.Ltmp9, $4  }
0x276: {  	[hbm4b:s21+s3] =	stream.linear.scatter [tilespmem:s6], [sflag:$0x8], $0x80, $0x38;
	[tilespmem:$0x1BE80] =	vst v63  }
0x277: {  	s6 =	sadd.s32 $0x119B0, s15;
	s21 =	sadd.s32 $0x60, s13;
	s15 =	sadd.s32 $0x11A38, s15  }
0x278: {  	[hbm4b:s21+s3] =	stream.linear.scatter [tilespmem:s6], [sflag:$0x8], $0x80, $0x38;
	[tilespmem:$0x1BE80] =	vst v63  }
0x279: {  	s21 =	sadd.s32 $0x70, s13;
	s13 =	sadd.s32 $0x1000, s13;
	s6 =	smov.u32 s9  }
0x27a: {  	[hbm4b:s21+s3] =	stream.linear.scatter [tilespmem:s15], [sflag:$0x8], $0x80, $0x38;
	[tilespmem:$0x1BE80] =	vst v63  }
0x27b: {  	s6 =	sadd.s32 $0x11680, s5  }
0x27c: {  	[hbm4b:s13+s3] =	stream.linear.scatter [tilespmem:s6], [sflag:$0x8], $0x80, $0x38;
	[tilespmem:$0x1BE80] =	vst v63  }
0x27d: {  	s21 =	sadd.s32 $0x11708, s5;
	s9 =	sadd.s32 $0x10, s13  }
0x27e: {  	[hbm4b:s9+s3] =	stream.linear.scatter [tilespmem:s21], [sflag:$0x8], $0x80, $0x38;
	[tilespmem:$0x1BE80] =	vst v63  }
0x27f: {  	s15 =	sadd.s32 $0x11790, s5;
	s21 =	sadd.s32 $0x20, s13  }
0x280: {  	[hbm4b:s21+s3] =	stream.linear.scatter [tilespmem:s15], [sflag:$0x8], $0x80, $0x38;
	[tilespmem:$0x1BE80] =	vst v63  }
0x281: {  	s15 =	sadd.s32 $0x11818, s5;
	s21 =	sadd.s32 $0x30, s13  }
0x282: {  	[hbm4b:s21+s3] =	stream.linear.scatter [tilespmem:s15], [sflag:$0x8], $0x80, $0x38;
	[tilespmem:$0x1BE80] =	vst v63  }
0x283: {  	s15 =	sadd.s32 $0x118A0, s5;
	s21 =	sadd.s32 $0x40, s13  }
0x284: {  	[hbm4b:s21+s3] =	stream.linear.scatter [tilespmem:s15], [sflag:$0x8], $0x80, $0x38;
	[tilespmem:$0x1BE80] =	vst v63  }
0x285: {  	s19 =	sadd.s32 $0x3, s19;
	s15 =	sadd.s32 $0x11928, s5;
	s21 =	sadd.s32 $0x50, s13  }
0x286: {  	[hbm4b:s21+s3] =	stream.linear.scatter [tilespmem:s15], [sflag:$0x8], $0x80, $0x38;
	[tilespmem:$0x1BE80] =	vst v63  }
0x287: {  	s9 =	simm.s32 $0x0;
	s15 =	sadd.s32 $0x119B0, s5;
	s21 =	sadd.s32 $0x60, s13  }
0x288: {  	[hbm4b:s21+s3] =	stream.linear.scatter [tilespmem:s15], [sflag:$0x8], $0x80, $0x38;
	[tilespmem:$0x1BE80] =	vst v63  }
0x289: {  	s15 =	sadd.s32 $0x11A38, s5;
	s21 =	sadd.s32 $0x70, s13;
	s5 =	simm.s32 @!p0 $0x7  }
0x28a: {  	[hbm4b:s21+s3] =	stream.linear.scatter [tilespmem:s15], [sflag:$0x8], $0x80, $0x38;
	[tilespmem:$0x1BE80] =	vst v63  }
0x28b: {  	v4 =	vmov s9;
	s13 =	sshll.u32 s19, $0x7;
	s15 =	simm.s32 $0x1;
	_ =	swait.ge @!p0 [sflag:s5], $0x2000  }
0x28c: {  	s6 =	sadd.s32 @!p0 $0x300, s20;
	v12 =	vand.u32 $0x7C, v4;
	v15 =	vmov s13;
	s21 =	simm.s32 $0x3;
	v4 =	vmov s15;
	[sflag:s5] =	ssyncset.done @!p0 $0x0  }
0x28d: {  	s9 =	simm.s32 @!p0 $0x80;
	s13 =	simm.s32 @!p0 $0x5280;
	v5 =	vor.u32 v15, v12;
	v17 =	vand.u32 $0x7D, v4;
	v4 =	vmov s21;
	[sflag:s5] =	ssyncadd.s32 @!p0 $0xFFFFE000  }
0x28e: {  	v6 =	vor.u32 v15, v17;
	v18 =	vand.u32 $0x7F, v4;
	[tilespmem:s13], [sflag:$0x2] =	stream.indirect.gather @!p0 [hbm4b:s4+s9], $0x40, s6, s9, $0xb8;
	[tilespmem:$0x1BE80] =	vst v63  }
0x28f: {  	v4 =	vor.u32 v15, v18;
	_ =	swait.ge [sflag:s1], $0x2000  }
0x290: {  	s6 =	simm.s32 $0x2;
	[sflag:s1] =	ssyncset.done $0x0  }
0x291: {  	v7 =	vmov s6;
	[sflag:s1] =	ssyncadd.s32 $0xFFFFE000  }
0x292: {  	v14 =	vand.u32 $0x7E, v7;
	v16 =	vld.idx.msk [tilespmem:v5+s14+$0x0], $0xffff  }
0x293: {  	v5 =	vor.u32 v15, v14;
	v33 =	vld.idx.msk [tilespmem:v6+s14+$0x0], $0xffff  }
0x294: {  	s5 =	simm.s32 $0x9370;
	v23 =	vld.idx.msk [tilespmem:v4+s14+$0x0], $0xffff  }
0x295: {  	v4 =	vld [tilespmem:s5+$0xFFFFFFD0]  }
0x296: {  	v6 =	vld [tilespmem:s5+$0xFFFFFF10]  }
0x297: {  	v8 =	vadd.s32 v0, v18;
	v7 =	vld [tilespmem:s5+$0xFFFFFF50]  }
0x298: {  	v13 =	vld.idx.msk [tilespmem:v5+s14+$0x0], $0xffff;
	v5 =	vadd.s32 v0, v12  }
0x299: {  	v11 =	vadd.s32 v0, v17;
	v9 =	vld [tilespmem:s5+$0xFFFFFF90]  }
0x29a: {  	v10 =	vmul.f32 v4, v23  }
0x29b: {  	v19 =	vadd.s32 v0, v14;
	v6 =	vmul.f32 v6, v16  }
0x29c: {  	s15 =	simm.s32 $0x6;
	s13 =	simm.s32 $0x5;
	v7 =	vmul.f32 v7, v33;
	[tilespmem:v8+s16+$0x0] =	vst.idx.msk $0xffff, v10  }
0x29d: {  	v21 =	vmov s15;
	v20 =	vmov s13;
	[tilespmem:v5+s16+$0x0] =	vst.idx.msk $0xffff, v6;
	v6 =	vld [tilespmem:s5+$0xFFFFFFE0]  }
0x29e: {  	s9 =	simm.s32 $0x4;
	[tilespmem:v11+s16+$0x0] =	vst.idx.msk $0xffff, v7;
	v10 =	vand.u32 $0x7D, v20;
	v5 =	vand.u32 $0x7E, v21;
	v9 =	vmul.f32 v9, v13;
	v21 =	vld [tilespmem:s5+$0xFFFFFF20]  }
0x29f: {  	v22 =	vadd.s32 v1, v18;
	v4 =	vmov s9;
	v11 =	vld [tilespmem:s5+$0xFFFFFF60];
	v20 =	vor.u32 v15, v10  }
0x2a0: {  	s15 =	simm.s32 $0x9470;
	v4 =	vand.u32 $0x7C, v4;
	[tilespmem:v19+s16+$0x0] =	vst.idx.msk $0xffff, v9;
	v19 =	vadd.s32 v1, v12  }
0x2a1: {  	s21 =	simm.s32 $0x7;
	v25 =	vadd.s32 v1, v17;
	v28 =	vld [tilespmem:s15+$0xFFFFFFD0];
	v8 =	vor.u32 v15, v4  }
0x2a2: {  	v30 =	vld [tilespmem:s15+$0xFFFFFF50];
	v9 =	vmov s21;
	v26 =	vmul.f32 v6, v23  }
0x2a3: {  	v24 =	vld [tilespmem:s5+$0xFFFFFFA0];
	v9 =	vand.u32 $0x7F, v9;
	v21 =	vmul.f32 v21, v16  }
0x2a4: {  	v11 =	vmul.f32 v11, v33;
	v6 =	vld.idx.msk [tilespmem:v20+s14+$0x0], $0xffff;
	v20 =	vor.u32 v15, v9;
	[tilespmem:v22+s16+$0x0] =	vst.idx.msk $0xffff, v26  }
0x2a5: {  	v22 =	vadd.s32 v1, v14;
	[tilespmem:v19+s16+$0x0] =	vst.idx.msk $0xffff, v21;
	v19 =	vld [tilespmem:s5+$0xFFFFFFF0]  }
0x2a6: {  	v8 =	vld.idx.msk [tilespmem:v8+s14+$0x0], $0xffff;
	[tilespmem:v25+s16+$0x0] =	vst.idx.msk $0xffff, v11  }
0x2a7: {  	v7 =	vor.u32 v15, v5;
	v25 =	vld [tilespmem:s5+$0xFFFFFF70];
	v26 =	vadd.s32 v2, v18  }
0x2a8: {  	v24 =	vmul.f32 v24, v13;
	v21 =	vld [tilespmem:s5+$0xFFFFFF30]  }
0x2a9: {  	v27 =	vadd.s32 v2, v12;
	v29 =	vadd.s32 v2, v17;
	v11 =	vld.idx.msk [tilespmem:v20+s14+$0x0], $0xffff  }
0x2aa: {  	v40 =	vadd.s32 v3, v18;
	[tilespmem:v22+s16+$0x0] =	vst.idx.msk $0xffff, v24;
	v22 =	vld [tilespmem:s15+$0xFFFFFF10];
	v24 =	vmul.f32 v19, v23  }
0x2ab: {  	v34 =	vld [tilespmem:s15+$0xFFFFFF90];
	s9 =	simm.s32 $0x8;
	v32 =	vadd.s32 v0, v4;
	v35 =	vadd.s32 v0, v10;
	v31 =	vadd.s32 v0, v9  }
0x2ac: {  	v38 =	vadd.s32 v0, v5;
	v7 =	vld.idx.msk [tilespmem:v7+s14+$0x0], $0xffff;
	v20 =	vmov s9;
	v25 =	vmul.f32 v25, v33;
	[tilespmem:v26+s16+$0x0] =	vst.idx.msk $0xffff, v24  }
0x2ad: {  	s21 =	simm.s32 $0xA;
	v19 =	vadd.s32 v3, v12;
	v12 =	vand.u32 $0x7C, v20;
	v21 =	vmul.f32 v21, v16;
	v36 =	vld [tilespmem:s5+$0x0]  }
0x2ae: {  	s13 =	simm.s32 $0x9;
	v37 =	vmov s21;
	[tilespmem:v29+s16+$0x0] =	vst.idx.msk $0xffff, v25;
	v25 =	vld [tilespmem:s5+$0xFFFFFFB0];
	v20 =	vor.u32 v15, v12;
	v26 =	vmul.f32 v28, v11  }
0x2af: {  	v39 =	vld [tilespmem:s5+$0xFFFFFF80];
	v24 =	vmov s13;
	[tilespmem:v27+s16+$0x0] =	vst.idx.msk $0xffff, v21;
	v21 =	vadd.s32 v3, v17;
	v22 =	vmul.f32 v22, v8  }
0x2b0: {  	v17 =	vand.u32 $0x7D, v24;
	v24 =	vmul.f32 v30, v6;
	v27 =	vadd.s32 v2, v14;
	[tilespmem:v31+s16+$0x0] =	vst.idx.msk $0xffff, v26;
	v26 =	vld [tilespmem:s5+$0xFFFFFF40]  }
0x2b1: {  	v18 =	vand.u32 $0x7E, v37;
	v30 =	vmul.f32 v34, v7;
	v29 =	vor.u32 v15, v17;
	v28 =	vld [tilespmem:s15+$0xFFFFFFE0];
	[tilespmem:v32+s16+$0x0] =	vst.idx.msk $0xffff, v22  }
0x2b2: {  	v31 =	vor.u32 v15, v18;
	[tilespmem:v35+s16+$0x0] =	vst.idx.msk $0xffff, v24;
	v22 =	vld [tilespmem:s15+$0xFFFFFF20];
	v63 =	vmul.f32 v36, v23  }
0x2b3: {  	[tilespmem:v38+s16+$0x0] =	vst.idx.msk $0xffff, v30;
	v30 =	vadd.s32 v1, v9;
	v32 =	vmul.f32 v25, v13;
	v23 =	vld [tilespmem:s15+$0xFFFFFF60]  }
0x2b4: {  	s6 =	simm.s32 $0xB;
	s13 =	simm.s32 $0xC;
	v24 =	vadd.s32 v1, v4;
	v25 =	vld [tilespmem:s15+$0xFFFFFFA0];
	v33 =	vmul.f32 v39, v33;
	[tilespmem:v40+s16+$0x0] =	vst.idx.msk $0xffff, v63  }
.LBB2_19:
0x2b5: {  	p1 =	slt.u32 s13, $0x7C;
	v20 =	vld.idx.msk [tilespmem:v20+s14+$0x0], $0xffff;
	v34 =	vmov s6;
	v35 =	vadd.s32 v1, v10;
	v16 =	vmul.f32 v26, v16;
	[tilespmem:v27+s16+$0x0] =	vst.idx.msk $0xffff, v32  }
0x2b6: {  	v27 =	vadd.s32 v1, v5;
	v26 =	vand.u32 $0x7F, v34;
	v28 =	vmul.f32 v28, v11;
	[tilespmem:v21+s16+$0x0] =	vst.idx.msk $0xffff, v33;
	v21 =	vld [tilespmem:s5+$0xFFFFFFC0];
	s5 =	smov.u32 s15  }
0x2b7: {  	v34 =	vld.idx.msk [tilespmem:v29+s14+$0x0], $0xffff;
	v29 =	vor.u32 v15, v26;
	v22 =	vmul.f32 v22, v8;
	[tilespmem:v19+s16+$0x0] =	vst.idx.msk $0xffff, v16  }
0x2b8: {  	v19 =	vld.idx.msk [tilespmem:v31+s14+$0x0], $0xffff;
	v23 =	vmul.f32 v23, v6;
	[tilespmem:v30+s16+$0x0] =	vst.idx.msk $0xffff, v28;
	v28 =	vadd.s32 v3, v14  }
0x2b9: {  	v14 =	vmovc v5;
	[tilespmem:v24+s16+$0x0] =	vst.idx.msk $0xffff, v22;
	v22 =	vmul.f32 v25, v7;
	v24 =	vld [tilespmem:s15+$0xFFFFFFF0];
	v16 =	vmov v8;
	v25 =	vmov v17  }
0x2ba: {  	v5 =	vmov v18;
	v17 =	vld [tilespmem:s15+$0xFFFFFF30];
	[tilespmem:v35+s16+$0x0] =	vst.idx.msk $0xffff, v23  }
0x2bb: {  	v8 =	vmov v20;
	v18 =	vld [tilespmem:s15+$0xFFFFFF70];
	[tilespmem:v27+s16+$0x0] =	vst.idx.msk $0xffff, v22;
	v22 =	vadd.s32 v2, v9;
	v21 =	vmul.f32 v21, v13  }
0x2bc: {  	v27 =	vadd.s32 v2, v4;
	s15 =	sadd.s32 $0x100, s15;
	v13 =	vmov v7;
	v23 =	vld.idx.msk [tilespmem:v29+s14+$0x0], $0xffff  }
0x2bd: {  	v30 =	vadd.s32 v2, v10;
	v29 =	vld [tilespmem:s15+$0xFFFFFFD0];
	[tilespmem:v28+s16+$0x0] =	vst.idx.msk $0xffff, v21  }
0x2be: {  	v20 =	vmov s13;
	v7 =	vmov v19;
	v21 =	vld [tilespmem:s15+$0xFFFFFF10];
	v24 =	vmul.f32 v24, v11  }
0x2bf: {  	v31 =	vadd.s32 v0, v26;
	v19 =	vadd.s32 v3, v4;
	v4 =	vmovc v12;
	v28 =	vld [tilespmem:s15+$0xFFFFFF50];
	v17 =	vmul.f32 v17, v16  }
0x2c0: {  	s6 =	sadd.s32 $0x1, s13;
	v12 =	vand.u32 $0x7C, v20;
	v32 =	vadd.s32 v0, v4;
	v33 =	vld [tilespmem:s15+$0xFFFFFF90];
	v18 =	vmul.f32 v18, v6;
	[tilespmem:v22+s16+$0x0] =	vst.idx.msk $0xffff, v24  }
0x2c1: {  	v20 =	vor.u32 v15, v12;
	v22 =	vmov s6;
	s6 =	sadd.s32 $0x2, s13;
	v24 =	vadd.s32 v0, v25;
	[tilespmem:v27+s16+$0x0] =	vst.idx.msk $0xffff, v17;
	v35 =	vld [tilespmem:s5+$0x0]  }
0x2c2: {  	v37 =	vadd.s32 v0, v5;
	v36 =	vmov s6;
	v27 =	vmul.f32 v29, v23;
	[tilespmem:v30+s16+$0x0] =	vst.idx.msk $0xffff, v18;
	v38 =	vld [tilespmem:s5+$0xFFFFFFB0]  }
0x2c3: {  	v40 =	vadd.s32 v3, v9;
	v9 =	vmovc v26;
	v30 =	vmul.f32 v21, v8;
	v39 =	vld [tilespmem:s5+$0xFFFFFF80];
	v21 =	vadd.s32 v3, v10  }
.Ltmp10:
0x2c4: {  	v17 =	vand.u32 $0x7D, v22;
	v41 =	vmul.f32 v28, v34;
	[tilespmem:v31+s16+$0x0] =	vst.idx.msk $0xffff, v27;
	v26 =	vld [tilespmem:s5+$0xFFFFFF40];
	v27 =	vadd.s32 v2, v14;
	(pc) =	sbr.rel @p1 .LBB2_19-.Ltmp10, $4  }
0x2c5: {  	v29 =	vor.u32 v15, v17;
	v18 =	vand.u32 $0x7E, v36;
	[tilespmem:v32+s16+$0x0] =	vst.idx.msk $0xffff, v30;
	v30 =	vmul.f32 v33, v7;
	v28 =	vld [tilespmem:s15+$0xFFFFFFE0]  }
0x2c6: {  	v31 =	vor.u32 v15, v18;
	v22 =	vld [tilespmem:s15+$0xFFFFFF20];
	[tilespmem:v24+s16+$0x0] =	vst.idx.msk $0xffff, v41;
	v35 =	vmul.f32 v35, v11;
	v11 =	vmov v23  }
0x2c7: {  	v10 =	vmov v25;
	v23 =	vld [tilespmem:s15+$0xFFFFFF60];
	[tilespmem:v37+s16+$0x0] =	vst.idx.msk $0xffff, v30;
	v30 =	vadd.s32 v1, v9;
	v32 =	vmul.f32 v38, v13  }
0x2c8: {  	s6 =	sadd.s32 $0x3, s13;
	s13 =	sadd.s32 $0x4, s13;
	v24 =	vadd.s32 v1, v4;
	v25 =	vld [tilespmem:s15+$0xFFFFFFA0];
	v33 =	vmul.f32 v39, v6;
	[tilespmem:v40+s16+$0x0] =	vst.idx.msk $0xffff, v35;
	v6 =	vmov v34  }
0x2c9: {  	_ =	sdelay $0x1  }
0x2ca: {  	v34 =	vmov s6  }
0x2cb: {  	v34 =	vand.u32 $0x7F, v34  }
0x2cc: {  	v20 =	vld.idx.msk [tilespmem:v20+s14+$0x0], $0xffff;
	v15 =	vor.u32 v15, v34  }
0x2cd: {  	v29 =	vld.idx.msk [tilespmem:v29+s14+$0x0], $0xffff  }
0x2ce: {  	v31 =	vld.idx.msk [tilespmem:v31+s14+$0x0], $0xffff;
	s13 =	sadd.s32 $0x100, s15  }
0x2cf: {  	v35 =	vld [tilespmem:s13+$0xFFFFFFD0]  }
0x2d0: {  	v36 =	vld [tilespmem:s13+$0xFFFFFF50]  }
0x2d1: {  	v15 =	vld.idx.msk [tilespmem:v15+s14+$0x0], $0xffff  }
0x2d2: {  	v59 =	vadd.s32 v0, v17;
	v58 =	vld [tilespmem:s13+$0xFFFFFF90]  }
0x2d3: {  	v16 =	vmul.f32 v26, v16;
	[tilespmem:v27+s16+$0x0] =	vst.idx.msk $0xffff, v32;
	v37 =	vld [tilespmem:s13+$0xFFFFFF10];
	v38 =	vadd.s32 v0, v34  }
0x2d4: {  	v62 =	vadd.s32 v0, v18;
	[tilespmem:v21+s16+$0x0] =	vst.idx.msk $0xffff, v33;
	v60 =	vmul.f32 v28, v11  }
0x2d5: {  	v61 =	vadd.s32 v0, v12;
	[tilespmem:v19+s16+$0x0] =	vst.idx.msk $0xffff, v16;
	v36 =	vmul.f32 v36, v29  }
0x2d6: {  	v39 =	vadd.s32 v1, v10;
	[tilespmem:v30+s16+$0x0] =	vst.idx.msk $0xffff, v60;
	v63 =	vmul.f32 v35, v15  }
0x2d7: {  	v32 =	vld [tilespmem:s5+$0xFFFFFFC0];
	v26 =	vmul.f32 v58, v31;
	[tilespmem:v59+s16+$0x0] =	vst.idx.msk $0xffff, v36  }
0x2d8: {  	v41 =	vadd.s32 v1, v5;
	v40 =	vmul.f32 v37, v20;
	v44 =	vld [tilespmem:s13+$0xFFFFFF60];
	[tilespmem:v38+s16+$0x0] =	vst.idx.msk $0xffff, v63  }
0x2d9: {  	v14 =	vadd.s32 v3, v14;
	v23 =	vmul.f32 v23, v6;
	[tilespmem:v62+s16+$0x0] =	vst.idx.msk $0xffff, v26;
	v42 =	vld [tilespmem:s13+$0xFFFFFFE0]  }
0x2da: {  	v49 =	vadd.s32 v1, v17;
	v43 =	vmul.f32 v22, v8;
	[tilespmem:v61+s16+$0x0] =	vst.idx.msk $0xffff, v40;
	v48 =	vld [tilespmem:s13+$0xFFFFFFA0]  }
0x2db: {  	v46 =	vadd.s32 v1, v34;
	v47 =	vmul.f32 v25, v7;
	[tilespmem:v39+s16+$0x0] =	vst.idx.msk $0xffff, v23;
	v45 =	vld [tilespmem:s13+$0xFFFFFF20]  }
0x2dc: {  	v53 =	vadd.s32 v1, v18;
	[tilespmem:v24+s16+$0x0] =	vst.idx.msk $0xffff, v43;
	v13 =	vmul.f32 v32, v13;
	v52 =	vld [tilespmem:s15+$0xFFFFFF70]  }
0x2dd: {  	v51 =	vadd.s32 v1, v12;
	v50 =	vld [tilespmem:s15+$0xFFFFFFF0];
	[tilespmem:v41+s16+$0x0] =	vst.idx.msk $0xffff, v47;
	v57 =	vmul.f32 v44, v29  }
0x2de: {  	v58 =	vadd.s32 v2, v10;
	[tilespmem:v14+s16+$0x0] =	vst.idx.msk $0xffff, v13;
	v59 =	vld [tilespmem:s15+$0xFFFFFFB0];
	v54 =	vmul.f32 v42, v15  }
0x2df: {  	v56 =	vadd.s32 v2, v9;
	v55 =	vld [tilespmem:s15+$0xFFFFFF30];
	v61 =	vmul.f32 v48, v31;
	[tilespmem:v49+s16+$0x0] =	vst.idx.msk $0xffff, v57  }
0x2e0: {  	v33 =	vadd.s32 v2, v5;
	v27 =	vmul.f32 v45, v20;
	v35 =	vld [tilespmem:s13+$0xFFFFFF70];
	[tilespmem:v46+s16+$0x0] =	vst.idx.msk $0xffff, v54  }
0x2e1: {  	v60 =	vadd.s32 v2, v4;
	v36 =	vmul.f32 v52, v6;
	[tilespmem:v53+s16+$0x0] =	vst.idx.msk $0xffff, v61;
	v62 =	vld [tilespmem:s13+$0xFFFFFFF0]  }
0x2e2: {  	v39 =	vadd.s32 v2, v17;
	v63 =	vmul.f32 v50, v11;
	[tilespmem:v51+s16+$0x0] =	vst.idx.msk $0xffff, v27;
	v40 =	vld [tilespmem:s13+$0xFFFFFFB0]  }
0x2e3: {  	v37 =	vadd.s32 v2, v34;
	[tilespmem:v58+s16+$0x0] =	vst.idx.msk $0xffff, v36;
	v27 =	vld [tilespmem:s13+$0xFFFFFF30];
	v42 =	vmul.f32 v59, v7  }
0x2e4: {  	v38 =	vmul.f32 v55, v8;
	v44 =	vld [tilespmem:s15+$0xFFFFFF80];
	[tilespmem:v56+s16+$0x0] =	vst.idx.msk $0xffff, v63;
	v46 =	vadd.s32 v2, v18  }
0x2e5: {  	v43 =	vadd.s32 v2, v12;
	v41 =	vld [tilespmem:s15+$0x0];
	[tilespmem:v33+s16+$0x0] =	vst.idx.msk $0xffff, v42;
	v49 =	vmul.f32 v35, v29  }
0x2e6: {  	v50 =	vadd.s32 v3, v10;
	[tilespmem:v60+s16+$0x0] =	vst.idx.msk $0xffff, v38;
	v51 =	vld [tilespmem:s15+$0xFFFFFFC0];
	v45 =	vmul.f32 v62, v15  }
0x2e7: {  	v47 =	vadd.s32 v3, v9;
	v48 =	vld [tilespmem:s15+$0xFFFFFF40];
	v53 =	vmul.f32 v40, v31;
	[tilespmem:v39+s16+$0x0] =	vst.idx.msk $0xffff, v49  }
0x2e8: {  	v5 =	vadd.s32 v3, v5;
	v52 =	vmul.f32 v27, v20;
	v14 =	vld [tilespmem:s13+$0xFFFFFF80];
	[tilespmem:v37+s16+$0x0] =	vst.idx.msk $0xffff, v45  }
0x2e9: {  	v4 =	vadd.s32 v3, v4;
	v55 =	vmul.f32 v44, v6;
	[tilespmem:v46+s16+$0x0] =	vst.idx.msk $0xffff, v53;
	v19 =	vld [tilespmem:s13+$0x0]  }
0x2ea: {  	v59 =	vadd.s32 v3, v17;
	v54 =	vmul.f32 v41, v11;
	[tilespmem:v43+s16+$0x0] =	vst.idx.msk $0xffff, v52;
	v60 =	vld [tilespmem:s13+$0xFFFFFFC0]  }
0x2eb: {  	v56 =	vadd.s32 v3, v34;
	[tilespmem:v50+s16+$0x0] =	vst.idx.msk $0xffff, v55;
	v57 =	vld [tilespmem:s13+$0xFFFFFF40];
	v61 =	vmul.f32 v51, v7  }
0x2ec: {  	v63 =	vadd.s32 v3, v18;
	v58 =	vmul.f32 v48, v8;
	[tilespmem:v47+s16+$0x0] =	vst.idx.msk $0xffff, v54  }
0x2ed: {  	v62 =	vadd.s32 v3, v12;
	[tilespmem:v5+s16+$0x0] =	vst.idx.msk $0xffff, v61;
	v5 =	vmul.f32 v14, v29  }
0x2ee: {  	[tilespmem:v4+s16+$0x0] =	vst.idx.msk $0xffff, v58;
	v4 =	vmul.f32 v19, v15  }
0x2ef: {  	s21 =	sshll.u32 s19, $0x12;
	[tilespmem:v59+s16+$0x0] =	vst.idx.msk $0xffff, v5;
	v5 =	vmul.f32 v60, v31  }
0x2f0: {  	s5 =	sor.u32 s8, s21;
	[tilespmem:v56+s16+$0x0] =	vst.idx.msk $0xffff, v4;
	v4 =	vmul.f32 v57, v20  }
0x2f1: {  	s5 =	sshrl.u32 s5, $0x3;
	[tilespmem:v63+s16+$0x0] =	vst.idx.msk $0xffff, v5  }
0x2f2: {  	s6 =	simm.s32 $0x13880;
	s9 =	sadd.s32 s2, s5;
	[tilespmem:v62+s16+$0x0] =	vst.idx.msk $0xffff, v4  }
0x2f3: {  	[hbm4b:s9+s3] =	stream.linear.scatter [tilespmem:s6], [sflag:$0x9], $0x80, $0x38;
	[tilespmem:$0x1BE80] =	vst v63  }
0x2f4: {  	s15 =	sadd.s32 $0x10, s9;
	s13 =	simm.s32 $0x13908  }
0x2f5: {  	[hbm4b:s15+s3] =	stream.linear.scatter [tilespmem:s13], [sflag:$0x9], $0x80, $0x38;
	[tilespmem:$0x1BE80] =	vst v63  }
0x2f6: {  	s19 =	simm.s32 $0x13990;
	s21 =	sadd.s32 $0x20, s9  }
0x2f7: {  	[hbm4b:s21+s3] =	stream.linear.scatter [tilespmem:s19], [sflag:$0x9], $0x80, $0x38;
	[tilespmem:$0x1BE80] =	vst v63  }
0x2f8: {  	s13 =	simm.s32 $0x13A18;
	s15 =	sadd.s32 $0x30, s9  }
0x2f9: {  	[hbm4b:s15+s3] =	stream.linear.scatter [tilespmem:s13], [sflag:$0x9], $0x80, $0x38;
	[tilespmem:$0x1BE80] =	vst v63  }
0x2fa: {  	s19 =	simm.s32 $0x13AA0;
	s21 =	sadd.s32 $0x40, s9  }
0x2fb: {  	[hbm4b:s21+s3] =	stream.linear.scatter [tilespmem:s19], [sflag:$0x9], $0x80, $0x38;
	[tilespmem:$0x1BE80] =	vst v63  }
0x2fc: {  	s5 =	simm.s32 $0x440;
	s13 =	simm.s32 $0x13B28;
	s15 =	sadd.s32 $0x50, s9  }
0x2fd: {  	[hbm4b:s15+s3] =	stream.linear.scatter [tilespmem:s13], [sflag:$0x9], $0x80, $0x38;
	[tilespmem:$0x1BE80] =	vst v63  }
0x2fe: {  	s6 =	simm.s32 $0x2200;
	s19 =	simm.s32 $0x13BB0;
	s21 =	sadd.s32 $0x60, s9  }
0x2ff: {  	[hbm4b:s21+s3] =	stream.linear.scatter [tilespmem:s19], [sflag:$0x9], $0x80, $0x38;
	[tilespmem:$0x1BE80] =	vst v63  }
0x300: {  	s15 =	simm.s32 $0x13C38;
	s13 =	sadd.s32 $0x1000, s9;
	s19 =	sadd.s32 $0x70, s9  }
.LBB2_21:
0x301: {  	[hbm4b:s19+s3] =	stream.linear.scatter [tilespmem:s15], [sflag:$0x9], $0x80, $0x38;
	[tilespmem:$0x1BE80] =	vst v63  }
0x302: {  	s9 =	smov.u32 s5;
	s5 =	smov.u32 s6  }
0x303: {  	s21 =	sadd.s32 $0x1100, s6;
	s5 =	sshra.s32 s5, $0x2;
	s15 =	sadd.s32 $0x13880, s9  }
0x304: {  	[hbm4b:s13+s3] =	stream.linear.scatter [tilespmem:s15], [sflag:$0x9], $0x80, $0x38;
	[tilespmem:$0x1BE80] =	vst v63  }
0x305: {  	p1 =	sne.s32 s6, $0x7700;
	s6 =	sadd.s32 $0x13908, s9;
	s15 =	sadd.s32 $0x10, s13  }
0x306: {  	[hbm4b:s15+s3] =	stream.linear.scatter [tilespmem:s6], [sflag:$0x9], $0x80, $0x38;
	[tilespmem:$0x1BE80] =	vst v63  }
0x307: {  	s6 =	sadd.s32 $0x13990, s9;
	s15 =	sadd.s32 $0x20, s13  }
0x308: {  	[hbm4b:s15+s3] =	stream.linear.scatter [tilespmem:s6], [sflag:$0x9], $0x80, $0x38;
	[tilespmem:$0x1BE80] =	vst v63  }
0x309: {  	s6 =	sadd.s32 $0x13A18, s9;
	s15 =	sadd.s32 $0x30, s13  }
0x30a: {  	[hbm4b:s15+s3] =	stream.linear.scatter [tilespmem:s6], [sflag:$0x9], $0x80, $0x38;
	[tilespmem:$0x1BE80] =	vst v63  }
0x30b: {  	s6 =	sadd.s32 $0x13AA0, s9;
	s15 =	sadd.s32 $0x40, s13  }
0x30c: {  	[hbm4b:s15+s3] =	stream.linear.scatter [tilespmem:s6], [sflag:$0x9], $0x80, $0x38;
	[tilespmem:$0x1BE80] =	vst v63  }
.Ltmp11:
0x30d: {  	s6 =	sadd.s32 $0x13B28, s9;
	s15 =	sadd.s32 $0x50, s13;
	(pc) =	sbr.rel @p1 .LBB2_21-.Ltmp11, $4  }
0x30e: {  	[hbm4b:s15+s3] =	stream.linear.scatter [tilespmem:s6], [sflag:$0x9], $0x80, $0x38;
	[tilespmem:$0x1BE80] =	vst v63  }
0x30f: {  	s19 =	sadd.s32 $0x70, s13;
	s6 =	sadd.s32 $0x13BB0, s9;
	s15 =	sadd.s32 $0x60, s13  }
0x310: {  	[hbm4b:s15+s3] =	stream.linear.scatter [tilespmem:s6], [sflag:$0x9], $0x80, $0x38;
	[tilespmem:$0x1BE80] =	vst v63  }
0x311: {  	s13 =	sadd.s32 $0x1000, s13;
	s15 =	sadd.s32 $0x13C38, s9;
	s6 =	smov.u32 s21  }
0x312: {  	[hbm4b:s19+s3] =	stream.linear.scatter [tilespmem:s15], [sflag:$0x9], $0x80, $0x38;
	[tilespmem:$0x1BE80] =	vst v63  }
0x313: {  	s6 =	sadd.s32 $0x13880, s5  }
0x314: {  	[hbm4b:s13+s3] =	stream.linear.scatter [tilespmem:s6], [sflag:$0x9], $0x80, $0x38;
	[tilespmem:$0x1BE80] =	vst v63  }
0x315: {  	s15 =	sadd.s32 $0x13908, s5;
	s9 =	sadd.s32 $0x10, s13  }
0x316: {  	[hbm4b:s9+s3] =	stream.linear.scatter [tilespmem:s15], [sflag:$0x9], $0x80, $0x38;
	[tilespmem:$0x1BE80] =	vst v63  }
0x317: {  	s19 =	sadd.s32 $0x13990, s5;
	s21 =	sadd.s32 $0x20, s13  }
0x318: {  	[hbm4b:s21+s3] =	stream.linear.scatter [tilespmem:s19], [sflag:$0x9], $0x80, $0x38;
	[tilespmem:$0x1BE80] =	vst v63  }
0x319: {  	s9 =	sadd.s32 $0x13A18, s5;
	s15 =	sadd.s32 $0x30, s13  }
0x31a: {  	[hbm4b:s15+s3] =	stream.linear.scatter [tilespmem:s9], [sflag:$0x9], $0x80, $0x38;
	[tilespmem:$0x1BE80] =	vst v63  }
0x31b: {  	s19 =	sadd.s32 $0x13AA0, s5;
	s21 =	sadd.s32 $0x40, s13  }
0x31c: {  	[hbm4b:s21+s3] =	stream.linear.scatter [tilespmem:s19], [sflag:$0x9], $0x80, $0x38;
	[tilespmem:$0x1BE80] =	vst v63  }
0x31d: {  	s9 =	sadd.s32 $0x13B28, s5;
	s15 =	sadd.s32 $0x50, s13  }
0x31e: {  	[hbm4b:s15+s3] =	stream.linear.scatter [tilespmem:s9], [sflag:$0x9], $0x80, $0x38;
	[tilespmem:$0x1BE80] =	vst v63  }
0x31f: {  	s19 =	sadd.s32 $0x13BB0, s5;
	s21 =	sadd.s32 $0x60, s13;
	s9 =	sadd.s32 $0x13C38, s5  }
0x320: {  	[hbm4b:s21+s3] =	stream.linear.scatter [tilespmem:s19], [sflag:$0x9], $0x80, $0x38;
	[tilespmem:$0x1BE80] =	vst v63  }
0x321: {  	s15 =	sadd.s32 $0x70, s13;
	s5 =	simm.s32 @!p0 $0x8;
	s19 =	simm.s32 $0x0  }
0x322: {  	[hbm4b:s15+s3] =	stream.linear.scatter [tilespmem:s9], [sflag:$0x9], $0x80, $0x38;
	[tilespmem:$0x1BE80] =	vst v63  }
0x323: {  	s21 =	simm.s32 $0x1;
	v4 =	vmov s19;
	_ =	swait.ge @!p0 [sflag:s5], $0x2000  }
0x324: {  	v15 =	vmov s23;
	s23 =	simm.s32 $0x3;
	s6 =	sadd.s32 @!p0 $0x380, s20;
	v12 =	vand.u32 $0x7C, v4;
	v4 =	vmov s21;
	[sflag:s5] =	ssyncset.done @!p0 $0x0  }
0x325: {  	s13 =	simm.s32 @!p0 $0x7280;
	s9 =	simm.s32 @!p0 $0x80;
	v5 =	vor.u32 v15, v12;
	v17 =	vand.u32 $0x7D, v4;
	v4 =	vmov s23;
	[sflag:s5] =	ssyncadd.s32 @!p0 $0xFFFFE000  }
0x326: {  	v6 =	vor.u32 v15, v17;
	v18 =	vand.u32 $0x7F, v4;
	[tilespmem:s13], [sflag:$0x3] =	stream.indirect.gather @!p0 [hbm4b:s4+s9], $0x40, s6, s9, $0xb8;
	[tilespmem:$0x1BE80] =	vst v63  }
0x327: {  	v4 =	vor.u32 v15, v18;
	_ =	swait.ge [sflag:s17], $0x2000  }
0x328: {  	s6 =	simm.s32 $0x2;
	[sflag:s17] =	ssyncset.done $0x0  }
0x329: {  	v7 =	vmov s6;
	[sflag:s17] =	ssyncadd.s32 $0xFFFFE000  }
0x32a: {  	v14 =	vand.u32 $0x7E, v7;
	v16 =	vld.idx.msk [tilespmem:v5+s14+$0x0], $0xffff  }
0x32b: {  	v5 =	vor.u32 v15, v14;
	v33 =	vld.idx.msk [tilespmem:v6+s14+$0x0], $0xffff  }
0x32c: {  	s5 =	simm.s32 $0xB370;
	v23 =	vld.idx.msk [tilespmem:v4+s14+$0x0], $0xffff  }
0x32d: {  	v4 =	vld [tilespmem:s5+$0xFFFFFFD0]  }
0x32e: {  	v6 =	vld [tilespmem:s5+$0xFFFFFF10]  }
0x32f: {  	v8 =	vadd.s32 v0, v18;
	v7 =	vld [tilespmem:s5+$0xFFFFFF50]  }
0x330: {  	v13 =	vld.idx.msk [tilespmem:v5+s14+$0x0], $0xffff;
	v5 =	vadd.s32 v0, v12  }
0x331: {  	v11 =	vadd.s32 v0, v17;
	v9 =	vld [tilespmem:s5+$0xFFFFFF90]  }
0x332: {  	v10 =	vmul.f32 v4, v23  }
0x333: {  	v19 =	vadd.s32 v0, v14;
	v6 =	vmul.f32 v6, v16  }
0x334: {  	s15 =	simm.s32 $0x6;
	s13 =	simm.s32 $0x5;
	v7 =	vmul.f32 v7, v33;
	[tilespmem:v8+s18+$0x0] =	vst.idx.msk $0xffff, v10  }
0x335: {  	v21 =	vmov s15;
	v20 =	vmov s13;
	[tilespmem:v5+s18+$0x0] =	vst.idx.msk $0xffff, v6;
	v6 =	vld [tilespmem:s5+$0xFFFFFFE0]  }
0x336: {  	s9 =	simm.s32 $0x4;
	v10 =	vand.u32 $0x7D, v20;
	[tilespmem:v11+s18+$0x0] =	vst.idx.msk $0xffff, v7;
	v5 =	vand.u32 $0x7E, v21;
	v9 =	vmul.f32 v9, v13;
	v21 =	vld [tilespmem:s5+$0xFFFFFF20]  }
0x337: {  	v22 =	vadd.s32 v1, v18;
	v4 =	vmov s9;
	v20 =	vor.u32 v15, v10;
	v11 =	vld [tilespmem:s5+$0xFFFFFF60]  }
0x338: {  	s15 =	simm.s32 $0xB470;
	v4 =	vand.u32 $0x7C, v4;
	[tilespmem:v19+s18+$0x0] =	vst.idx.msk $0xffff, v9;
	v19 =	vadd.s32 v1, v12  }
0x339: {  	s19 =	simm.s32 $0x7;
	v25 =	vadd.s32 v1, v17;
	v28 =	vld [tilespmem:s15+$0xFFFFFFD0];
	v8 =	vor.u32 v15, v4  }
0x33a: {  	v30 =	vld [tilespmem:s15+$0xFFFFFF50];
	v9 =	vmov s19;
	v26 =	vmul.f32 v6, v23  }
0x33b: {  	v24 =	vld [tilespmem:s5+$0xFFFFFFA0];
	v9 =	vand.u32 $0x7F, v9;
	v21 =	vmul.f32 v21, v16  }
0x33c: {  	v11 =	vmul.f32 v11, v33;
	v6 =	vld.idx.msk [tilespmem:v20+s14+$0x0], $0xffff;
	v20 =	vor.u32 v15, v9;
	[tilespmem:v22+s18+$0x0] =	vst.idx.msk $0xffff, v26  }
0x33d: {  	v22 =	vadd.s32 v1, v14;
	[tilespmem:v19+s18+$0x0] =	vst.idx.msk $0xffff, v21;
	v19 =	vld [tilespmem:s5+$0xFFFFFFF0]  }
0x33e: {  	v8 =	vld.idx.msk [tilespmem:v8+s14+$0x0], $0xffff;
	[tilespmem:v25+s18+$0x0] =	vst.idx.msk $0xffff, v11  }
0x33f: {  	v7 =	vor.u32 v15, v5;
	v25 =	vld [tilespmem:s5+$0xFFFFFF70];
	v26 =	vadd.s32 v2, v18  }
0x340: {  	v24 =	vmul.f32 v24, v13;
	v21 =	vld [tilespmem:s5+$0xFFFFFF30]  }
0x341: {  	v27 =	vadd.s32 v2, v12;
	v29 =	vadd.s32 v2, v17;
	v11 =	vld.idx.msk [tilespmem:v20+s14+$0x0], $0xffff  }
0x342: {  	v40 =	vadd.s32 v3, v18;
	[tilespmem:v22+s18+$0x0] =	vst.idx.msk $0xffff, v24;
	v22 =	vld [tilespmem:s15+$0xFFFFFF10];
	v24 =	vmul.f32 v19, v23  }
0x343: {  	s20 =	simm.s32 $0x8;
	v34 =	vld [tilespmem:s15+$0xFFFFFF90];
	v32 =	vadd.s32 v0, v4;
	v35 =	vadd.s32 v0, v10;
	v31 =	vadd.s32 v0, v9  }
0x344: {  	v38 =	vadd.s32 v0, v5;
	v7 =	vld.idx.msk [tilespmem:v7+s14+$0x0], $0xffff;
	v20 =	vmov s20;
	v25 =	vmul.f32 v25, v33;
	[tilespmem:v26+s18+$0x0] =	vst.idx.msk $0xffff, v24  }
0x345: {  	s23 =	simm.s32 $0xA;
	v19 =	vadd.s32 v3, v12;
	v12 =	vand.u32 $0x7C, v20;
	v21 =	vmul.f32 v21, v16;
	v36 =	vld [tilespmem:s5+$0x0]  }
0x346: {  	s21 =	simm.s32 $0x9;
	v37 =	vmov s23;
	[tilespmem:v29+s18+$0x0] =	vst.idx.msk $0xffff, v25;
	v25 =	vld [tilespmem:s5+$0xFFFFFFB0];
	v20 =	vor.u32 v15, v12;
	v26 =	vmul.f32 v28, v11  }
0x347: {  	v39 =	vld [tilespmem:s5+$0xFFFFFF80];
	v24 =	vmov s21;
	[tilespmem:v27+s18+$0x0] =	vst.idx.msk $0xffff, v21;
	v21 =	vadd.s32 v3, v17;
	v22 =	vmul.f32 v22, v8  }
0x348: {  	v17 =	vand.u32 $0x7D, v24;
	v24 =	vmul.f32 v30, v6;
	v27 =	vadd.s32 v2, v14;
	[tilespmem:v31+s18+$0x0] =	vst.idx.msk $0xffff, v26;
	v26 =	vld [tilespmem:s5+$0xFFFFFF40]  }
0x349: {  	v18 =	vand.u32 $0x7E, v37;
	v30 =	vmul.f32 v34, v7;
	v29 =	vor.u32 v15, v17;
	v28 =	vld [tilespmem:s15+$0xFFFFFFE0];
	[tilespmem:v32+s18+$0x0] =	vst.idx.msk $0xffff, v22  }
0x34a: {  	v31 =	vor.u32 v15, v18;
	[tilespmem:v35+s18+$0x0] =	vst.idx.msk $0xffff, v24;
	v22 =	vld [tilespmem:s15+$0xFFFFFF20];
	v63 =	vmul.f32 v36, v23  }
0x34b: {  	[tilespmem:v38+s18+$0x0] =	vst.idx.msk $0xffff, v30;
	v30 =	vadd.s32 v1, v9;
	v32 =	vmul.f32 v25, v13;
	v23 =	vld [tilespmem:s15+$0xFFFFFF60]  }
0x34c: {  	s6 =	simm.s32 $0xB;
	s13 =	simm.s32 $0xC;
	v24 =	vadd.s32 v1, v4;
	v25 =	vld [tilespmem:s15+$0xFFFFFFA0];
	v33 =	vmul.f32 v39, v33;
	[tilespmem:v40+s18+$0x0] =	vst.idx.msk $0xffff, v63  }
.LBB2_23:
0x34d: {  	p1 =	slt.u32 s13, $0x7C;
	v20 =	vld.idx.msk [tilespmem:v20+s14+$0x0], $0xffff;
	v34 =	vmov s6;
	v35 =	vadd.s32 v1, v10;
	v16 =	vmul.f32 v26, v16;
	[tilespmem:v27+s18+$0x0] =	vst.idx.msk $0xffff, v32  }
0x34e: {  	v27 =	vadd.s32 v1, v5;
	v26 =	vand.u32 $0x7F, v34;
	v28 =	vmul.f32 v28, v11;
	[tilespmem:v21+s18+$0x0] =	vst.idx.msk $0xffff, v33;
	v21 =	vld [tilespmem:s5+$0xFFFFFFC0];
	s5 =	smov.u32 s15  }
0x34f: {  	v34 =	vld.idx.msk [tilespmem:v29+s14+$0x0], $0xffff;
	v29 =	vor.u32 v15, v26;
	v22 =	vmul.f32 v22, v8;
	[tilespmem:v19+s18+$0x0] =	vst.idx.msk $0xffff, v16  }
0x350: {  	v19 =	vld.idx.msk [tilespmem:v31+s14+$0x0], $0xffff;
	v23 =	vmul.f32 v23, v6;
	[tilespmem:v30+s18+$0x0] =	vst.idx.msk $0xffff, v28;
	v28 =	vadd.s32 v3, v14  }
0x351: {  	v14 =	vmovc v5;
	[tilespmem:v24+s18+$0x0] =	vst.idx.msk $0xffff, v22;
	v22 =	vmul.f32 v25, v7;
	v24 =	vld [tilespmem:s15+$0xFFFFFFF0];
	v16 =	vmov v8;
	v25 =	vmov v17  }
0x352: {  	v5 =	vmov v18;
	v17 =	vld [tilespmem:s15+$0xFFFFFF30];
	[tilespmem:v35+s18+$0x0] =	vst.idx.msk $0xffff, v23  }
0x353: {  	v8 =	vmov v20;
	v18 =	vld [tilespmem:s15+$0xFFFFFF70];
	[tilespmem:v27+s18+$0x0] =	vst.idx.msk $0xffff, v22;
	v22 =	vadd.s32 v2, v9;
	v21 =	vmul.f32 v21, v13  }
0x354: {  	v27 =	vadd.s32 v2, v4;
	s15 =	sadd.s32 $0x100, s15;
	v13 =	vmov v7;
	v23 =	vld.idx.msk [tilespmem:v29+s14+$0x0], $0xffff  }
0x355: {  	v30 =	vadd.s32 v2, v10;
	v29 =	vld [tilespmem:s15+$0xFFFFFFD0];
	[tilespmem:v28+s18+$0x0] =	vst.idx.msk $0xffff, v21  }
0x356: {  	v20 =	vmov s13;
	v7 =	vmov v19;
	v21 =	vld [tilespmem:s15+$0xFFFFFF10];
	v24 =	vmul.f32 v24, v11  }
0x357: {  	v31 =	vadd.s32 v0, v26;
	v19 =	vadd.s32 v3, v4;
	v4 =	vmovc v12;
	v28 =	vld [tilespmem:s15+$0xFFFFFF50];
	v17 =	vmul.f32 v17, v16  }
0x358: {  	s6 =	sadd.s32 $0x1, s13;
	v12 =	vand.u32 $0x7C, v20;
	v32 =	vadd.s32 v0, v4;
	v33 =	vld [tilespmem:s15+$0xFFFFFF90];
	v18 =	vmul.f32 v18, v6;
	[tilespmem:v22+s18+$0x0] =	vst.idx.msk $0xffff, v24  }
0x359: {  	v20 =	vor.u32 v15, v12;
	v22 =	vmov s6;
	s6 =	sadd.s32 $0x2, s13;
	v24 =	vadd.s32 v0, v25;
	[tilespmem:v27+s18+$0x0] =	vst.idx.msk $0xffff, v17;
	v35 =	vld [tilespmem:s5+$0x0]  }
0x35a: {  	v37 =	vadd.s32 v0, v5;
	v36 =	vmov s6;
	v27 =	vmul.f32 v29, v23;
	[tilespmem:v30+s18+$0x0] =	vst.idx.msk $0xffff, v18;
	v38 =	vld [tilespmem:s5+$0xFFFFFFB0]  }
0x35b: {  	v40 =	vadd.s32 v3, v9;
	v9 =	vmovc v26;
	v30 =	vmul.f32 v21, v8;
	v39 =	vld [tilespmem:s5+$0xFFFFFF80];
	v21 =	vadd.s32 v3, v10  }
.Ltmp12:
0x35c: {  	v17 =	vand.u32 $0x7D, v22;
	v41 =	vmul.f32 v28, v34;
	[tilespmem:v31+s18+$0x0] =	vst.idx.msk $0xffff, v27;
	v26 =	vld [tilespmem:s5+$0xFFFFFF40];
	v27 =	vadd.s32 v2, v14;
	(pc) =	sbr.rel @p1 .LBB2_23-.Ltmp12, $4  }
0x35d: {  	v29 =	vor.u32 v15, v17;
	v18 =	vand.u32 $0x7E, v36;
	[tilespmem:v32+s18+$0x0] =	vst.idx.msk $0xffff, v30;
	v30 =	vmul.f32 v33, v7;
	v28 =	vld [tilespmem:s15+$0xFFFFFFE0]  }
0x35e: {  	v31 =	vor.u32 v15, v18;
	v22 =	vld [tilespmem:s15+$0xFFFFFF20];
	[tilespmem:v24+s18+$0x0] =	vst.idx.msk $0xffff, v41;
	v35 =	vmul.f32 v35, v11;
	v11 =	vmov v23  }
0x35f: {  	v10 =	vmov v25;
	v23 =	vld [tilespmem:s15+$0xFFFFFF60];
	[tilespmem:v37+s18+$0x0] =	vst.idx.msk $0xffff, v30;
	v30 =	vadd.s32 v1, v9;
	v32 =	vmul.f32 v38, v13  }
0x360: {  	s6 =	sadd.s32 $0x3, s13;
	s13 =	sadd.s32 $0x4, s13;
	v24 =	vadd.s32 v1, v4;
	v25 =	vld [tilespmem:s15+$0xFFFFFFA0];
	v33 =	vmul.f32 v39, v6;
	[tilespmem:v40+s18+$0x0] =	vst.idx.msk $0xffff, v35;
	v6 =	vmov v34  }
0x361: {  	_ =	sdelay $0x1  }
0x362: {  	v34 =	vmov s6  }
0x363: {  	v34 =	vand.u32 $0x7F, v34  }
0x364: {  	v20 =	vld.idx.msk [tilespmem:v20+s14+$0x0], $0xffff;
	v15 =	vor.u32 v15, v34  }
0x365: {  	v29 =	vld.idx.msk [tilespmem:v29+s14+$0x0], $0xffff  }
0x366: {  	v31 =	vld.idx.msk [tilespmem:v31+s14+$0x0], $0xffff;
	s13 =	sadd.s32 $0x100, s15  }
0x367: {  	v35 =	vld [tilespmem:s13+$0xFFFFFFD0]  }
0x368: {  	v36 =	vld [tilespmem:s13+$0xFFFFFF50]  }
0x369: {  	v15 =	vld.idx.msk [tilespmem:v15+s14+$0x0], $0xffff  }
0x36a: {  	v59 =	vadd.s32 v0, v17;
	v58 =	vld [tilespmem:s13+$0xFFFFFF90]  }
0x36b: {  	v16 =	vmul.f32 v26, v16;
	[tilespmem:v27+s18+$0x0] =	vst.idx.msk $0xffff, v32;
	v37 =	vld [tilespmem:s13+$0xFFFFFF10];
	v38 =	vadd.s32 v0, v34  }
0x36c: {  	v62 =	vadd.s32 v0, v18;
	[tilespmem:v21+s18+$0x0] =	vst.idx.msk $0xffff, v33;
	v60 =	vmul.f32 v28, v11  }
0x36d: {  	v61 =	vadd.s32 v0, v12;
	[tilespmem:v19+s18+$0x0] =	vst.idx.msk $0xffff, v16;
	v36 =	vmul.f32 v36, v29  }
0x36e: {  	v39 =	vadd.s32 v1, v10;
	[tilespmem:v30+s18+$0x0] =	vst.idx.msk $0xffff, v60;
	v63 =	vmul.f32 v35, v15  }
0x36f: {  	v32 =	vld [tilespmem:s5+$0xFFFFFFC0];
	v26 =	vmul.f32 v58, v31;
	[tilespmem:v59+s18+$0x0] =	vst.idx.msk $0xffff, v36  }
0x370: {  	v41 =	vadd.s32 v1, v5;
	v40 =	vmul.f32 v37, v20;
	v44 =	vld [tilespmem:s13+$0xFFFFFF60];
	[tilespmem:v38+s18+$0x0] =	vst.idx.msk $0xffff, v63  }
0x371: {  	v14 =	vadd.s32 v3, v14;
	v23 =	vmul.f32 v23, v6;
	[tilespmem:v62+s18+$0x0] =	vst.idx.msk $0xffff, v26;
	v42 =	vld [tilespmem:s13+$0xFFFFFFE0]  }
0x372: {  	v49 =	vadd.s32 v1, v17;
	v43 =	vmul.f32 v22, v8;
	[tilespmem:v61+s18+$0x0] =	vst.idx.msk $0xffff, v40;
	v48 =	vld [tilespmem:s13+$0xFFFFFFA0]  }
0x373: {  	v46 =	vadd.s32 v1, v34;
	v47 =	vmul.f32 v25, v7;
	[tilespmem:v39+s18+$0x0] =	vst.idx.msk $0xffff, v23;
	v45 =	vld [tilespmem:s13+$0xFFFFFF20]  }
0x374: {  	v53 =	vadd.s32 v1, v18;
	[tilespmem:v24+s18+$0x0] =	vst.idx.msk $0xffff, v43;
	v13 =	vmul.f32 v32, v13;
	v52 =	vld [tilespmem:s15+$0xFFFFFF70]  }
0x375: {  	v51 =	vadd.s32 v1, v12;
	v50 =	vld [tilespmem:s15+$0xFFFFFFF0];
	[tilespmem:v41+s18+$0x0] =	vst.idx.msk $0xffff, v47;
	v57 =	vmul.f32 v44, v29  }
0x376: {  	v58 =	vadd.s32 v2, v10;
	[tilespmem:v14+s18+$0x0] =	vst.idx.msk $0xffff, v13;
	v59 =	vld [tilespmem:s15+$0xFFFFFFB0];
	v54 =	vmul.f32 v42, v15  }
0x377: {  	v56 =	vadd.s32 v2, v9;
	v55 =	vld [tilespmem:s15+$0xFFFFFF30];
	v61 =	vmul.f32 v48, v31;
	[tilespmem:v49+s18+$0x0] =	vst.idx.msk $0xffff, v57  }
0x378: {  	v33 =	vadd.s32 v2, v5;
	v27 =	vmul.f32 v45, v20;
	v35 =	vld [tilespmem:s13+$0xFFFFFF70];
	[tilespmem:v46+s18+$0x0] =	vst.idx.msk $0xffff, v54  }
0x379: {  	v60 =	vadd.s32 v2, v4;
	v36 =	vmul.f32 v52, v6;
	[tilespmem:v53+s18+$0x0] =	vst.idx.msk $0xffff, v61;
	v62 =	vld [tilespmem:s13+$0xFFFFFFF0]  }
0x37a: {  	v39 =	vadd.s32 v2, v17;
	v63 =	vmul.f32 v50, v11;
	[tilespmem:v51+s18+$0x0] =	vst.idx.msk $0xffff, v27;
	v40 =	vld [tilespmem:s13+$0xFFFFFFB0]  }
0x37b: {  	v37 =	vadd.s32 v2, v34;
	[tilespmem:v58+s18+$0x0] =	vst.idx.msk $0xffff, v36;
	v27 =	vld [tilespmem:s13+$0xFFFFFF30];
	v42 =	vmul.f32 v59, v7  }
0x37c: {  	v38 =	vmul.f32 v55, v8;
	v44 =	vld [tilespmem:s15+$0xFFFFFF80];
	[tilespmem:v56+s18+$0x0] =	vst.idx.msk $0xffff, v63;
	v46 =	vadd.s32 v2, v18  }
0x37d: {  	v43 =	vadd.s32 v2, v12;
	v41 =	vld [tilespmem:s15+$0x0];
	[tilespmem:v33+s18+$0x0] =	vst.idx.msk $0xffff, v42;
	v49 =	vmul.f32 v35, v29  }
0x37e: {  	v50 =	vadd.s32 v3, v10;
	[tilespmem:v60+s18+$0x0] =	vst.idx.msk $0xffff, v38;
	v51 =	vld [tilespmem:s15+$0xFFFFFFC0];
	v45 =	vmul.f32 v62, v15  }
0x37f: {  	v47 =	vadd.s32 v3, v9;
	v48 =	vld [tilespmem:s15+$0xFFFFFF40];
	v53 =	vmul.f32 v40, v31;
	[tilespmem:v39+s18+$0x0] =	vst.idx.msk $0xffff, v49  }
0x380: {  	v5 =	vadd.s32 v3, v5;
	v52 =	vmul.f32 v27, v20;
	v14 =	vld [tilespmem:s13+$0xFFFFFF80];
	[tilespmem:v37+s18+$0x0] =	vst.idx.msk $0xffff, v45  }
0x381: {  	v4 =	vadd.s32 v3, v4;
	v55 =	vmul.f32 v44, v6;
	[tilespmem:v46+s18+$0x0] =	vst.idx.msk $0xffff, v53;
	v19 =	vld [tilespmem:s13+$0x0]  }
0x382: {  	v59 =	vadd.s32 v3, v17;
	v54 =	vmul.f32 v41, v11;
	[tilespmem:v43+s18+$0x0] =	vst.idx.msk $0xffff, v52;
	v60 =	vld [tilespmem:s13+$0xFFFFFFC0]  }
0x383: {  	v56 =	vadd.s32 v3, v34;
	[tilespmem:v50+s18+$0x0] =	vst.idx.msk $0xffff, v55;
	v57 =	vld [tilespmem:s13+$0xFFFFFF40];
	v61 =	vmul.f32 v51, v7  }
0x384: {  	v63 =	vadd.s32 v3, v18;
	v58 =	vmul.f32 v48, v8;
	[tilespmem:v47+s18+$0x0] =	vst.idx.msk $0xffff, v54  }
0x385: {  	v62 =	vadd.s32 v3, v12;
	[tilespmem:v5+s18+$0x0] =	vst.idx.msk $0xffff, v61;
	v5 =	vmul.f32 v14, v29  }
0x386: {  	[tilespmem:v4+s18+$0x0] =	vst.idx.msk $0xffff, v58;
	v4 =	vmul.f32 v19, v15  }
0x387: {  	s13 =	sshll.u32 s10, $0x12;
	[tilespmem:v59+s18+$0x0] =	vst.idx.msk $0xffff, v5;
	v5 =	vmul.f32 v60, v31  }
0x388: {  	s5 =	sor.u32 s8, s13;
	[tilespmem:v56+s18+$0x0] =	vst.idx.msk $0xffff, v4;
	v4 =	vmul.f32 v57, v20  }
0x389: {  	s5 =	sshrl.u32 s5, $0x3;
	[tilespmem:v63+s18+$0x0] =	vst.idx.msk $0xffff, v5  }
0x38a: {  	s15 =	simm.s32 $0x15A80;
	s9 =	sadd.s32 s2, s5;
	[tilespmem:v62+s18+$0x0] =	vst.idx.msk $0xffff, v4  }
0x38b: {  	[hbm4b:s9+s3] =	stream.linear.scatter [tilespmem:s15], [sflag:$0xA], $0x80, $0x38;
	[tilespmem:$0x1BE80] =	vst v63  }
0x38c: {  	s19 =	simm.s32 $0x15B08;
	s20 =	sadd.s32 $0x10, s9  }
0x38d: {  	[hbm4b:s20+s3] =	stream.linear.scatter [tilespmem:s19], [sflag:$0xA], $0x80, $0x38;
	[tilespmem:$0x1BE80] =	vst v63  }
0x38e: {  	s21 =	simm.s32 $0x15B90;
	s6 =	simm.s32 $0x15C18;
	s23 =	sadd.s32 $0x20, s9  }
0x38f: {  	[hbm4b:s23+s3] =	stream.linear.scatter [tilespmem:s21], [sflag:$0xA], $0x80, $0x38;
	[tilespmem:$0x1BE80] =	vst v63  }
0x390: {  	s13 =	simm.s32 $0x15CA0;
	s5 =	simm.s32 $0x440;
	s10 =	sadd.s32 $0x30, s9  }
0x391: {  	[hbm4b:s10+s3] =	stream.linear.scatter [tilespmem:s6], [sflag:$0xA], $0x80, $0x38;
	[tilespmem:$0x1BE80] =	vst v63  }
0x392: {  	s15 =	sadd.s32 $0x40, s9;
	s19 =	simm.s32 $0x15D28;
	s20 =	sadd.s32 $0x50, s9  }
0x393: {  	[hbm4b:s15+s3] =	stream.linear.scatter [tilespmem:s13], [sflag:$0xA], $0x80, $0x38;
	[tilespmem:$0x1BE80] =	vst v63  }
0x394: {  	s21 =	simm.s32 $0x15DB0;
	s23 =	sadd.s32 $0x60, s9;
	s6 =	simm.s32 $0x2200  }
0x395: {  	[hbm4b:s20+s3] =	stream.linear.scatter [tilespmem:s19], [sflag:$0xA], $0x80, $0x38;
	[tilespmem:$0x1BE80] =	vst v63  }
0x396: {  	s10 =	sadd.s32 $0x1000, s9;
	s13 =	simm.s32 $0x15E38;
	s15 =	sadd.s32 $0x70, s9  }
0x397: {  	[hbm4b:s23+s3] =	stream.linear.scatter [tilespmem:s21], [sflag:$0xA], $0x80, $0x38;
	[tilespmem:$0x1BE80] =	vst v63  }
.LBB2_25:
0x398: {  	[hbm4b:s15+s3] =	stream.linear.scatter [tilespmem:s13], [sflag:$0xA], $0x80, $0x38;
	[tilespmem:$0x1BE80] =	vst v63  }
0x399: {  	s9 =	smov.u32 s5;
	s5 =	smov.u32 s6  }
0x39a: {  	s19 =	sadd.s32 $0x1100, s6;
	s5 =	sshra.s32 s5, $0x2;
	s13 =	sadd.s32 $0x15A80, s9  }
0x39b: {  	[hbm4b:s10+s3] =	stream.linear.scatter [tilespmem:s13], [sflag:$0xA], $0x80, $0x38;
	[tilespmem:$0x1BE80] =	vst v63  }
0x39c: {  	p1 =	sne.s32 s6, $0x7700;
	s6 =	sadd.s32 $0x15B08, s9;
	s13 =	sadd.s32 $0x10, s10  }
0x39d: {  	[hbm4b:s13+s3] =	stream.linear.scatter [tilespmem:s6], [sflag:$0xA], $0x80, $0x38;
	[tilespmem:$0x1BE80] =	vst v63  }
0x39e: {  	s6 =	sadd.s32 $0x15B90, s9;
	s13 =	sadd.s32 $0x20, s10  }
0x39f: {  	[hbm4b:s13+s3] =	stream.linear.scatter [tilespmem:s6], [sflag:$0xA], $0x80, $0x38;
	[tilespmem:$0x1BE80] =	vst v63  }
0x3a0: {  	s6 =	sadd.s32 $0x15C18, s9;
	s13 =	sadd.s32 $0x30, s10  }
0x3a1: {  	[hbm4b:s13+s3] =	stream.linear.scatter [tilespmem:s6], [sflag:$0xA], $0x80, $0x38;
	[tilespmem:$0x1BE80] =	vst v63  }
0x3a2: {  	s6 =	sadd.s32 $0x15CA0, s9;
	s13 =	sadd.s32 $0x40, s10  }
0x3a3: {  	[hbm4b:s13+s3] =	stream.linear.scatter [tilespmem:s6], [sflag:$0xA], $0x80, $0x38;
	[tilespmem:$0x1BE80] =	vst v63  }
.Ltmp13:
0x3a4: {  	s6 =	sadd.s32 $0x15D28, s9;
	s13 =	sadd.s32 $0x50, s10;
	(pc) =	sbr.rel @p1 .LBB2_25-.Ltmp13, $4  }
0x3a5: {  	[hbm4b:s13+s3] =	stream.linear.scatter [tilespmem:s6], [sflag:$0xA], $0x80, $0x38;
	[tilespmem:$0x1BE80] =	vst v63  }
0x3a6: {  	s15 =	sadd.s32 $0x70, s10;
	s6 =	sadd.s32 $0x15DB0, s9;
	s13 =	sadd.s32 $0x60, s10  }
0x3a7: {  	[hbm4b:s13+s3] =	stream.linear.scatter [tilespmem:s6], [sflag:$0xA], $0x80, $0x38;
	[tilespmem:$0x1BE80] =	vst v63  }
0x3a8: {  	s10 =	sadd.s32 $0x1000, s10;
	s13 =	sadd.s32 $0x15E38, s9;
	s6 =	smov.u32 s19  }
0x3a9: {  	[hbm4b:s15+s3] =	stream.linear.scatter [tilespmem:s13], [sflag:$0xA], $0x80, $0x38;
	[tilespmem:$0x1BE80] =	vst v63  }
0x3aa: {  	s6 =	sadd.s32 $0x15A80, s5  }
0x3ab: {  	[hbm4b:s10+s3] =	stream.linear.scatter [tilespmem:s6], [sflag:$0xA], $0x80, $0x38;
	[tilespmem:$0x1BE80] =	vst v63  }
0x3ac: {  	s23 =	sadd.s32 $0x15B08, s5;
	s9 =	sadd.s32 $0x10, s10  }
0x3ad: {  	[hbm4b:s9+s3] =	stream.linear.scatter [tilespmem:s23], [sflag:$0xA], $0x80, $0x38;
	[tilespmem:$0x1BE80] =	vst v63  }
0x3ae: {  	s13 =	sadd.s32 $0x15B90, s5;
	s15 =	sadd.s32 $0x20, s10  }
0x3af: {  	[hbm4b:s15+s3] =	stream.linear.scatter [tilespmem:s13], [sflag:$0xA], $0x80, $0x38;
	[tilespmem:$0x1BE80] =	vst v63  }
0x3b0: {  	s19 =	sadd.s32 $0x15C18, s5;
	s20 =	sadd.s32 $0x30, s10  }
0x3b1: {  	[hbm4b:s20+s3] =	stream.linear.scatter [tilespmem:s19], [sflag:$0xA], $0x80, $0x38;
	[tilespmem:$0x1BE80] =	vst v63  }
0x3b2: {  	s21 =	sadd.s32 $0x15CA0, s5;
	s23 =	sadd.s32 $0x40, s10  }
0x3b3: {  	[hbm4b:s23+s3] =	stream.linear.scatter [tilespmem:s21], [sflag:$0xA], $0x80, $0x38;
	[tilespmem:$0x1BE80] =	vst v63  }
0x3b4: {  	s13 =	sadd.s32 $0x15D28, s5;
	s15 =	sadd.s32 $0x50, s10  }
0x3b5: {  	[hbm4b:s15+s3] =	stream.linear.scatter [tilespmem:s13], [sflag:$0xA], $0x80, $0x38;
	[tilespmem:$0x1BE80] =	vst v63  }
.Ltmp14:
0x3b6: {  	_ = 	snop;
	(pc) =	sbr.rel @p0 .LBB2_28-.Ltmp14, $4  }
0x3b7: {  	s19 =	sadd.s32 $0x15DB0, s5;
	s20 =	sadd.s32 $0x60, s10  }
0x3b8: {  	[hbm4b:s20+s3] =	stream.linear.scatter [tilespmem:s19], [sflag:$0xA], $0x80, $0x38;
	[tilespmem:$0x1BE80] =	vst v63  }
0x3b9: {  	s21 =	sadd.s32 $0x15E38, s5;
	s23 =	sadd.s32 $0x70, s10  }
0x3ba: {  	[hbm4b:s23+s3] =	stream.linear.scatter [tilespmem:s21], [sflag:$0xA], $0x80, $0x38;
	[tilespmem:$0x1BE80] =	vst v63  }
0x3bb: {  	s5 =	smul.u32 $0xA00, s7  }
.Ltmp15:
0x3bc: {  	_ = 	snop;
	(pc) =	sbr.rel .LBB2_6-.Ltmp15, $4  }
0x3bd: {  	_ =	swait.ge [sflag:s12], $0x2000  }
0x3be: {  	[sflag:s12] =	ssyncset.done $0x0;
	s5 =	sshra.s32 s5, $0x2  }
0x3bf: {  	s7 =	sadd.s32 $0x1, s7;
	[sflag:s12] =	ssyncadd.s32 $0xFFFFE000;
	s5 =	sadd.s32 $0x400, s5  }
0x3c0: {  	[tilespmem:s22], [sflag:$0x4] =	stream.indirect.gather [hbm4b:s4+s11], $0x40, s5, s11, $0xb8;
	[tilespmem:$0x1BE80] =	vst v63  }
.LBB2_29:
0x3c1: {  	_ =	sfence.sel $0x180000  }
0x3c2: {  	[bflag:$0x0] =	sbarrier.arrive $0xFFFF  }
0x3c3: {  	_ =	strace $0x90000047  }
0x3c4: {  	s0 =	stileid.u32;
	[bflag:$0x2] =	sbarrier.arrive $0xFFFF  }
0x3c5: {  	p0 =	sne.s32 s0, $0x0;
	s0 =	rddreg [dreg:$0x4]  }
0x3c6: {  	s0 =	sadd.s32 @!p0 $0x100000, s0  }
0x3c7: {  	[sflag:s0] =	ssyncadd.tile.s32 @!p0 $0x1;
	_ =	shalt  }
.Lfunc_end2:
_tile_overlayer_lowered:
.L_overlay_start_2:
0x3c8: {  	(tag) =	ssettag $0x2  }
0x3c9: {  	s0 =	rddreg [dreg:$0x0];
	s2 =	stileid.u32  }
0x3ca: {  	s1 =	rddreg [dreg:$0x1];
	p0 =	sne.s32 s2, $0x0  }
0x3cb: {  	s3 =	rddreg [dreg:$0x2];
	[bflag:$0x3] =	sbarrier.arrive $0xFFFF;
	s2 =	simm.s32 @!p0 $0x1C0D  }
0x3cc: {  	[timem:s3], [sflag:s2] =	dma.local @!p0 [hbm:s0], s1  }
0x3cd: {  	s0 =	simm.s32 @!p0 $0xD  }
0x3ce: {  	_ =	swait.ge @!p0 [sflag:s0], s1  }
0x3cf: {  	s1 =	ssub.s32 @!p0 $0x0, s1;
	[sflag:s0] =	ssyncset.done @!p0 $0x0  }
0x3d0: {  	[sflag:s0] =	ssyncadd.s32 @!p0 s1  }
0x3d1: {  	[bflag:$0x3] =	sbarrier.arrive $0xFFFF  }
0x3d2: {  	_ =	shalt  }

</sc_bundles>
